<compile_context>
chip_gen: v7x
topology: tpu7x:2x2x1
jax: 0.10.2.dev20260603
libtpu: 0.0.44.dev20260713+nightly
codegen_flags: <defaults>
</compile_context>

<pallas_src>
import functools

import jax
import jax.numpy as jnp
from jax import lax
from jax.experimental import pallas as pl
from jax.experimental.pallas import tpu as pltpu
from jax.experimental.pallas import tpu_sc as plsc

N = 10000
E = 160000
DF = 256
DC = 128
DH = 64

NC, NS = 2, 16
CHUNK = 125
ROWS = E // CHUNK
ROWS_L1 = ROWS // NS
ROWS_L2 = ROWS // (NC * NS)
PH = 2
PHROWS = ROWS_L1 // PH
WB = 80
NCH = N // WB
KWB = -(-NCH // NS)



def _lin1_body(x_ref, wrel_ref, wroot_ref, b_ref, ya_ref, yb_ref, za_ref, zb_ref):
    xb = x_ref[...]
    dn = (((1,), (1,)), ((), ()))
    y = lax.dot_general(xb, wrel_ref[...], dn, preferred_element_type=jnp.float32)
    z = lax.dot_general(xb, wroot_ref[...], dn, preferred_element_type=jnp.float32)
    z = z + b_ref[...]
    ya_ref[...] = y[:, :DC]
    yb_ref[...] = y[:, DC:]
    za_ref[...] = z[:, :DC]
    zb_ref[...] = z[:, DC:]


def _lin2_body(ga_ref, gb_ref, wrel_ref, wroot_ref, b_ref, y_ref, z_ref):
    h = jnp.maximum(jnp.concatenate([ga_ref[...], gb_ref[...]], axis=1), 0.0)
    dn = (((1,), (1,)), ((), ()))
    y_ref[...] = lax.dot_general(h, wrel_ref[...], dn,
                                 preferred_element_type=jnp.float32)
    z = lax.dot_general(h, wroot_ref[...], dn, preferred_element_type=jnp.float32)
    z_ref[...] = (z + b_ref[...]) * 0.5


_BR = 5000


def _linear1(x, wrel, wroot, b):
    return pl.pallas_call(
        _lin1_body,
        grid=(N // _BR,),
        in_specs=[
            pl.BlockSpec((_BR, DF), lambda i: (i, 0)),
            pl.BlockSpec((DF, DF), lambda i: (0, 0)),
            pl.BlockSpec((DF, DF), lambda i: (0, 0)),
            pl.BlockSpec((1, DF), lambda i: (0, 0)),
        ],
        out_specs=[pl.BlockSpec((_BR, DC), lambda i: (i, 0))] * 4,
        out_shape=[jax.ShapeDtypeStruct((N, DC), jnp.float32)] * 4,
    )(x, wrel, wroot, b)


def _linear2(ga, gb, wrel, wroot, b):
    return pl.pallas_call(
        _lin2_body,
        grid=(N // _BR,),
        in_specs=[
            pl.BlockSpec((_BR, DC), lambda i: (i, 0)),
            pl.BlockSpec((_BR, DC), lambda i: (i, 0)),
            pl.BlockSpec((DC, DF), lambda i: (0, 0)),
            pl.BlockSpec((DC, DF), lambda i: (0, 0)),
            pl.BlockSpec((1, DC), lambda i: (0, 0)),
        ],
        out_specs=[pl.BlockSpec((_BR, DC), lambda i: (i, 0))] * 2,
        out_shape=[jax.ShapeDtypeStruct((N, DC), jnp.float32)] * 2,
    )(ga, gb, wrel, wroot, b)


def _comb_body(a_ref, b_ref, o_ref):
    o_ref[...] = a_ref[...] + b_ref[...]


def _combine(pa, pb):
    return pl.pallas_call(
        _comb_body,
        grid=(N // _BR,),
        in_specs=[pl.BlockSpec((_BR, DC), lambda i: (i, 0))] * 2,
        out_specs=pl.BlockSpec((_BR, DC), lambda i: (i, 0)),
        out_shape=jax.ShapeDtypeStruct((N, DC), jnp.float32),
    )(pa, pb)



@functools.cache
def _mesh():
    return plsc.VectorSubcoreMesh(
        core_axis_name="c", subcore_axis_name="s", num_cores=NC, num_subcores=NS)


def _init_acc(s, z_hbm, acc, sem):
    def body(k, _):
        ci = k * NS + s
        @pl.when(ci < NCH)
        def _():
            r0 = ci * WB
            pltpu.async_copy(z_hbm.at[pl.ds(r0, WB)], acc.at[pl.ds(r0, WB)], sem)
        return 0
    lax.fori_loop(0, KWB, body, 0)
    def drain(k, _):
        ci = k * NS + s
        @pl.when(ci < NCH)
        def _():
            pltpu.make_async_copy(z_hbm.at[pl.ds(0, WB)], acc.at[pl.ds(0, WB)], sem).wait()
        return 0
    lax.fori_loop(0, KWB, drain, 0)


def _writeback(s, acc, out_hbm, sem):
    def body(k, _):
        ci = k * NS + s
        @pl.when(ci < NCH)
        def _():
            r0 = ci * WB
            pltpu.async_copy(acc.at[pl.ds(r0, WB)], out_hbm.at[pl.ds(r0, WB)], sem)
        return 0
    lax.fori_loop(0, KWB, body, 0)
    def drain(k, _):
        ci = k * NS + s
        @pl.when(ci < NCH)
        def _():
            pltpu.make_async_copy(acc.at[pl.ds(0, WB)], out_hbm.at[pl.ds(0, WB)], sem).wait()
        return 0
    lax.fori_loop(0, KWB, drain, 0)


def _edge_loop(n_rows, y_hbm, src_v, dst_v, acc, b0, b1, gs0, gs1, ss0, ss1):
    def gather(i, buf, sem):
        pltpu.async_copy(y_hbm.at[src_v.at[i]], buf, sem)

    def scat(i, buf, sem):
        pltpu.async_copy(buf, acc.at[dst_v.at[i]], sem, add=True)

    def wait_g(buf, sem):
        pltpu.make_async_copy(y_hbm.at[src_v.at[0]], buf, sem).wait()

    def wait_s(buf, sem):
        pltpu.make_async_copy(buf, acc.at[dst_v.at[0]], sem).wait()

    gather(0, b0, gs0)

    def body(k, _):
        i0 = 2 * k
        pl.when(k > 0)(lambda: wait_s(b1, ss1))
        gather(i0 + 1, b1, gs1)
        wait_g(b0, gs0)
        scat(i0, b0, ss0)

        @pl.when(i0 + 2 < n_rows)
        def _():
            wait_s(b0, ss0)
            gather(i0 + 2, b0, gs0)

        wait_g(b1, gs1)
        scat(i0 + 1, b1, ss1)
        return 0

    lax.fori_loop(0, n_rows // 2, body, 0)
    wait_s(b0, ss0)
    wait_s(b1, ss1)


@functools.cache
def _sc_layer1():
    @functools.partial(
        pl.kernel,
        out_type=(jax.ShapeDtypeStruct((N, DC), jnp.float32),) * 2,
        mesh=_mesh(),
        scratch_types=[
            pltpu.VMEM((PHROWS, CHUNK), jnp.int32),
            pltpu.VMEM((PHROWS, CHUNK), jnp.int32),
            pltpu.VMEM((CHUNK, DC), jnp.float32),
            pltpu.VMEM((CHUNK, DC), jnp.float32),
            pltpu.VMEM_SHARED((N, DC), jnp.float32),
            pltpu.SemaphoreType.DMA, pltpu.SemaphoreType.DMA,
            pltpu.SemaphoreType.DMA, pltpu.SemaphoreType.DMA,
        ],
    )
    def sc1(src_hbm, dst_hbm, ya_hbm, yb_hbm, za_hbm, zb_hbm,
            ga_hbm, gb_hbm, src_v, dst_v, b0, b1, acc, gs0, gs1, ss0, ss1):
        c = lax.axis_index("c")
        s = lax.axis_index("s")

        def run(y_hbm, z_hbm, out_hbm):
            _init_acc(s, z_hbm, acc, gs0)
            plsc.subcore_barrier()
            for p in range(PH):
                r0 = s * ROWS_L1 + p * PHROWS
                pltpu.sync_copy(src_hbm.at[pl.ds(r0, PHROWS)], src_v)
                pltpu.sync_copy(dst_hbm.at[pl.ds(r0, PHROWS)], dst_v)
                _edge_loop(PHROWS, y_hbm, src_v, dst_v, acc, b0, b1, gs0, gs1, ss0, ss1)
            plsc.subcore_barrier()
            _writeback(s, acc, out_hbm, gs0)

        pl.when(c == 0)(lambda: run(ya_hbm, za_hbm, ga_hbm))
        pl.when(c == 1)(lambda: run(yb_hbm, zb_hbm, gb_hbm))

    return sc1


@functools.cache
def _sc_layer2():
    @functools.partial(
        pl.kernel,
        out_type=(jax.ShapeDtypeStruct((N, DC), jnp.float32),) * 2,
        mesh=_mesh(),
        scratch_types=[
            pltpu.VMEM((ROWS_L2, CHUNK), jnp.int32),
            pltpu.VMEM((ROWS_L2, CHUNK), jnp.int32),
            pltpu.VMEM((CHUNK, DC), jnp.float32),
            pltpu.VMEM((CHUNK, DC), jnp.float32),
            pltpu.VMEM_SHARED((N, DC), jnp.float32),
            pltpu.SemaphoreType.DMA, pltpu.SemaphoreType.DMA,
            pltpu.SemaphoreType.DMA, pltpu.SemaphoreType.DMA,
        ],
    )
    def sc2(src_hbm, dst_hbm, y_hbm, z_hbm,
            oa_hbm, ob_hbm, src_v, dst_v, b0, b1, acc, gs0, gs1, ss0, ss1):
        c = lax.axis_index("c")
        s = lax.axis_index("s")
        r0 = (c * NS + s) * ROWS_L2
        pltpu.sync_copy(src_hbm.at[pl.ds(r0, ROWS_L2)], src_v)
        pltpu.sync_copy(dst_hbm.at[pl.ds(r0, ROWS_L2)], dst_v)
        _init_acc(s, z_hbm, acc, gs0)
        plsc.subcore_barrier()
        _edge_loop(ROWS_L2, y_hbm, src_v, dst_v, acc, b0, b1, gs0, gs1, ss0, ss1)
        plsc.subcore_barrier()
        pl.when(c == 0)(lambda: _writeback(s, acc, oa_hbm, gs0))
        pl.when(c == 1)(lambda: _writeback(s, acc, ob_hbm, gs0))

    return sc2



def kernel(edge_index, x, W1_rel, W1_root, b1, W2_rel, W2_root, b2):
    src2d = edge_index[0].reshape(ROWS, CHUNK)
    dst2d = edge_index[1].reshape(ROWS, CHUNK)
    y1a, y1b, z1a, z1b = _linear1(x, W1_rel, W1_root, b1.reshape(1, -1))
    g1a, g1b = _sc_layer1()(src2d, dst2d, y1a, y1b, z1a, z1b)
    y2, z2h = _linear2(g1a, g1b, W2_rel, W2_root, b2.reshape(1, -1))
    pa, pb = _sc_layer2()(src2d, dst2d, y2, z2h)
    return _combine(pa, pb)

# --- scband reference (transcript-rebuilt; emitter-appended) ---
"""Pipeline reference for scband-gcn-33371895890710 (READ-ONLY COPY).

The authoritative reference and input builder live on the scoring server;
editing this copy changes nothing except your own understanding.
"""

import jax, jax.numpy as jnp
import numpy as np

N_NODES = 10000
N_EDGES = 160000
NFEAT = 256
NHID = 256
NCLASS = 128


def graph_conv(x, src, dst, W_rel, W_root, b):
    # PyG GraphConv: out_i = W_root @ x_i + W_rel @ sum_{j in N(i)} x_j + b
    msgs = x[src]
    agg = jax.ops.segment_sum(msgs, dst, num_segments=x.shape[0])
    return agg @ W_rel.T + x @ W_root.T + b


def setup_inputs(seed: int = 0) -> dict:
    key = jax.random.key(seed)
    k1, k2, k3, k4, k5, k6, k7, k8 = jax.random.split(key, 8)
    edge_index = jax.random.randint(k1, (2, N_EDGES), 0, N_NODES, dtype=jnp.int64 if jax.config.jax_enable_x64 else jnp.int32).astype(jnp.int32)
    x = jax.random.normal(k2, (N_NODES, NFEAT), dtype=jnp.float32)
    s1 = 1.0 / np.sqrt(NFEAT)
    s2 = 1.0 / np.sqrt(NHID)
    W1_rel = jax.random.uniform(k3, (NHID, NFEAT), dtype=jnp.float32, minval=-s1, maxval=s1)
    W1_root = jax.random.uniform(k4, (NHID, NFEAT), dtype=jnp.float32, minval=-s1, maxval=s1)
    b1 = jax.random.uniform(k5, (NHID,), dtype=jnp.float32, minval=-s1, maxval=s1)
    W2_rel = jax.random.uniform(k6, (NCLASS, NHID), dtype=jnp.float32, minval=-s2, maxval=s2)
    W2_root = jax.random.uniform(k7, (NCLASS, NHID), dtype=jnp.float32, minval=-s2, maxval=s2)
    b2 = jax.random.uniform(k8, (NCLASS,), dtype=jnp.float32, minval=-s2, maxval=s2)
    return {"edge_index": edge_index, "x": x, "W1_rel": W1_rel, "W1_root": W1_root, "b1": b1, "W2_rel": W2_rel, "W2_root": W2_root, "b2": b2}


def reference(edge_index, x, W1_rel, W1_root, b1, W2_rel, W2_root, b2):
    src = edge_index[0]
    dst = edge_index[1]
    h = jax.nn.relu(graph_conv(x, src, dst, W1_rel, W1_root, b1))
    # dropout p=0.5 is identity in eval mode (train=False)
    out = graph_conv(h, src, dst, W2_rel, W2_root, b2)
    return out

if __name__ == "__main__":
    import jax
    _d = setup_inputs()
    print(jax.jit(kernel)(*tuple(_d.values())))

</pallas_src>

<mosaic_0001>
#map = affine_map<(d0, d1) -> (0, 0)>
module attributes {stable_mosaic.version = 14 : i64} {
  func.func @sc1(%arg0: i32, %arg1: i32, %arg2: memref<1280x125xi32, #tpu.memory_space<hbm>>, %arg3: memref<1280x125xi32, #tpu.memory_space<hbm>>, %arg4: memref<10000x128xf32, #tpu.memory_space<hbm>>, %arg5: memref<10000x128xf32, #tpu.memory_space<hbm>>, %arg6: memref<10000x128xf32, #tpu.memory_space<hbm>>, %arg7: memref<10000x128xf32, #tpu.memory_space<hbm>>, %arg8: memref<10000x128xf32, #tpu.memory_space<hbm>>, %arg9: memref<10000x128xf32, #tpu.memory_space<hbm>>, %arg10: memref<40x125xi32, #tpu.memory_space<vmem>>, %arg11: memref<40x125xi32, #tpu.memory_space<vmem>>, %arg12: memref<125x128xf32, #tpu.memory_space<vmem>>, %arg13: memref<125x128xf32, #tpu.memory_space<vmem>>, %arg14: memref<10000x128xf32, #tpu.memory_space<vmem_shared>>, %arg15: memref<!tpu.dma_semaphore, #tpu.memory_space<semaphore_mem>>, %arg16: memref<!tpu.dma_semaphore, #tpu.memory_space<semaphore_mem>>, %arg17: memref<!tpu.dma_semaphore, #tpu.memory_space<semaphore_mem>>, %arg18: memref<!tpu.dma_semaphore, #tpu.memory_space<semaphore_mem>>) attributes {dimension_semantics = [#tpu.dimension_semantics<core_parallel>, #tpu.dimension_semantics<subcore_parallel>], iteration_bounds = array<i64: 2, 16>, scalar_prefetch = 0 : i64, scratch_operands = 9 : i64, tpu.core_type = #tpu.core_type<sc_vector_subcore>, window_params = [{transform_indices = #map}, {transform_indices = #map}, {transform_indices = #map}, {transform_indices = #map}, {transform_indices = #map}, {transform_indices = #map}, {transform_indices = #map}, {transform_indices = #map}]} {
    %eq3A = arith.constant 0 : i32
    %eq3A_0 = arith.cmpi eq, %arg0, %eq3A : i32
    %convert_element_type3A = arith.extui %eq3A_0 : i1 to i32
    %cond3A = arith.constant 0 : i32
    %cond3A_1 = arith.cmpi ne, %convert_element_type3A, %cond3A : i32
    scf.if %cond3A_1 {
      %scan3A = arith.constant 0 : i32
      %scan3A_7 = arith.constant 0 : i32
      %scan3A_8 = arith.constant 8 : i32
      %scan3A_9 = arith.addi %scan3A_7, %scan3A_8 : i32
      %scan3A_10 = arith.constant 1 : i32
      %scan3A_11 = scf.for %scan3A_95 = %scan3A_7 to %scan3A_9 step %scan3A_10 iter_args(%scan3A_96 = %scan3A) -> (i32)  : i32 {
        %mul3A_97 = arith.constant 16 : i32
        %mul3A_98 = arith.muli %scan3A_95, %mul3A_97 : i32
        %add3A_99 = arith.addi %mul3A_98, %arg1 : i32
        %lt3A = arith.constant 125 : i32
        %lt3A_100 = arith.cmpi slt, %add3A_99, %lt3A : i32
        %convert_element_type3A_101 = arith.extui %lt3A_100 : i1 to i32
        %cond3A_102 = arith.constant 0 : i32
        %cond3A_103 = arith.cmpi ne, %convert_element_type3A_101, %cond3A_102 : i32
        scf.if %cond3A_103 {
          %mul3A_105 = arith.constant 80 : i32
          %mul3A_106 = arith.muli %add3A_99, %mul3A_105 : i32
          %dma_start3A_107 = arith.constant 0 : i32
          %dma_start3A_108 = tpu.memref_slice %arg14[%mul3A_106, %dma_start3A_107] : memref<10000x128xf32, #tpu.memory_space<vmem_shared>> -> memref<80x128xf32, #tpu.memory_space<vmem_shared>>
          %dma_start3A_109 = arith.constant 0 : i32
          %dma_start3A_110 = tpu.memref_slice %arg6[%mul3A_106, %dma_start3A_109] : memref<10000x128xf32, #tpu.memory_space<hbm>> -> memref<80x128xf32, #tpu.memory_space<hbm>>
          tpu.enqueue_dma source(%dma_start3A_110 : memref<80x128xf32, #tpu.memory_space<hbm>>) target(%dma_start3A_108 : memref<80x128xf32, #tpu.memory_space<vmem_shared>>) target_semaphore(%arg15 : memref<!tpu.dma_semaphore, #tpu.memory_space<semaphore_mem>>)
        } else {
        }
        %scan3A_104 = arith.constant 0 : i32
        scf.yield %scan3A_104 : i32
      }
      %scan3A_12 = arith.constant 8 : i32
      %scan3A_13 = arith.constant 0 : i32
      %scan3A_14 = arith.constant 0 : i32
      %scan3A_15 = arith.constant 8 : i32
      %scan3A_16 = arith.addi %scan3A_14, %scan3A_15 : i32
      %scan3A_17 = arith.constant 1 : i32
      %scan3A_18 = scf.for %scan3A_95 = %scan3A_14 to %scan3A_16 step %scan3A_17 iter_args(%scan3A_96 = %scan3A_13) -> (i32)  : i32 {
        %mul3A_97 = arith.constant 16 : i32
        %mul3A_98 = arith.muli %scan3A_95, %mul3A_97 : i32
        %add3A_99 = arith.addi %mul3A_98, %arg1 : i32
        %lt3A = arith.constant 125 : i32
        %lt3A_100 = arith.cmpi slt, %add3A_99, %lt3A : i32
        %convert_element_type3A_101 = arith.extui %lt3A_100 : i1 to i32
        %cond3A_102 = arith.constant 0 : i32
        %cond3A_103 = arith.cmpi ne, %convert_element_type3A_101, %cond3A_102 : i32
        scf.if %cond3A_103 {
          %dma_wait3A_105 = arith.constant 0 : i32
          %dma_wait3A_106 = arith.constant 0 : i32
          %dma_wait3A_107 = tpu.memref_slice %arg14[%dma_wait3A_105, %dma_wait3A_106] : memref<10000x128xf32, #tpu.memory_space<vmem_shared>> -> memref<80x128xf32, #tpu.memory_space<vmem_shared>>
          %dma_wait3A_108 = arith.constant 0 : i32
          %dma_wait3A_109 = arith.constant 0 : i32
          %dma_wait3A_110 = tpu.memref_slice %arg6[%dma_wait3A_108, %dma_wait3A_109] : memref<10000x128xf32, #tpu.memory_space<hbm>> -> memref<80x128xf32, #tpu.memory_space<hbm>>
          tpu.wait_dma2 semaphore(%arg15 : memref<!tpu.dma_semaphore, #tpu.memory_space<semaphore_mem>>) src(%dma_wait3A_110 : memref<80x128xf32, #tpu.memory_space<hbm>>) dst(%dma_wait3A_107 : memref<80x128xf32, #tpu.memory_space<vmem_shared>>)
        } else {
        }
        %scan3A_104 = arith.constant 0 : i32
        scf.yield %scan3A_104 : i32
      }
      %scan3A_19 = arith.constant 8 : i32
      %barrier3A = arith.constant 0 : index
      tpu.barrier barrier_id(%barrier3A)
      %mul3A = arith.constant 80 : i32
      %mul3A_20 = arith.muli %arg1, %mul3A : i32
      %add3A = arith.constant 0 : i32
      %add3A_21 = arith.addi %mul3A_20, %add3A : i32
      "tpu.region"() ({
        %run_scoped3A = tpu.sem_alloc : memref<!tpu.dma_semaphore, #tpu.memory_space<semaphore_mem>>
        %dma_start3A_95 = arith.constant 0 : i32
        %dma_start3A_96 = tpu.memref_slice %arg2[%add3A_21, %dma_start3A_95] : memref<1280x125xi32, #tpu.memory_space<hbm>> -> memref<40x125xi32, #tpu.memory_space<hbm>>
        %dma_start3A_97 = arith.constant 0 : i32
        %dma_start3A_98 = tpu.memref_slice %arg2[%add3A_21, %dma_start3A_97] : memref<1280x125xi32, #tpu.memory_space<hbm>> -> memref<40x125xi32, #tpu.memory_space<hbm>>
        tpu.enqueue_dma source(%dma_start3A_98 : memref<40x125xi32, #tpu.memory_space<hbm>>) target(%arg10 : memref<40x125xi32, #tpu.memory_space<vmem>>) target_semaphore(%run_scoped3A : memref<!tpu.dma_semaphore, #tpu.memory_space<semaphore_mem>>)
        %dma_wait3A_99 = arith.constant 0 : i32
        %dma_wait3A_100 = tpu.memref_slice %arg2[%add3A_21, %dma_wait3A_99] : memref<1280x125xi32, #tpu.memory_space<hbm>> -> memref<40x125xi32, #tpu.memory_space<hbm>>
        %dma_wait3A_101 = arith.constant 0 : i32
        %dma_wait3A_102 = tpu.memref_slice %arg2[%add3A_21, %dma_wait3A_101] : memref<1280x125xi32, #tpu.memory_space<hbm>> -> memref<40x125xi32, #tpu.memory_space<hbm>>
        tpu.wait_dma2 semaphore(%run_scoped3A : memref<!tpu.dma_semaphore, #tpu.memory_space<semaphore_mem>>) src(%dma_wait3A_102 : memref<40x125xi32, #tpu.memory_space<hbm>>) dst(%arg10 : memref<40x125xi32, #tpu.memory_space<vmem>>)
        tpu.yield
      }) : () -> ()
      "tpu.region"() ({
        %run_scoped3A = tpu.sem_alloc : memref<!tpu.dma_semaphore, #tpu.memory_space<semaphore_mem>>
        %dma_start3A_95 = arith.constant 0 : i32
        %dma_start3A_96 = tpu.memref_slice %arg3[%add3A_21, %dma_start3A_95] : memref<1280x125xi32, #tpu.memory_space<hbm>> -> memref<40x125xi32, #tpu.memory_space<hbm>>
        %dma_start3A_97 = arith.constant 0 : i32
        %dma_start3A_98 = tpu.memref_slice %arg3[%add3A_21, %dma_start3A_97] : memref<1280x125xi32, #tpu.memory_space<hbm>> -> memref<40x125xi32, #tpu.memory_space<hbm>>
        tpu.enqueue_dma source(%dma_start3A_98 : memref<40x125xi32, #tpu.memory_space<hbm>>) target(%arg11 : memref<40x125xi32, #tpu.memory_space<vmem>>) target_semaphore(%run_scoped3A : memref<!tpu.dma_semaphore, #tpu.memory_space<semaphore_mem>>)
        %dma_wait3A_99 = arith.constant 0 : i32
        %dma_wait3A_100 = tpu.memref_slice %arg3[%add3A_21, %dma_wait3A_99] : memref<1280x125xi32, #tpu.memory_space<hbm>> -> memref<40x125xi32, #tpu.memory_space<hbm>>
        %dma_wait3A_101 = arith.constant 0 : i32
        %dma_wait3A_102 = tpu.memref_slice %arg3[%add3A_21, %dma_wait3A_101] : memref<1280x125xi32, #tpu.memory_space<hbm>> -> memref<40x125xi32, #tpu.memory_space<hbm>>
        tpu.wait_dma2 semaphore(%run_scoped3A : memref<!tpu.dma_semaphore, #tpu.memory_space<semaphore_mem>>) src(%dma_wait3A_102 : memref<40x125xi32, #tpu.memory_space<hbm>>) dst(%arg11 : memref<40x125xi32, #tpu.memory_space<vmem>>)
        tpu.yield
      }) : () -> ()
      %dma_start3A = arith.constant 0 : i32
      %dma_start3A_22 = arith.constant 0 : i32
      %dma_start3A_23 = tpu.memref_slice %arg10[%dma_start3A, %dma_start3A_22] : memref<40x125xi32, #tpu.memory_space<vmem>> -> memref<1x125xi32, #tpu.memory_space<vmem>>
      %dma_start3A_24 = tpu.memref_squeeze %dma_start3A_23 : memref<1x125xi32, #tpu.memory_space<vmem>> -> memref<125xi32, #tpu.memory_space<vmem>>
      %dma_start3A_25 = arith.constant 0 : i32
      %dma_start3A_26 = arith.constant 0 : i32
      %dma_start3A_27 = tpu.memref_slice %arg4[%dma_start3A_25, %dma_start3A_26] : memref<10000x128xf32, #tpu.memory_space<hbm>> -> memref<10000x128xf32, #tpu.memory_space<hbm>>
      tpu.enqueue_indirect_dma source(%dma_start3A_27 : memref<10000x128xf32, #tpu.memory_space<hbm>>) target(%arg12 : memref<125x128xf32, #tpu.memory_space<vmem>>) offsets(%dma_start3A_24 : memref<125xi32, #tpu.memory_space<vmem>>) semaphore(%arg15 : memref<!tpu.dma_semaphore, #tpu.memory_space<semaphore_mem>>)
      %scan3A_28 = arith.constant 0 : i32
      %scan3A_29 = arith.constant 0 : i32
      %scan3A_30 = arith.constant 20 : i32
      %scan3A_31 = arith.addi %scan3A_29, %scan3A_30 : i32
      %scan3A_32 = arith.constant 1 : i32
      %scan3A_33 = scf.for %scan3A_95 = %scan3A_29 to %scan3A_31 step %scan3A_32 iter_args(%scan3A_96 = %scan3A_28) -> (i32)  : i32 {
        %mul3A_97 = arith.constant 2 : i32
        %mul3A_98 = arith.muli %mul3A_97, %scan3A_95 : i32
        %gt3A = arith.constant 0 : i32
        %gt3A_99 = arith.cmpi sgt, %scan3A_95, %gt3A : i32
        %convert_element_type3A_100 = arith.extui %gt3A_99 : i1 to i32
        %cond3A_101 = arith.constant 0 : i32
        %cond3A_102 = arith.cmpi ne, %convert_element_type3A_100, %cond3A_101 : i32
        scf.if %cond3A_102 {
          %dma_wait3A_146 = arith.constant 0 : i32
          %dma_wait3A_147 = arith.constant 0 : i32
          %dma_wait3A_148 = tpu.memref_slice %arg11[%dma_wait3A_146, %dma_wait3A_147] : memref<40x125xi32, #tpu.memory_space<vmem>> -> memref<1x125xi32, #tpu.memory_space<vmem>>
          %dma_wait3A_149 = tpu.memref_squeeze %dma_wait3A_148 : memref<1x125xi32, #tpu.memory_space<vmem>> -> memref<125xi32, #tpu.memory_space<vmem>>
          %dma_wait3A_150 = arith.constant 0 : i32
          %dma_wait3A_151 = arith.constant 0 : i32
          %dma_wait3A_152 = tpu.memref_slice %arg14[%dma_wait3A_150, %dma_wait3A_151] : memref<10000x128xf32, #tpu.memory_space<vmem_shared>> -> memref<10000x128xf32, #tpu.memory_space<vmem_shared>>
          tpu.wait_indirect_dma semaphore(%arg18 : memref<!tpu.dma_semaphore, #tpu.memory_space<semaphore_mem>>) src(%arg13 : memref<125x128xf32, #tpu.memory_space<vmem>>) dst(%dma_wait3A_152 : memref<10000x128xf32, #tpu.memory_space<vmem_shared>>)
        } else {
        }
        %add3A_103 = arith.constant 1 : i32
        %add3A_104 = arith.addi %mul3A_98, %add3A_103 : i32
        %dma_start3A_105 = arith.constant 0 : i32
        %dma_start3A_106 = tpu.memref_slice %arg10[%add3A_104, %dma_start3A_105] : memref<40x125xi32, #tpu.memory_space<vmem>> -> memref<1x125xi32, #tpu.memory_space<vmem>>
        %dma_start3A_107 = tpu.memref_squeeze %dma_start3A_106 : memref<1x125xi32, #tpu.memory_space<vmem>> -> memref<125xi32, #tpu.memory_space<vmem>>
        %dma_start3A_108 = arith.constant 0 : i32
        %dma_start3A_109 = arith.constant 0 : i32
        %dma_start3A_110 = tpu.memref_slice %arg4[%dma_start3A_108, %dma_start3A_109] : memref<10000x128xf32, #tpu.memory_space<hbm>> -> memref<10000x128xf32, #tpu.memory_space<hbm>>
        tpu.enqueue_indirect_dma source(%dma_start3A_110 : memref<10000x128xf32, #tpu.memory_space<hbm>>) target(%arg13 : memref<125x128xf32, #tpu.memory_space<vmem>>) offsets(%dma_start3A_107 : memref<125xi32, #tpu.memory_space<vmem>>) semaphore(%arg16 : memref<!tpu.dma_semaphore, #tpu.memory_space<semaphore_mem>>)
        %dma_wait3A_111 = arith.constant 0 : i32
        %dma_wait3A_112 = arith.constant 0 : i32
        %dma_wait3A_113 = tpu.memref_slice %arg10[%dma_wait3A_111, %dma_wait3A_112] : memref<40x125xi32, #tpu.memory_space<vmem>> -> memref<1x125xi32, #tpu.memory_space<vmem>>
        %dma_wait3A_114 = tpu.memref_squeeze %dma_wait3A_113 : memref<1x125xi32, #tpu.memory_space<vmem>> -> memref<125xi32, #tpu.memory_space<vmem>>
        %dma_wait3A_115 = arith.constant 0 : i32
        %dma_wait3A_116 = arith.constant 0 : i32
        %dma_wait3A_117 = tpu.memref_slice %arg4[%dma_wait3A_115, %dma_wait3A_116] : memref<10000x128xf32, #tpu.memory_space<hbm>> -> memref<10000x128xf32, #tpu.memory_space<hbm>>
        tpu.wait_indirect_dma semaphore(%arg15 : memref<!tpu.dma_semaphore, #tpu.memory_space<semaphore_mem>>) src(%dma_wait3A_117 : memref<10000x128xf32, #tpu.memory_space<hbm>>) dst(%arg12 : memref<125x128xf32, #tpu.memory_space<vmem>>)
        %dma_start3A_118 = arith.constant 0 : i32
        %dma_start3A_119 = tpu.memref_slice %arg11[%mul3A_98, %dma_start3A_118] : memref<40x125xi32, #tpu.memory_space<vmem>> -> memref<1x125xi32, #tpu.memory_space<vmem>>
        %dma_start3A_120 = tpu.memref_squeeze %dma_start3A_119 : memref<1x125xi32, #tpu.memory_space<vmem>> -> memref<125xi32, #tpu.memory_space<vmem>>
        %dma_start3A_121 = arith.constant 0 : i32
        %dma_start3A_122 = arith.constant 0 : i32
        %dma_start3A_123 = tpu.memref_slice %arg14[%dma_start3A_121, %dma_start3A_122] : memref<10000x128xf32, #tpu.memory_space<vmem_shared>> -> memref<10000x128xf32, #tpu.memory_space<vmem_shared>>
        tpu.enqueue_indirect_dma source(%arg12 : memref<125x128xf32, #tpu.memory_space<vmem>>) target(%dma_start3A_123 : memref<10000x128xf32, #tpu.memory_space<vmem_shared>>) offsets(%dma_start3A_120 : memref<125xi32, #tpu.memory_space<vmem>>) semaphore(%arg17 : memref<!tpu.dma_semaphore, #tpu.memory_space<semaphore_mem>>) {add = true}
        %add3A_124 = arith.constant 2 : i32
        %add3A_125 = arith.addi %mul3A_98, %add3A_124 : i32
        %lt3A = arith.constant 40 : i32
        %lt3A_126 = arith.cmpi slt, %add3A_125, %lt3A : i32
        %convert_element_type3A_127 = arith.extui %lt3A_126 : i1 to i32
        %cond3A_128 = arith.constant 0 : i32
        %cond3A_129 = arith.cmpi ne, %convert_element_type3A_127, %cond3A_128 : i32
        scf.if %cond3A_129 {
          %dma_wait3A_146 = arith.constant 0 : i32
          %dma_wait3A_147 = arith.constant 0 : i32
          %dma_wait3A_148 = tpu.memref_slice %arg11[%dma_wait3A_146, %dma_wait3A_147] : memref<40x125xi32, #tpu.memory_space<vmem>> -> memref<1x125xi32, #tpu.memory_space<vmem>>
          %dma_wait3A_149 = tpu.memref_squeeze %dma_wait3A_148 : memref<1x125xi32, #tpu.memory_space<vmem>> -> memref<125xi32, #tpu.memory_space<vmem>>
          %dma_wait3A_150 = arith.constant 0 : i32
          %dma_wait3A_151 = arith.constant 0 : i32
          %dma_wait3A_152 = tpu.memref_slice %arg14[%dma_wait3A_150, %dma_wait3A_151] : memref<10000x128xf32, #tpu.memory_space<vmem_shared>> -> memref<10000x128xf32, #tpu.memory_space<vmem_shared>>
          tpu.wait_indirect_dma semaphore(%arg17 : memref<!tpu.dma_semaphore, #tpu.memory_space<semaphore_mem>>) src(%arg12 : memref<125x128xf32, #tpu.memory_space<vmem>>) dst(%dma_wait3A_152 : memref<10000x128xf32, #tpu.memory_space<vmem_shared>>)
          %add3A_153 = arith.constant 2 : i32
          %add3A_154 = arith.addi %mul3A_98, %add3A_153 : i32
          %dma_start3A_155 = arith.constant 0 : i32
          %dma_start3A_156 = tpu.memref_slice %arg10[%add3A_154, %dma_start3A_155] : memref<40x125xi32, #tpu.memory_space<vmem>> -> memref<1x125xi32, #tpu.memory_space<vmem>>
          %dma_start3A_157 = tpu.memref_squeeze %dma_start3A_156 : memref<1x125xi32, #tpu.memory_space<vmem>> -> memref<125xi32, #tpu.memory_space<vmem>>
          %dma_start3A_158 = arith.constant 0 : i32
          %dma_start3A_159 = arith.constant 0 : i32
          %dma_start3A_160 = tpu.memref_slice %arg4[%dma_start3A_158, %dma_start3A_159] : memref<10000x128xf32, #tpu.memory_space<hbm>> -> memref<10000x128xf32, #tpu.memory_space<hbm>>
          tpu.enqueue_indirect_dma source(%dma_start3A_160 : memref<10000x128xf32, #tpu.memory_space<hbm>>) target(%arg12 : memref<125x128xf32, #tpu.memory_space<vmem>>) offsets(%dma_start3A_157 : memref<125xi32, #tpu.memory_space<vmem>>) semaphore(%arg15 : memref<!tpu.dma_semaphore, #tpu.memory_space<semaphore_mem>>)
        } else {
        }
        %dma_wait3A_130 = arith.constant 0 : i32
        %dma_wait3A_131 = arith.constant 0 : i32
        %dma_wait3A_132 = tpu.memref_slice %arg10[%dma_wait3A_130, %dma_wait3A_131] : memref<40x125xi32, #tpu.memory_space<vmem>> -> memref<1x125xi32, #tpu.memory_space<vmem>>
        %dma_wait3A_133 = tpu.memref_squeeze %dma_wait3A_132 : memref<1x125xi32, #tpu.memory_space<vmem>> -> memref<125xi32, #tpu.memory_space<vmem>>
        %dma_wait3A_134 = arith.constant 0 : i32
        %dma_wait3A_135 = arith.constant 0 : i32
        %dma_wait3A_136 = tpu.memref_slice %arg4[%dma_wait3A_134, %dma_wait3A_135] : memref<10000x128xf32, #tpu.memory_space<hbm>> -> memref<10000x128xf32, #tpu.memory_space<hbm>>
        tpu.wait_indirect_dma semaphore(%arg16 : memref<!tpu.dma_semaphore, #tpu.memory_space<semaphore_mem>>) src(%dma_wait3A_136 : memref<10000x128xf32, #tpu.memory_space<hbm>>) dst(%arg13 : memref<125x128xf32, #tpu.memory_space<vmem>>)
        %add3A_137 = arith.constant 1 : i32
        %add3A_138 = arith.addi %mul3A_98, %add3A_137 : i32
        %dma_start3A_139 = arith.constant 0 : i32
        %dma_start3A_140 = tpu.memref_slice %arg11[%add3A_138, %dma_start3A_139] : memref<40x125xi32, #tpu.memory_space<vmem>> -> memref<1x125xi32, #tpu.memory_space<vmem>>
        %dma_start3A_141 = tpu.memref_squeeze %dma_start3A_140 : memref<1x125xi32, #tpu.memory_space<vmem>> -> memref<125xi32, #tpu.memory_space<vmem>>
        %dma_start3A_142 = arith.constant 0 : i32
        %dma_start3A_143 = arith.constant 0 : i32
        %dma_start3A_144 = tpu.memref_slice %arg14[%dma_start3A_142, %dma_start3A_143] : memref<10000x128xf32, #tpu.memory_space<vmem_shared>> -> memref<10000x128xf32, #tpu.memory_space<vmem_shared>>
        tpu.enqueue_indirect_dma source(%arg13 : memref<125x128xf32, #tpu.memory_space<vmem>>) target(%dma_start3A_144 : memref<10000x128xf32, #tpu.memory_space<vmem_shared>>) offsets(%dma_start3A_141 : memref<125xi32, #tpu.memory_space<vmem>>) semaphore(%arg18 : memref<!tpu.dma_semaphore, #tpu.memory_space<semaphore_mem>>) {add = true}
        %scan3A_145 = arith.constant 0 : i32
        scf.yield %scan3A_145 : i32
      }
      %scan3A_34 = arith.constant 20 : i32
      %dma_wait3A = arith.constant 0 : i32
      %dma_wait3A_35 = arith.constant 0 : i32
      %dma_wait3A_36 = tpu.memref_slice %arg11[%dma_wait3A, %dma_wait3A_35] : memref<40x125xi32, #tpu.memory_space<vmem>> -> memref<1x125xi32, #tpu.memory_space<vmem>>
      %dma_wait3A_37 = tpu.memref_squeeze %dma_wait3A_36 : memref<1x125xi32, #tpu.memory_space<vmem>> -> memref<125xi32, #tpu.memory_space<vmem>>
      %dma_wait3A_38 = arith.constant 0 : i32
      %dma_wait3A_39 = arith.constant 0 : i32
      %dma_wait3A_40 = tpu.memref_slice %arg14[%dma_wait3A_38, %dma_wait3A_39] : memref<10000x128xf32, #tpu.memory_space<vmem_shared>> -> memref<10000x128xf32, #tpu.memory_space<vmem_shared>>
      tpu.wait_indirect_dma semaphore(%arg17 : memref<!tpu.dma_semaphore, #tpu.memory_space<semaphore_mem>>) src(%arg12 : memref<125x128xf32, #tpu.memory_space<vmem>>) dst(%dma_wait3A_40 : memref<10000x128xf32, #tpu.memory_space<vmem_shared>>)
      %dma_wait3A_41 = arith.constant 0 : i32
      %dma_wait3A_42 = arith.constant 0 : i32
      %dma_wait3A_43 = tpu.memref_slice %arg11[%dma_wait3A_41, %dma_wait3A_42] : memref<40x125xi32, #tpu.memory_space<vmem>> -> memref<1x125xi32, #tpu.memory_space<vmem>>
      %dma_wait3A_44 = tpu.memref_squeeze %dma_wait3A_43 : memref<1x125xi32, #tpu.memory_space<vmem>> -> memref<125xi32, #tpu.memory_space<vmem>>
      %dma_wait3A_45 = arith.constant 0 : i32
      %dma_wait3A_46 = arith.constant 0 : i32
      %dma_wait3A_47 = tpu.memref_slice %arg14[%dma_wait3A_45, %dma_wait3A_46] : memref<10000x128xf32, #tpu.memory_space<vmem_shared>> -> memref<10000x128xf32, #tpu.memory_space<vmem_shared>>
      tpu.wait_indirect_dma semaphore(%arg18 : memref<!tpu.dma_semaphore, #tpu.memory_space<semaphore_mem>>) src(%arg13 : memref<125x128xf32, #tpu.memory_space<vmem>>) dst(%dma_wait3A_47 : memref<10000x128xf32, #tpu.memory_space<vmem_shared>>)
      %mul3A_48 = arith.constant 80 : i32
      %mul3A_49 = arith.muli %arg1, %mul3A_48 : i32
      %add3A_50 = arith.constant 40 : i32
      %add3A_51 = arith.addi %mul3A_49, %add3A_50 : i32
      "tpu.region"() ({
        %run_scoped3A = tpu.sem_alloc : memref<!tpu.dma_semaphore, #tpu.memory_space<semaphore_mem>>
        %dma_start3A_95 = arith.constant 0 : i32
        %dma_start3A_96 = tpu.memref_slice %arg2[%add3A_51, %dma_start3A_95] : memref<1280x125xi32, #tpu.memory_space<hbm>> -> memref<40x125xi32, #tpu.memory_space<hbm>>
        %dma_start3A_97 = arith.constant 0 : i32
        %dma_start3A_98 = tpu.memref_slice %arg2[%add3A_51, %dma_start3A_97] : memref<1280x125xi32, #tpu.memory_space<hbm>> -> memref<40x125xi32, #tpu.memory_space<hbm>>
        tpu.enqueue_dma source(%dma_start3A_98 : memref<40x125xi32, #tpu.memory_space<hbm>>) target(%arg10 : memref<40x125xi32, #tpu.memory_space<vmem>>) target_semaphore(%run_scoped3A : memref<!tpu.dma_semaphore, #tpu.memory_space<semaphore_mem>>)
        %dma_wait3A_99 = arith.constant 0 : i32
        %dma_wait3A_100 = tpu.memref_slice %arg2[%add3A_51, %dma_wait3A_99] : memref<1280x125xi32, #tpu.memory_space<hbm>> -> memref<40x125xi32, #tpu.memory_space<hbm>>
        %dma_wait3A_101 = arith.constant 0 : i32
        %dma_wait3A_102 = tpu.memref_slice %arg2[%add3A_51, %dma_wait3A_101] : memref<1280x125xi32, #tpu.memory_space<hbm>> -> memref<40x125xi32, #tpu.memory_space<hbm>>
        tpu.wait_dma2 semaphore(%run_scoped3A : memref<!tpu.dma_semaphore, #tpu.memory_space<semaphore_mem>>) src(%dma_wait3A_102 : memref<40x125xi32, #tpu.memory_space<hbm>>) dst(%arg10 : memref<40x125xi32, #tpu.memory_space<vmem>>)
        tpu.yield
      }) : () -> ()
      "tpu.region"() ({
        %run_scoped3A = tpu.sem_alloc : memref<!tpu.dma_semaphore, #tpu.memory_space<semaphore_mem>>
        %dma_start3A_95 = arith.constant 0 : i32
        %dma_start3A_96 = tpu.memref_slice %arg3[%add3A_51, %dma_start3A_95] : memref<1280x125xi32, #tpu.memory_space<hbm>> -> memref<40x125xi32, #tpu.memory_space<hbm>>
        %dma_start3A_97 = arith.constant 0 : i32
        %dma_start3A_98 = tpu.memref_slice %arg3[%add3A_51, %dma_start3A_97] : memref<1280x125xi32, #tpu.memory_space<hbm>> -> memref<40x125xi32, #tpu.memory_space<hbm>>
        tpu.enqueue_dma source(%dma_start3A_98 : memref<40x125xi32, #tpu.memory_space<hbm>>) target(%arg11 : memref<40x125xi32, #tpu.memory_space<vmem>>) target_semaphore(%run_scoped3A : memref<!tpu.dma_semaphore, #tpu.memory_space<semaphore_mem>>)
        %dma_wait3A_99 = arith.constant 0 : i32
        %dma_wait3A_100 = tpu.memref_slice %arg3[%add3A_51, %dma_wait3A_99] : memref<1280x125xi32, #tpu.memory_space<hbm>> -> memref<40x125xi32, #tpu.memory_space<hbm>>
        %dma_wait3A_101 = arith.constant 0 : i32
        %dma_wait3A_102 = tpu.memref_slice %arg3[%add3A_51, %dma_wait3A_101] : memref<1280x125xi32, #tpu.memory_space<hbm>> -> memref<40x125xi32, #tpu.memory_space<hbm>>
        tpu.wait_dma2 semaphore(%run_scoped3A : memref<!tpu.dma_semaphore, #tpu.memory_space<semaphore_mem>>) src(%dma_wait3A_102 : memref<40x125xi32, #tpu.memory_space<hbm>>) dst(%arg11 : memref<40x125xi32, #tpu.memory_space<vmem>>)
        tpu.yield
      }) : () -> ()
      %dma_start3A_52 = arith.constant 0 : i32
      %dma_start3A_53 = arith.constant 0 : i32
      %dma_start3A_54 = tpu.memref_slice %arg10[%dma_start3A_52, %dma_start3A_53] : memref<40x125xi32, #tpu.memory_space<vmem>> -> memref<1x125xi32, #tpu.memory_space<vmem>>
      %dma_start3A_55 = tpu.memref_squeeze %dma_start3A_54 : memref<1x125xi32, #tpu.memory_space<vmem>> -> memref<125xi32, #tpu.memory_space<vmem>>
      %dma_start3A_56 = arith.constant 0 : i32
      %dma_start3A_57 = arith.constant 0 : i32
      %dma_start3A_58 = tpu.memref_slice %arg4[%dma_start3A_56, %dma_start3A_57] : memref<10000x128xf32, #tpu.memory_space<hbm>> -> memref<10000x128xf32, #tpu.memory_space<hbm>>
      tpu.enqueue_indirect_dma source(%dma_start3A_58 : memref<10000x128xf32, #tpu.memory_space<hbm>>) target(%arg12 : memref<125x128xf32, #tpu.memory_space<vmem>>) offsets(%dma_start3A_55 : memref<125xi32, #tpu.memory_space<vmem>>) semaphore(%arg15 : memref<!tpu.dma_semaphore, #tpu.memory_space<semaphore_mem>>)
      %scan3A_59 = arith.constant 0 : i32
      %scan3A_60 = arith.constant 0 : i32
      %scan3A_61 = arith.constant 20 : i32
      %scan3A_62 = arith.addi %scan3A_60, %scan3A_61 : i32
      %scan3A_63 = arith.constant 1 : i32
      %scan3A_64 = scf.for %scan3A_95 = %scan3A_60 to %scan3A_62 step %scan3A_63 iter_args(%scan3A_96 = %scan3A_59) -> (i32)  : i32 {
        %mul3A_97 = arith.constant 2 : i32
        %mul3A_98 = arith.muli %mul3A_97, %scan3A_95 : i32
        %gt3A = arith.constant 0 : i32
        %gt3A_99 = arith.cmpi sgt, %scan3A_95, %gt3A : i32
        %convert_element_type3A_100 = arith.extui %gt3A_99 : i1 to i32
        %cond3A_101 = arith.constant 0 : i32
        %cond3A_102 = arith.cmpi ne, %convert_element_type3A_100, %cond3A_101 : i32
        scf.if %cond3A_102 {
          %dma_wait3A_146 = arith.constant 0 : i32
          %dma_wait3A_147 = arith.constant 0 : i32
          %dma_wait3A_148 = tpu.memref_slice %arg11[%dma_wait3A_146, %dma_wait3A_147] : memref<40x125xi32, #tpu.memory_space<vmem>> -> memref<1x125xi32, #tpu.memory_space<vmem>>
          %dma_wait3A_149 = tpu.memref_squeeze %dma_wait3A_148 : memref<1x125xi32, #tpu.memory_space<vmem>> -> memref<125xi32, #tpu.memory_space<vmem>>
          %dma_wait3A_150 = arith.constant 0 : i32
          %dma_wait3A_151 = arith.constant 0 : i32
          %dma_wait3A_152 = tpu.memref_slice %arg14[%dma_wait3A_150, %dma_wait3A_151] : memref<10000x128xf32, #tpu.memory_space<vmem_shared>> -> memref<10000x128xf32, #tpu.memory_space<vmem_shared>>
          tpu.wait_indirect_dma semaphore(%arg18 : memref<!tpu.dma_semaphore, #tpu.memory_space<semaphore_mem>>) src(%arg13 : memref<125x128xf32, #tpu.memory_space<vmem>>) dst(%dma_wait3A_152 : memref<10000x128xf32, #tpu.memory_space<vmem_shared>>)
        } else {
        }
        %add3A_103 = arith.constant 1 : i32
        %add3A_104 = arith.addi %mul3A_98, %add3A_103 : i32
        %dma_start3A_105 = arith.constant 0 : i32
        %dma_start3A_106 = tpu.memref_slice %arg10[%add3A_104, %dma_start3A_105] : memref<40x125xi32, #tpu.memory_space<vmem>> -> memref<1x125xi32, #tpu.memory_space<vmem>>
        %dma_start3A_107 = tpu.memref_squeeze %dma_start3A_106 : memref<1x125xi32, #tpu.memory_space<vmem>> -> memref<125xi32, #tpu.memory_space<vmem>>
        %dma_start3A_108 = arith.constant 0 : i32
        %dma_start3A_109 = arith.constant 0 : i32
        %dma_start3A_110 = tpu.memref_slice %arg4[%dma_start3A_108, %dma_start3A_109] : memref<10000x128xf32, #tpu.memory_space<hbm>> -> memref<10000x128xf32, #tpu.memory_space<hbm>>
        tpu.enqueue_indirect_dma source(%dma_start3A_110 : memref<10000x128xf32, #tpu.memory_space<hbm>>) target(%arg13 : memref<125x128xf32, #tpu.memory_space<vmem>>) offsets(%dma_start3A_107 : memref<125xi32, #tpu.memory_space<vmem>>) semaphore(%arg16 : memref<!tpu.dma_semaphore, #tpu.memory_space<semaphore_mem>>)
        %dma_wait3A_111 = arith.constant 0 : i32
        %dma_wait3A_112 = arith.constant 0 : i32
        %dma_wait3A_113 = tpu.memref_slice %arg10[%dma_wait3A_111, %dma_wait3A_112] : memref<40x125xi32, #tpu.memory_space<vmem>> -> memref<1x125xi32, #tpu.memory_space<vmem>>
        %dma_wait3A_114 = tpu.memref_squeeze %dma_wait3A_113 : memref<1x125xi32, #tpu.memory_space<vmem>> -> memref<125xi32, #tpu.memory_space<vmem>>
        %dma_wait3A_115 = arith.constant 0 : i32
        %dma_wait3A_116 = arith.constant 0 : i32
        %dma_wait3A_117 = tpu.memref_slice %arg4[%dma_wait3A_115, %dma_wait3A_116] : memref<10000x128xf32, #tpu.memory_space<hbm>> -> memref<10000x128xf32, #tpu.memory_space<hbm>>
        tpu.wait_indirect_dma semaphore(%arg15 : memref<!tpu.dma_semaphore, #tpu.memory_space<semaphore_mem>>) src(%dma_wait3A_117 : memref<10000x128xf32, #tpu.memory_space<hbm>>) dst(%arg12 : memref<125x128xf32, #tpu.memory_space<vmem>>)
        %dma_start3A_118 = arith.constant 0 : i32
        %dma_start3A_119 = tpu.memref_slice %arg11[%mul3A_98, %dma_start3A_118] : memref<40x125xi32, #tpu.memory_space<vmem>> -> memref<1x125xi32, #tpu.memory_space<vmem>>
        %dma_start3A_120 = tpu.memref_squeeze %dma_start3A_119 : memref<1x125xi32, #tpu.memory_space<vmem>> -> memref<125xi32, #tpu.memory_space<vmem>>
        %dma_start3A_121 = arith.constant 0 : i32
        %dma_start3A_122 = arith.constant 0 : i32
        %dma_start3A_123 = tpu.memref_slice %arg14[%dma_start3A_121, %dma_start3A_122] : memref<10000x128xf32, #tpu.memory_space<vmem_shared>> -> memref<10000x128xf32, #tpu.memory_space<vmem_shared>>
        tpu.enqueue_indirect_dma source(%arg12 : memref<125x128xf32, #tpu.memory_space<vmem>>) target(%dma_start3A_123 : memref<10000x128xf32, #tpu.memory_space<vmem_shared>>) offsets(%dma_start3A_120 : memref<125xi32, #tpu.memory_space<vmem>>) semaphore(%arg17 : memref<!tpu.dma_semaphore, #tpu.memory_space<semaphore_mem>>) {add = true}
        %add3A_124 = arith.constant 2 : i32
        %add3A_125 = arith.addi %mul3A_98, %add3A_124 : i32
        %lt3A = arith.constant 40 : i32
        %lt3A_126 = arith.cmpi slt, %add3A_125, %lt3A : i32
        %convert_element_type3A_127 = arith.extui %lt3A_126 : i1 to i32
        %cond3A_128 = arith.constant 0 : i32
        %cond3A_129 = arith.cmpi ne, %convert_element_type3A_127, %cond3A_128 : i32
        scf.if %cond3A_129 {
          %dma_wait3A_146 = arith.constant 0 : i32
          %dma_wait3A_147 = arith.constant 0 : i32
          %dma_wait3A_148 = tpu.memref_slice %arg11[%dma_wait3A_146, %dma_wait3A_147] : memref<40x125xi32, #tpu.memory_space<vmem>> -> memref<1x125xi32, #tpu.memory_space<vmem>>
          %dma_wait3A_149 = tpu.memref_squeeze %dma_wait3A_148 : memref<1x125xi32, #tpu.memory_space<vmem>> -> memref<125xi32, #tpu.memory_space<vmem>>
          %dma_wait3A_150 = arith.constant 0 : i32
          %dma_wait3A_151 = arith.constant 0 : i32
          %dma_wait3A_152 = tpu.memref_slice %arg14[%dma_wait3A_150, %dma_wait3A_151] : memref<10000x128xf32, #tpu.memory_space<vmem_shared>> -> memref<10000x128xf32, #tpu.memory_space<vmem_shared>>
          tpu.wait_indirect_dma semaphore(%arg17 : memref<!tpu.dma_semaphore, #tpu.memory_space<semaphore_mem>>) src(%arg12 : memref<125x128xf32, #tpu.memory_space<vmem>>) dst(%dma_wait3A_152 : memref<10000x128xf32, #tpu.memory_space<vmem_shared>>)
          %add3A_153 = arith.constant 2 : i32
          %add3A_154 = arith.addi %mul3A_98, %add3A_153 : i32
          %dma_start3A_155 = arith.constant 0 : i32
          %dma_start3A_156 = tpu.memref_slice %arg10[%add3A_154, %dma_start3A_155] : memref<40x125xi32, #tpu.memory_space<vmem>> -> memref<1x125xi32, #tpu.memory_space<vmem>>
          %dma_start3A_157 = tpu.memref_squeeze %dma_start3A_156 : memref<1x125xi32, #tpu.memory_space<vmem>> -> memref<125xi32, #tpu.memory_space<vmem>>
          %dma_start3A_158 = arith.constant 0 : i32
          %dma_start3A_159 = arith.constant 0 : i32
          %dma_start3A_160 = tpu.memref_slice %arg4[%dma_start3A_158, %dma_start3A_159] : memref<10000x128xf32, #tpu.memory_space<hbm>> -> memref<10000x128xf32, #tpu.memory_space<hbm>>
          tpu.enqueue_indirect_dma source(%dma_start3A_160 : memref<10000x128xf32, #tpu.memory_space<hbm>>) target(%arg12 : memref<125x128xf32, #tpu.memory_space<vmem>>) offsets(%dma_start3A_157 : memref<125xi32, #tpu.memory_space<vmem>>) semaphore(%arg15 : memref<!tpu.dma_semaphore, #tpu.memory_space<semaphore_mem>>)
        } else {
        }
        %dma_wait3A_130 = arith.constant 0 : i32
        %dma_wait3A_131 = arith.constant 0 : i32
        %dma_wait3A_132 = tpu.memref_slice %arg10[%dma_wait3A_130, %dma_wait3A_131] : memref<40x125xi32, #tpu.memory_space<vmem>> -> memref<1x125xi32, #tpu.memory_space<vmem>>
        %dma_wait3A_133 = tpu.memref_squeeze %dma_wait3A_132 : memref<1x125xi32, #tpu.memory_space<vmem>> -> memref<125xi32, #tpu.memory_space<vmem>>
        %dma_wait3A_134 = arith.constant 0 : i32
        %dma_wait3A_135 = arith.constant 0 : i32
        %dma_wait3A_136 = tpu.memref_slice %arg4[%dma_wait3A_134, %dma_wait3A_135] : memref<10000x128xf32, #tpu.memory_space<hbm>> -> memref<10000x128xf32, #tpu.memory_space<hbm>>
        tpu.wait_indirect_dma semaphore(%arg16 : memref<!tpu.dma_semaphore, #tpu.memory_space<semaphore_mem>>) src(%dma_wait3A_136 : memref<10000x128xf32, #tpu.memory_space<hbm>>) dst(%arg13 : memref<125x128xf32, #tpu.memory_space<vmem>>)
        %add3A_137 = arith.constant 1 : i32
        %add3A_138 = arith.addi %mul3A_98, %add3A_137 : i32
        %dma_start3A_139 = arith.constant 0 : i32
        %dma_start3A_140 = tpu.memref_slice %arg11[%add3A_138, %dma_start3A_139] : memref<40x125xi32, #tpu.memory_space<vmem>> -> memref<1x125xi32, #tpu.memory_space<vmem>>
        %dma_start3A_141 = tpu.memref_squeeze %dma_start3A_140 : memref<1x125xi32, #tpu.memory_space<vmem>> -> memref<125xi32, #tpu.memory_space<vmem>>
        %dma_start3A_142 = arith.constant 0 : i32
        %dma_start3A_143 = arith.constant 0 : i32
        %dma_start3A_144 = tpu.memref_slice %arg14[%dma_start3A_142, %dma_start3A_143] : memref<10000x128xf32, #tpu.memory_space<vmem_shared>> -> memref<10000x128xf32, #tpu.memory_space<vmem_shared>>
        tpu.enqueue_indirect_dma source(%arg13 : memref<125x128xf32, #tpu.memory_space<vmem>>) target(%dma_start3A_144 : memref<10000x128xf32, #tpu.memory_space<vmem_shared>>) offsets(%dma_start3A_141 : memref<125xi32, #tpu.memory_space<vmem>>) semaphore(%arg18 : memref<!tpu.dma_semaphore, #tpu.memory_space<semaphore_mem>>) {add = true}
        %scan3A_145 = arith.constant 0 : i32
        scf.yield %scan3A_145 : i32
      }
      %scan3A_65 = arith.constant 20 : i32
      %dma_wait3A_66 = arith.constant 0 : i32
      %dma_wait3A_67 = arith.constant 0 : i32
      %dma_wait3A_68 = tpu.memref_slice %arg11[%dma_wait3A_66, %dma_wait3A_67] : memref<40x125xi32, #tpu.memory_space<vmem>> -> memref<1x125xi32, #tpu.memory_space<vmem>>
      %dma_wait3A_69 = tpu.memref_squeeze %dma_wait3A_68 : memref<1x125xi32, #tpu.memory_space<vmem>> -> memref<125xi32, #tpu.memory_space<vmem>>
      %dma_wait3A_70 = arith.constant 0 : i32
      %dma_wait3A_71 = arith.constant 0 : i32
      %dma_wait3A_72 = tpu.memref_slice %arg14[%dma_wait3A_70, %dma_wait3A_71] : memref<10000x128xf32, #tpu.memory_space<vmem_shared>> -> memref<10000x128xf32, #tpu.memory_space<vmem_shared>>
      tpu.wait_indirect_dma semaphore(%arg17 : memref<!tpu.dma_semaphore, #tpu.memory_space<semaphore_mem>>) src(%arg12 : memref<125x128xf32, #tpu.memory_space<vmem>>) dst(%dma_wait3A_72 : memref<10000x128xf32, #tpu.memory_space<vmem_shared>>)
      %dma_wait3A_73 = arith.constant 0 : i32
      %dma_wait3A_74 = arith.constant 0 : i32
      %dma_wait3A_75 = tpu.memref_slice %arg11[%dma_wait3A_73, %dma_wait3A_74] : memref<40x125xi32, #tpu.memory_space<vmem>> -> memref<1x125xi32, #tpu.memory_space<vmem>>
      %dma_wait3A_76 = tpu.memref_squeeze %dma_wait3A_75 : memref<1x125xi32, #tpu.memory_space<vmem>> -> memref<125xi32, #tpu.memory_space<vmem>>
      %dma_wait3A_77 = arith.constant 0 : i32
      %dma_wait3A_78 = arith.constant 0 : i32
      %dma_wait3A_79 = tpu.memref_slice %arg14[%dma_wait3A_77, %dma_wait3A_78] : memref<10000x128xf32, #tpu.memory_space<vmem_shared>> -> memref<10000x128xf32, #tpu.memory_space<vmem_shared>>
      tpu.wait_indirect_dma semaphore(%arg18 : memref<!tpu.dma_semaphore, #tpu.memory_space<semaphore_mem>>) src(%arg13 : memref<125x128xf32, #tpu.memory_space<vmem>>) dst(%dma_wait3A_79 : memref<10000x128xf32, #tpu.memory_space<vmem_shared>>)
      %barrier3A_80 = arith.constant 0 : index
      tpu.barrier barrier_id(%barrier3A_80)
      %scan3A_81 = arith.constant 0 : i32
      %scan3A_82 = arith.constant 0 : i32
      %scan3A_83 = arith.constant 8 : i32
      %scan3A_84 = arith.addi %scan3A_82, %scan3A_83 : i32
      %scan3A_85 = arith.constant 1 : i32
      %scan3A_86 = scf.for %scan3A_95 = %scan3A_82 to %scan3A_84 step %scan3A_85 iter_args(%scan3A_96 = %scan3A_81) -> (i32)  : i32 {
        %mul3A_97 = arith.constant 16 : i32
        %mul3A_98 = arith.muli %scan3A_95, %mul3A_97 : i32
        %add3A_99 = arith.addi %mul3A_98, %arg1 : i32
        %lt3A = arith.constant 125 : i32
        %lt3A_100 = arith.cmpi slt, %add3A_99, %lt3A : i32
        %convert_element_type3A_101 = arith.extui %lt3A_100 : i1 to i32
        %cond3A_102 = arith.constant 0 : i32
        %cond3A_103 = arith.cmpi ne, %convert_element_type3A_101, %cond3A_102 : i32
        scf.if %cond3A_103 {
          %mul3A_105 = arith.constant 80 : i32
          %mul3A_106 = arith.muli %add3A_99, %mul3A_105 : i32
          %dma_start3A_107 = arith.constant 0 : i32
          %dma_start3A_108 = tpu.memref_slice %arg8[%mul3A_106, %dma_start3A_107] : memref<10000x128xf32, #tpu.memory_space<hbm>> -> memref<80x128xf32, #tpu.memory_space<hbm>>
          %dma_start3A_109 = arith.constant 0 : i32
          %dma_start3A_110 = tpu.memref_slice %arg14[%mul3A_106, %dma_start3A_109] : memref<10000x128xf32, #tpu.memory_space<vmem_shared>> -> memref<80x128xf32, #tpu.memory_space<vmem_shared>>
          tpu.enqueue_dma source(%dma_start3A_110 : memref<80x128xf32, #tpu.memory_space<vmem_shared>>) target(%dma_start3A_108 : memref<80x128xf32, #tpu.memory_space<hbm>>) target_semaphore(%arg15 : memref<!tpu.dma_semaphore, #tpu.memory_space<semaphore_mem>>)
        } else {
        }
        %scan3A_104 = arith.constant 0 : i32
        scf.yield %scan3A_104 : i32
      }
      %scan3A_87 = arith.constant 8 : i32
      %scan3A_88 = arith.constant 0 : i32
      %scan3A_89 = arith.constant 0 : i32
      %scan3A_90 = arith.constant 8 : i32
      %scan3A_91 = arith.addi %scan3A_89, %scan3A_90 : i32
      %scan3A_92 = arith.constant 1 : i32
      %scan3A_93 = scf.for %scan3A_95 = %scan3A_89 to %scan3A_91 step %scan3A_92 iter_args(%scan3A_96 = %scan3A_88) -> (i32)  : i32 {
        %mul3A_97 = arith.constant 16 : i32
        %mul3A_98 = arith.muli %scan3A_95, %mul3A_97 : i32
        %add3A_99 = arith.addi %mul3A_98, %arg1 : i32
        %lt3A = arith.constant 125 : i32
        %lt3A_100 = arith.cmpi slt, %add3A_99, %lt3A : i32
        %convert_element_type3A_101 = arith.extui %lt3A_100 : i1 to i32
        %cond3A_102 = arith.constant 0 : i32
        %cond3A_103 = arith.cmpi ne, %convert_element_type3A_101, %cond3A_102 : i32
        scf.if %cond3A_103 {
          %dma_wait3A_105 = arith.constant 0 : i32
          %dma_wait3A_106 = arith.constant 0 : i32
          %dma_wait3A_107 = tpu.memref_slice %arg8[%dma_wait3A_105, %dma_wait3A_106] : memref<10000x128xf32, #tpu.memory_space<hbm>> -> memref<80x128xf32, #tpu.memory_space<hbm>>
          %dma_wait3A_108 = arith.constant 0 : i32
          %dma_wait3A_109 = arith.constant 0 : i32
          %dma_wait3A_110 = tpu.memref_slice %arg14[%dma_wait3A_108, %dma_wait3A_109] : memref<10000x128xf32, #tpu.memory_space<vmem_shared>> -> memref<80x128xf32, #tpu.memory_space<vmem_shared>>
          tpu.wait_dma2 semaphore(%arg15 : memref<!tpu.dma_semaphore, #tpu.memory_space<semaphore_mem>>) src(%dma_wait3A_110 : memref<80x128xf32, #tpu.memory_space<vmem_shared>>) dst(%dma_wait3A_107 : memref<80x128xf32, #tpu.memory_space<hbm>>)
        } else {
        }
        %scan3A_104 = arith.constant 0 : i32
        scf.yield %scan3A_104 : i32
      }
      %scan3A_94 = arith.constant 8 : i32
    } else {
    }
    %eq3A_2 = arith.constant 1 : i32
    %eq3A_3 = arith.cmpi eq, %arg0, %eq3A_2 : i32
    %convert_element_type3A_4 = arith.extui %eq3A_3 : i1 to i32
    %cond3A_5 = arith.constant 0 : i32
    %cond3A_6 = arith.cmpi ne, %convert_element_type3A_4, %cond3A_5 : i32
    scf.if %cond3A_6 {
      %scan3A = arith.constant 0 : i32
      %scan3A_7 = arith.constant 0 : i32
      %scan3A_8 = arith.constant 8 : i32
      %scan3A_9 = arith.addi %scan3A_7, %scan3A_8 : i32
      %scan3A_10 = arith.constant 1 : i32
      %scan3A_11 = scf.for %scan3A_95 = %scan3A_7 to %scan3A_9 step %scan3A_10 iter_args(%scan3A_96 = %scan3A) -> (i32)  : i32 {
        %mul3A_97 = arith.constant 16 : i32
        %mul3A_98 = arith.muli %scan3A_95, %mul3A_97 : i32
        %add3A_99 = arith.addi %mul3A_98, %arg1 : i32
        %lt3A = arith.constant 125 : i32
        %lt3A_100 = arith.cmpi slt, %add3A_99, %lt3A : i32
        %convert_element_type3A_101 = arith.extui %lt3A_100 : i1 to i32
        %cond3A_102 = arith.constant 0 : i32
        %cond3A_103 = arith.cmpi ne, %convert_element_type3A_101, %cond3A_102 : i32
        scf.if %cond3A_103 {
          %mul3A_105 = arith.constant 80 : i32
          %mul3A_106 = arith.muli %add3A_99, %mul3A_105 : i32
          %dma_start3A_107 = arith.constant 0 : i32
          %dma_start3A_108 = tpu.memref_slice %arg14[%mul3A_106, %dma_start3A_107] : memref<10000x128xf32, #tpu.memory_space<vmem_shared>> -> memref<80x128xf32, #tpu.memory_space<vmem_shared>>
          %dma_start3A_109 = arith.constant 0 : i32
          %dma_start3A_110 = tpu.memref_slice %arg7[%mul3A_106, %dma_start3A_109] : memref<10000x128xf32, #tpu.memory_space<hbm>> -> memref<80x128xf32, #tpu.memory_space<hbm>>
          tpu.enqueue_dma source(%dma_start3A_110 : memref<80x128xf32, #tpu.memory_space<hbm>>) target(%dma_start3A_108 : memref<80x128xf32, #tpu.memory_space<vmem_shared>>) target_semaphore(%arg15 : memref<!tpu.dma_semaphore, #tpu.memory_space<semaphore_mem>>)
        } else {
        }
        %scan3A_104 = arith.constant 0 : i32
        scf.yield %scan3A_104 : i32
      }
      %scan3A_12 = arith.constant 8 : i32
      %scan3A_13 = arith.constant 0 : i32
      %scan3A_14 = arith.constant 0 : i32
      %scan3A_15 = arith.constant 8 : i32
      %scan3A_16 = arith.addi %scan3A_14, %scan3A_15 : i32
      %scan3A_17 = arith.constant 1 : i32
      %scan3A_18 = scf.for %scan3A_95 = %scan3A_14 to %scan3A_16 step %scan3A_17 iter_args(%scan3A_96 = %scan3A_13) -> (i32)  : i32 {
        %mul3A_97 = arith.constant 16 : i32
        %mul3A_98 = arith.muli %scan3A_95, %mul3A_97 : i32
        %add3A_99 = arith.addi %mul3A_98, %arg1 : i32
        %lt3A = arith.constant 125 : i32
        %lt3A_100 = arith.cmpi slt, %add3A_99, %lt3A : i32
        %convert_element_type3A_101 = arith.extui %lt3A_100 : i1 to i32
        %cond3A_102 = arith.constant 0 : i32
        %cond3A_103 = arith.cmpi ne, %convert_element_type3A_101, %cond3A_102 : i32
        scf.if %cond3A_103 {
          %dma_wait3A_105 = arith.constant 0 : i32
          %dma_wait3A_106 = arith.constant 0 : i32
          %dma_wait3A_107 = tpu.memref_slice %arg14[%dma_wait3A_105, %dma_wait3A_106] : memref<10000x128xf32, #tpu.memory_space<vmem_shared>> -> memref<80x128xf32, #tpu.memory_space<vmem_shared>>
          %dma_wait3A_108 = arith.constant 0 : i32
          %dma_wait3A_109 = arith.constant 0 : i32
          %dma_wait3A_110 = tpu.memref_slice %arg7[%dma_wait3A_108, %dma_wait3A_109] : memref<10000x128xf32, #tpu.memory_space<hbm>> -> memref<80x128xf32, #tpu.memory_space<hbm>>
          tpu.wait_dma2 semaphore(%arg15 : memref<!tpu.dma_semaphore, #tpu.memory_space<semaphore_mem>>) src(%dma_wait3A_110 : memref<80x128xf32, #tpu.memory_space<hbm>>) dst(%dma_wait3A_107 : memref<80x128xf32, #tpu.memory_space<vmem_shared>>)
        } else {
        }
        %scan3A_104 = arith.constant 0 : i32
        scf.yield %scan3A_104 : i32
      }
      %scan3A_19 = arith.constant 8 : i32
      %barrier3A = arith.constant 0 : index
      tpu.barrier barrier_id(%barrier3A)
      %mul3A = arith.constant 80 : i32
      %mul3A_20 = arith.muli %arg1, %mul3A : i32
      %add3A = arith.constant 0 : i32
      %add3A_21 = arith.addi %mul3A_20, %add3A : i32
      "tpu.region"() ({
        %run_scoped3A = tpu.sem_alloc : memref<!tpu.dma_semaphore, #tpu.memory_space<semaphore_mem>>
        %dma_start3A_95 = arith.constant 0 : i32
        %dma_start3A_96 = tpu.memref_slice %arg2[%add3A_21, %dma_start3A_95] : memref<1280x125xi32, #tpu.memory_space<hbm>> -> memref<40x125xi32, #tpu.memory_space<hbm>>
        %dma_start3A_97 = arith.constant 0 : i32
        %dma_start3A_98 = tpu.memref_slice %arg2[%add3A_21, %dma_start3A_97] : memref<1280x125xi32, #tpu.memory_space<hbm>> -> memref<40x125xi32, #tpu.memory_space<hbm>>
        tpu.enqueue_dma source(%dma_start3A_98 : memref<40x125xi32, #tpu.memory_space<hbm>>) target(%arg10 : memref<40x125xi32, #tpu.memory_space<vmem>>) target_semaphore(%run_scoped3A : memref<!tpu.dma_semaphore, #tpu.memory_space<semaphore_mem>>)
        %dma_wait3A_99 = arith.constant 0 : i32
        %dma_wait3A_100 = tpu.memref_slice %arg2[%add3A_21, %dma_wait3A_99] : memref<1280x125xi32, #tpu.memory_space<hbm>> -> memref<40x125xi32, #tpu.memory_space<hbm>>
        %dma_wait3A_101 = arith.constant 0 : i32
        %dma_wait3A_102 = tpu.memref_slice %arg2[%add3A_21, %dma_wait3A_101] : memref<1280x125xi32, #tpu.memory_space<hbm>> -> memref<40x125xi32, #tpu.memory_space<hbm>>
        tpu.wait_dma2 semaphore(%run_scoped3A : memref<!tpu.dma_semaphore, #tpu.memory_space<semaphore_mem>>) src(%dma_wait3A_102 : memref<40x125xi32, #tpu.memory_space<hbm>>) dst(%arg10 : memref<40x125xi32, #tpu.memory_space<vmem>>)
        tpu.yield
      }) : () -> ()
      "tpu.region"() ({
        %run_scoped3A = tpu.sem_alloc : memref<!tpu.dma_semaphore, #tpu.memory_space<semaphore_mem>>
        %dma_start3A_95 = arith.constant 0 : i32
        %dma_start3A_96 = tpu.memref_slice %arg3[%add3A_21, %dma_start3A_95] : memref<1280x125xi32, #tpu.memory_space<hbm>> -> memref<40x125xi32, #tpu.memory_space<hbm>>
        %dma_start3A_97 = arith.constant 0 : i32
        %dma_start3A_98 = tpu.memref_slice %arg3[%add3A_21, %dma_start3A_97] : memref<1280x125xi32, #tpu.memory_space<hbm>> -> memref<40x125xi32, #tpu.memory_space<hbm>>
        tpu.enqueue_dma source(%dma_start3A_98 : memref<40x125xi32, #tpu.memory_space<hbm>>) target(%arg11 : memref<40x125xi32, #tpu.memory_space<vmem>>) target_semaphore(%run_scoped3A : memref<!tpu.dma_semaphore, #tpu.memory_space<semaphore_mem>>)
        %dma_wait3A_99 = arith.constant 0 : i32
        %dma_wait3A_100 = tpu.memref_slice %arg3[%add3A_21, %dma_wait3A_99] : memref<1280x125xi32, #tpu.memory_space<hbm>> -> memref<40x125xi32, #tpu.memory_space<hbm>>
        %dma_wait3A_101 = arith.constant 0 : i32
        %dma_wait3A_102 = tpu.memref_slice %arg3[%add3A_21, %dma_wait3A_101] : memref<1280x125xi32, #tpu.memory_space<hbm>> -> memref<40x125xi32, #tpu.memory_space<hbm>>
        tpu.wait_dma2 semaphore(%run_scoped3A : memref<!tpu.dma_semaphore, #tpu.memory_space<semaphore_mem>>) src(%dma_wait3A_102 : memref<40x125xi32, #tpu.memory_space<hbm>>) dst(%arg11 : memref<40x125xi32, #tpu.memory_space<vmem>>)
        tpu.yield
      }) : () -> ()
      %dma_start3A = arith.constant 0 : i32
      %dma_start3A_22 = arith.constant 0 : i32
      %dma_start3A_23 = tpu.memref_slice %arg10[%dma_start3A, %dma_start3A_22] : memref<40x125xi32, #tpu.memory_space<vmem>> -> memref<1x125xi32, #tpu.memory_space<vmem>>
      %dma_start3A_24 = tpu.memref_squeeze %dma_start3A_23 : memref<1x125xi32, #tpu.memory_space<vmem>> -> memref<125xi32, #tpu.memory_space<vmem>>
      %dma_start3A_25 = arith.constant 0 : i32
      %dma_start3A_26 = arith.constant 0 : i32
      %dma_start3A_27 = tpu.memref_slice %arg5[%dma_start3A_25, %dma_start3A_26] : memref<10000x128xf32, #tpu.memory_space<hbm>> -> memref<10000x128xf32, #tpu.memory_space<hbm>>
      tpu.enqueue_indirect_dma source(%dma_start3A_27 : memref<10000x128xf32, #tpu.memory_space<hbm>>) target(%arg12 : memref<125x128xf32, #tpu.memory_space<vmem>>) offsets(%dma_start3A_24 : memref<125xi32, #tpu.memory_space<vmem>>) semaphore(%arg15 : memref<!tpu.dma_semaphore, #tpu.memory_space<semaphore_mem>>)
      %scan3A_28 = arith.constant 0 : i32
      %scan3A_29 = arith.constant 0 : i32
      %scan3A_30 = arith.constant 20 : i32
      %scan3A_31 = arith.addi %scan3A_29, %scan3A_30 : i32
      %scan3A_32 = arith.constant 1 : i32
      %scan3A_33 = scf.for %scan3A_95 = %scan3A_29 to %scan3A_31 step %scan3A_32 iter_args(%scan3A_96 = %scan3A_28) -> (i32)  : i32 {
        %mul3A_97 = arith.constant 2 : i32
        %mul3A_98 = arith.muli %mul3A_97, %scan3A_95 : i32
        %gt3A = arith.constant 0 : i32
        %gt3A_99 = arith.cmpi sgt, %scan3A_95, %gt3A : i32
        %convert_element_type3A_100 = arith.extui %gt3A_99 : i1 to i32
        %cond3A_101 = arith.constant 0 : i32
        %cond3A_102 = arith.cmpi ne, %convert_element_type3A_100, %cond3A_101 : i32
        scf.if %cond3A_102 {
          %dma_wait3A_146 = arith.constant 0 : i32
          %dma_wait3A_147 = arith.constant 0 : i32
          %dma_wait3A_148 = tpu.memref_slice %arg11[%dma_wait3A_146, %dma_wait3A_147] : memref<40x125xi32, #tpu.memory_space<vmem>> -> memref<1x125xi32, #tpu.memory_space<vmem>>
          %dma_wait3A_149 = tpu.memref_squeeze %dma_wait3A_148 : memref<1x125xi32, #tpu.memory_space<vmem>> -> memref<125xi32, #tpu.memory_space<vmem>>
          %dma_wait3A_150 = arith.constant 0 : i32
          %dma_wait3A_151 = arith.constant 0 : i32
          %dma_wait3A_152 = tpu.memref_slice %arg14[%dma_wait3A_150, %dma_wait3A_151] : memref<10000x128xf32, #tpu.memory_space<vmem_shared>> -> memref<10000x128xf32, #tpu.memory_space<vmem_shared>>
          tpu.wait_indirect_dma semaphore(%arg18 : memref<!tpu.dma_semaphore, #tpu.memory_space<semaphore_mem>>) src(%arg13 : memref<125x128xf32, #tpu.memory_space<vmem>>) dst(%dma_wait3A_152 : memref<10000x128xf32, #tpu.memory_space<vmem_shared>>)
        } else {
        }
        %add3A_103 = arith.constant 1 : i32
        %add3A_104 = arith.addi %mul3A_98, %add3A_103 : i32
        %dma_start3A_105 = arith.constant 0 : i32
        %dma_start3A_106 = tpu.memref_slice %arg10[%add3A_104, %dma_start3A_105] : memref<40x125xi32, #tpu.memory_space<vmem>> -> memref<1x125xi32, #tpu.memory_space<vmem>>
        %dma_start3A_107 = tpu.memref_squeeze %dma_start3A_106 : memref<1x125xi32, #tpu.memory_space<vmem>> -> memref<125xi32, #tpu.memory_space<vmem>>
        %dma_start3A_108 = arith.constant 0 : i32
        %dma_start3A_109 = arith.constant 0 : i32
        %dma_start3A_110 = tpu.memref_slice %arg5[%dma_start3A_108, %dma_start3A_109] : memref<10000x128xf32, #tpu.memory_space<hbm>> -> memref<10000x128xf32, #tpu.memory_space<hbm>>
        tpu.enqueue_indirect_dma source(%dma_start3A_110 : memref<10000x128xf32, #tpu.memory_space<hbm>>) target(%arg13 : memref<125x128xf32, #tpu.memory_space<vmem>>) offsets(%dma_start3A_107 : memref<125xi32, #tpu.memory_space<vmem>>) semaphore(%arg16 : memref<!tpu.dma_semaphore, #tpu.memory_space<semaphore_mem>>)
        %dma_wait3A_111 = arith.constant 0 : i32
        %dma_wait3A_112 = arith.constant 0 : i32
        %dma_wait3A_113 = tpu.memref_slice %arg10[%dma_wait3A_111, %dma_wait3A_112] : memref<40x125xi32, #tpu.memory_space<vmem>> -> memref<1x125xi32, #tpu.memory_space<vmem>>
        %dma_wait3A_114 = tpu.memref_squeeze %dma_wait3A_113 : memref<1x125xi32, #tpu.memory_space<vmem>> -> memref<125xi32, #tpu.memory_space<vmem>>
        %dma_wait3A_115 = arith.constant 0 : i32
        %dma_wait3A_116 = arith.constant 0 : i32
        %dma_wait3A_117 = tpu.memref_slice %arg5[%dma_wait3A_115, %dma_wait3A_116] : memref<10000x128xf32, #tpu.memory_space<hbm>> -> memref<10000x128xf32, #tpu.memory_space<hbm>>
        tpu.wait_indirect_dma semaphore(%arg15 : memref<!tpu.dma_semaphore, #tpu.memory_space<semaphore_mem>>) src(%dma_wait3A_117 : memref<10000x128xf32, #tpu.memory_space<hbm>>) dst(%arg12 : memref<125x128xf32, #tpu.memory_space<vmem>>)
        %dma_start3A_118 = arith.constant 0 : i32
        %dma_start3A_119 = tpu.memref_slice %arg11[%mul3A_98, %dma_start3A_118] : memref<40x125xi32, #tpu.memory_space<vmem>> -> memref<1x125xi32, #tpu.memory_space<vmem>>
        %dma_start3A_120 = tpu.memref_squeeze %dma_start3A_119 : memref<1x125xi32, #tpu.memory_space<vmem>> -> memref<125xi32, #tpu.memory_space<vmem>>
        %dma_start3A_121 = arith.constant 0 : i32
        %dma_start3A_122 = arith.constant 0 : i32
        %dma_start3A_123 = tpu.memref_slice %arg14[%dma_start3A_121, %dma_start3A_122] : memref<10000x128xf32, #tpu.memory_space<vmem_shared>> -> memref<10000x128xf32, #tpu.memory_space<vmem_shared>>
        tpu.enqueue_indirect_dma source(%arg12 : memref<125x128xf32, #tpu.memory_space<vmem>>) target(%dma_start3A_123 : memref<10000x128xf32, #tpu.memory_space<vmem_shared>>) offsets(%dma_start3A_120 : memref<125xi32, #tpu.memory_space<vmem>>) semaphore(%arg17 : memref<!tpu.dma_semaphore, #tpu.memory_space<semaphore_mem>>) {add = true}
        %add3A_124 = arith.constant 2 : i32
        %add3A_125 = arith.addi %mul3A_98, %add3A_124 : i32
        %lt3A = arith.constant 40 : i32
        %lt3A_126 = arith.cmpi slt, %add3A_125, %lt3A : i32
        %convert_element_type3A_127 = arith.extui %lt3A_126 : i1 to i32
        %cond3A_128 = arith.constant 0 : i32
        %cond3A_129 = arith.cmpi ne, %convert_element_type3A_127, %cond3A_128 : i32
        scf.if %cond3A_129 {
          %dma_wait3A_146 = arith.constant 0 : i32
          %dma_wait3A_147 = arith.constant 0 : i32
          %dma_wait3A_148 = tpu.memref_slice %arg11[%dma_wait3A_146, %dma_wait3A_147] : memref<40x125xi32, #tpu.memory_space<vmem>> -> memref<1x125xi32, #tpu.memory_space<vmem>>
          %dma_wait3A_149 = tpu.memref_squeeze %dma_wait3A_148 : memref<1x125xi32, #tpu.memory_space<vmem>> -> memref<125xi32, #tpu.memory_space<vmem>>
          %dma_wait3A_150 = arith.constant 0 : i32
          %dma_wait3A_151 = arith.constant 0 : i32
          %dma_wait3A_152 = tpu.memref_slice %arg14[%dma_wait3A_150, %dma_wait3A_151] : memref<10000x128xf32, #tpu.memory_space<vmem_shared>> -> memref<10000x128xf32, #tpu.memory_space<vmem_shared>>
          tpu.wait_indirect_dma semaphore(%arg17 : memref<!tpu.dma_semaphore, #tpu.memory_space<semaphore_mem>>) src(%arg12 : memref<125x128xf32, #tpu.memory_space<vmem>>) dst(%dma_wait3A_152 : memref<10000x128xf32, #tpu.memory_space<vmem_shared>>)
          %add3A_153 = arith.constant 2 : i32
          %add3A_154 = arith.addi %mul3A_98, %add3A_153 : i32
          %dma_start3A_155 = arith.constant 0 : i32
          %dma_start3A_156 = tpu.memref_slice %arg10[%add3A_154, %dma_start3A_155] : memref<40x125xi32, #tpu.memory_space<vmem>> -> memref<1x125xi32, #tpu.memory_space<vmem>>
          %dma_start3A_157 = tpu.memref_squeeze %dma_start3A_156 : memref<1x125xi32, #tpu.memory_space<vmem>> -> memref<125xi32, #tpu.memory_space<vmem>>
          %dma_start3A_158 = arith.constant 0 : i32
          %dma_start3A_159 = arith.constant 0 : i32
          %dma_start3A_160 = tpu.memref_slice %arg5[%dma_start3A_158, %dma_start3A_159] : memref<10000x128xf32, #tpu.memory_space<hbm>> -> memref<10000x128xf32, #tpu.memory_space<hbm>>
          tpu.enqueue_indirect_dma source(%dma_start3A_160 : memref<10000x128xf32, #tpu.memory_space<hbm>>) target(%arg12 : memref<125x128xf32, #tpu.memory_space<vmem>>) offsets(%dma_start3A_157 : memref<125xi32, #tpu.memory_space<vmem>>) semaphore(%arg15 : memref<!tpu.dma_semaphore, #tpu.memory_space<semaphore_mem>>)
        } else {
        }
        %dma_wait3A_130 = arith.constant 0 : i32
        %dma_wait3A_131 = arith.constant 0 : i32
        %dma_wait3A_132 = tpu.memref_slice %arg10[%dma_wait3A_130, %dma_wait3A_131] : memref<40x125xi32, #tpu.memory_space<vmem>> -> memref<1x125xi32, #tpu.memory_space<vmem>>
        %dma_wait3A_133 = tpu.memref_squeeze %dma_wait3A_132 : memref<1x125xi32, #tpu.memory_space<vmem>> -> memref<125xi32, #tpu.memory_space<vmem>>
        %dma_wait3A_134 = arith.constant 0 : i32
        %dma_wait3A_135 = arith.constant 0 : i32
        %dma_wait3A_136 = tpu.memref_slice %arg5[%dma_wait3A_134, %dma_wait3A_135] : memref<10000x128xf32, #tpu.memory_space<hbm>> -> memref<10000x128xf32, #tpu.memory_space<hbm>>
        tpu.wait_indirect_dma semaphore(%arg16 : memref<!tpu.dma_semaphore, #tpu.memory_space<semaphore_mem>>) src(%dma_wait3A_136 : memref<10000x128xf32, #tpu.memory_space<hbm>>) dst(%arg13 : memref<125x128xf32, #tpu.memory_space<vmem>>)
        %add3A_137 = arith.constant 1 : i32
        %add3A_138 = arith.addi %mul3A_98, %add3A_137 : i32
        %dma_start3A_139 = arith.constant 0 : i32
        %dma_start3A_140 = tpu.memref_slice %arg11[%add3A_138, %dma_start3A_139] : memref<40x125xi32, #tpu.memory_space<vmem>> -> memref<1x125xi32, #tpu.memory_space<vmem>>
        %dma_start3A_141 = tpu.memref_squeeze %dma_start3A_140 : memref<1x125xi32, #tpu.memory_space<vmem>> -> memref<125xi32, #tpu.memory_space<vmem>>
        %dma_start3A_142 = arith.constant 0 : i32
        %dma_start3A_143 = arith.constant 0 : i32
        %dma_start3A_144 = tpu.memref_slice %arg14[%dma_start3A_142, %dma_start3A_143] : memref<10000x128xf32, #tpu.memory_space<vmem_shared>> -> memref<10000x128xf32, #tpu.memory_space<vmem_shared>>
        tpu.enqueue_indirect_dma source(%arg13 : memref<125x128xf32, #tpu.memory_space<vmem>>) target(%dma_start3A_144 : memref<10000x128xf32, #tpu.memory_space<vmem_shared>>) offsets(%dma_start3A_141 : memref<125xi32, #tpu.memory_space<vmem>>) semaphore(%arg18 : memref<!tpu.dma_semaphore, #tpu.memory_space<semaphore_mem>>) {add = true}
        %scan3A_145 = arith.constant 0 : i32
        scf.yield %scan3A_145 : i32
      }
      %scan3A_34 = arith.constant 20 : i32
      %dma_wait3A = arith.constant 0 : i32
      %dma_wait3A_35 = arith.constant 0 : i32
      %dma_wait3A_36 = tpu.memref_slice %arg11[%dma_wait3A, %dma_wait3A_35] : memref<40x125xi32, #tpu.memory_space<vmem>> -> memref<1x125xi32, #tpu.memory_space<vmem>>
      %dma_wait3A_37 = tpu.memref_squeeze %dma_wait3A_36 : memref<1x125xi32, #tpu.memory_space<vmem>> -> memref<125xi32, #tpu.memory_space<vmem>>
      %dma_wait3A_38 = arith.constant 0 : i32
      %dma_wait3A_39 = arith.constant 0 : i32
      %dma_wait3A_40 = tpu.memref_slice %arg14[%dma_wait3A_38, %dma_wait3A_39] : memref<10000x128xf32, #tpu.memory_space<vmem_shared>> -> memref<10000x128xf32, #tpu.memory_space<vmem_shared>>
      tpu.wait_indirect_dma semaphore(%arg17 : memref<!tpu.dma_semaphore, #tpu.memory_space<semaphore_mem>>) src(%arg12 : memref<125x128xf32, #tpu.memory_space<vmem>>) dst(%dma_wait3A_40 : memref<10000x128xf32, #tpu.memory_space<vmem_shared>>)
      %dma_wait3A_41 = arith.constant 0 : i32
      %dma_wait3A_42 = arith.constant 0 : i32
      %dma_wait3A_43 = tpu.memref_slice %arg11[%dma_wait3A_41, %dma_wait3A_42] : memref<40x125xi32, #tpu.memory_space<vmem>> -> memref<1x125xi32, #tpu.memory_space<vmem>>
      %dma_wait3A_44 = tpu.memref_squeeze %dma_wait3A_43 : memref<1x125xi32, #tpu.memory_space<vmem>> -> memref<125xi32, #tpu.memory_space<vmem>>
      %dma_wait3A_45 = arith.constant 0 : i32
      %dma_wait3A_46 = arith.constant 0 : i32
      %dma_wait3A_47 = tpu.memref_slice %arg14[%dma_wait3A_45, %dma_wait3A_46] : memref<10000x128xf32, #tpu.memory_space<vmem_shared>> -> memref<10000x128xf32, #tpu.memory_space<vmem_shared>>
      tpu.wait_indirect_dma semaphore(%arg18 : memref<!tpu.dma_semaphore, #tpu.memory_space<semaphore_mem>>) src(%arg13 : memref<125x128xf32, #tpu.memory_space<vmem>>) dst(%dma_wait3A_47 : memref<10000x128xf32, #tpu.memory_space<vmem_shared>>)
      %mul3A_48 = arith.constant 80 : i32
      %mul3A_49 = arith.muli %arg1, %mul3A_48 : i32
      %add3A_50 = arith.constant 40 : i32
      %add3A_51 = arith.addi %mul3A_49, %add3A_50 : i32
      "tpu.region"() ({
        %run_scoped3A = tpu.sem_alloc : memref<!tpu.dma_semaphore, #tpu.memory_space<semaphore_mem>>
        %dma_start3A_95 = arith.constant 0 : i32
        %dma_start3A_96 = tpu.memref_slice %arg2[%add3A_51, %dma_start3A_95] : memref<1280x125xi32, #tpu.memory_space<hbm>> -> memref<40x125xi32, #tpu.memory_space<hbm>>
        %dma_start3A_97 = arith.constant 0 : i32
        %dma_start3A_98 = tpu.memref_slice %arg2[%add3A_51, %dma_start3A_97] : memref<1280x125xi32, #tpu.memory_space<hbm>> -> memref<40x125xi32, #tpu.memory_space<hbm>>
        tpu.enqueue_dma source(%dma_start3A_98 : memref<40x125xi32, #tpu.memory_space<hbm>>) target(%arg10 : memref<40x125xi32, #tpu.memory_space<vmem>>) target_semaphore(%run_scoped3A : memref<!tpu.dma_semaphore, #tpu.memory_space<semaphore_mem>>)
        %dma_wait3A_99 = arith.constant 0 : i32
        %dma_wait3A_100 = tpu.memref_slice %arg2[%add3A_51, %dma_wait3A_99] : memref<1280x125xi32, #tpu.memory_space<hbm>> -> memref<40x125xi32, #tpu.memory_space<hbm>>
        %dma_wait3A_101 = arith.constant 0 : i32
        %dma_wait3A_102 = tpu.memref_slice %arg2[%add3A_51, %dma_wait3A_101] : memref<1280x125xi32, #tpu.memory_space<hbm>> -> memref<40x125xi32, #tpu.memory_space<hbm>>
        tpu.wait_dma2 semaphore(%run_scoped3A : memref<!tpu.dma_semaphore, #tpu.memory_space<semaphore_mem>>) src(%dma_wait3A_102 : memref<40x125xi32, #tpu.memory_space<hbm>>) dst(%arg10 : memref<40x125xi32, #tpu.memory_space<vmem>>)
        tpu.yield
      }) : () -> ()
      "tpu.region"() ({
        %run_scoped3A = tpu.sem_alloc : memref<!tpu.dma_semaphore, #tpu.memory_space<semaphore_mem>>
        %dma_start3A_95 = arith.constant 0 : i32
        %dma_start3A_96 = tpu.memref_slice %arg3[%add3A_51, %dma_start3A_95] : memref<1280x125xi32, #tpu.memory_space<hbm>> -> memref<40x125xi32, #tpu.memory_space<hbm>>
        %dma_start3A_97 = arith.constant 0 : i32
        %dma_start3A_98 = tpu.memref_slice %arg3[%add3A_51, %dma_start3A_97] : memref<1280x125xi32, #tpu.memory_space<hbm>> -> memref<40x125xi32, #tpu.memory_space<hbm>>
        tpu.enqueue_dma source(%dma_start3A_98 : memref<40x125xi32, #tpu.memory_space<hbm>>) target(%arg11 : memref<40x125xi32, #tpu.memory_space<vmem>>) target_semaphore(%run_scoped3A : memref<!tpu.dma_semaphore, #tpu.memory_space<semaphore_mem>>)
        %dma_wait3A_99 = arith.constant 0 : i32
        %dma_wait3A_100 = tpu.memref_slice %arg3[%add3A_51, %dma_wait3A_99] : memref<1280x125xi32, #tpu.memory_space<hbm>> -> memref<40x125xi32, #tpu.memory_space<hbm>>
        %dma_wait3A_101 = arith.constant 0 : i32
        %dma_wait3A_102 = tpu.memref_slice %arg3[%add3A_51, %dma_wait3A_101] : memref<1280x125xi32, #tpu.memory_space<hbm>> -> memref<40x125xi32, #tpu.memory_space<hbm>>
        tpu.wait_dma2 semaphore(%run_scoped3A : memref<!tpu.dma_semaphore, #tpu.memory_space<semaphore_mem>>) src(%dma_wait3A_102 : memref<40x125xi32, #tpu.memory_space<hbm>>) dst(%arg11 : memref<40x125xi32, #tpu.memory_space<vmem>>)
        tpu.yield
      }) : () -> ()
      %dma_start3A_52 = arith.constant 0 : i32
      %dma_start3A_53 = arith.constant 0 : i32
      %dma_start3A_54 = tpu.memref_slice %arg10[%dma_start3A_52, %dma_start3A_53] : memref<40x125xi32, #tpu.memory_space<vmem>> -> memref<1x125xi32, #tpu.memory_space<vmem>>
      %dma_start3A_55 = tpu.memref_squeeze %dma_start3A_54 : memref<1x125xi32, #tpu.memory_space<vmem>> -> memref<125xi32, #tpu.memory_space<vmem>>
      %dma_start3A_56 = arith.constant 0 : i32
      %dma_start3A_57 = arith.constant 0 : i32
      %dma_start3A_58 = tpu.memref_slice %arg5[%dma_start3A_56, %dma_start3A_57] : memref<10000x128xf32, #tpu.memory_space<hbm>> -> memref<10000x128xf32, #tpu.memory_space<hbm>>
      tpu.enqueue_indirect_dma source(%dma_start3A_58 : memref<10000x128xf32, #tpu.memory_space<hbm>>) target(%arg12 : memref<125x128xf32, #tpu.memory_space<vmem>>) offsets(%dma_start3A_55 : memref<125xi32, #tpu.memory_space<vmem>>) semaphore(%arg15 : memref<!tpu.dma_semaphore, #tpu.memory_space<semaphore_mem>>)
      %scan3A_59 = arith.constant 0 : i32
      %scan3A_60 = arith.constant 0 : i32
      %scan3A_61 = arith.constant 20 : i32
      %scan3A_62 = arith.addi %scan3A_60, %scan3A_61 : i32
      %scan3A_63 = arith.constant 1 : i32
      %scan3A_64 = scf.for %scan3A_95 = %scan3A_60 to %scan3A_62 step %scan3A_63 iter_args(%scan3A_96 = %scan3A_59) -> (i32)  : i32 {
        %mul3A_97 = arith.constant 2 : i32
        %mul3A_98 = arith.muli %mul3A_97, %scan3A_95 : i32
        %gt3A = arith.constant 0 : i32
        %gt3A_99 = arith.cmpi sgt, %scan3A_95, %gt3A : i32
        %convert_element_type3A_100 = arith.extui %gt3A_99 : i1 to i32
        %cond3A_101 = arith.constant 0 : i32
        %cond3A_102 = arith.cmpi ne, %convert_element_type3A_100, %cond3A_101 : i32
        scf.if %cond3A_102 {
          %dma_wait3A_146 = arith.constant 0 : i32
          %dma_wait3A_147 = arith.constant 0 : i32
          %dma_wait3A_148 = tpu.memref_slice %arg11[%dma_wait3A_146, %dma_wait3A_147] : memref<40x125xi32, #tpu.memory_space<vmem>> -> memref<1x125xi32, #tpu.memory_space<vmem>>
          %dma_wait3A_149 = tpu.memref_squeeze %dma_wait3A_148 : memref<1x125xi32, #tpu.memory_space<vmem>> -> memref<125xi32, #tpu.memory_space<vmem>>
          %dma_wait3A_150 = arith.constant 0 : i32
          %dma_wait3A_151 = arith.constant 0 : i32
          %dma_wait3A_152 = tpu.memref_slice %arg14[%dma_wait3A_150, %dma_wait3A_151] : memref<10000x128xf32, #tpu.memory_space<vmem_shared>> -> memref<10000x128xf32, #tpu.memory_space<vmem_shared>>
          tpu.wait_indirect_dma semaphore(%arg18 : memref<!tpu.dma_semaphore, #tpu.memory_space<semaphore_mem>>) src(%arg13 : memref<125x128xf32, #tpu.memory_space<vmem>>) dst(%dma_wait3A_152 : memref<10000x128xf32, #tpu.memory_space<vmem_shared>>)
        } else {
        }
        %add3A_103 = arith.constant 1 : i32
        %add3A_104 = arith.addi %mul3A_98, %add3A_103 : i32
        %dma_start3A_105 = arith.constant 0 : i32
        %dma_start3A_106 = tpu.memref_slice %arg10[%add3A_104, %dma_start3A_105] : memref<40x125xi32, #tpu.memory_space<vmem>> -> memref<1x125xi32, #tpu.memory_space<vmem>>
        %dma_start3A_107 = tpu.memref_squeeze %dma_start3A_106 : memref<1x125xi32, #tpu.memory_space<vmem>> -> memref<125xi32, #tpu.memory_space<vmem>>
        %dma_start3A_108 = arith.constant 0 : i32
        %dma_start3A_109 = arith.constant 0 : i32
        %dma_start3A_110 = tpu.memref_slice %arg5[%dma_start3A_108, %dma_start3A_109] : memref<10000x128xf32, #tpu.memory_space<hbm>> -> memref<10000x128xf32, #tpu.memory_space<hbm>>
        tpu.enqueue_indirect_dma source(%dma_start3A_110 : memref<10000x128xf32, #tpu.memory_space<hbm>>) target(%arg13 : memref<125x128xf32, #tpu.memory_space<vmem>>) offsets(%dma_start3A_107 : memref<125xi32, #tpu.memory_space<vmem>>) semaphore(%arg16 : memref<!tpu.dma_semaphore, #tpu.memory_space<semaphore_mem>>)
        %dma_wait3A_111 = arith.constant 0 : i32
        %dma_wait3A_112 = arith.constant 0 : i32
        %dma_wait3A_113 = tpu.memref_slice %arg10[%dma_wait3A_111, %dma_wait3A_112] : memref<40x125xi32, #tpu.memory_space<vmem>> -> memref<1x125xi32, #tpu.memory_space<vmem>>
        %dma_wait3A_114 = tpu.memref_squeeze %dma_wait3A_113 : memref<1x125xi32, #tpu.memory_space<vmem>> -> memref<125xi32, #tpu.memory_space<vmem>>
        %dma_wait3A_115 = arith.constant 0 : i32
        %dma_wait3A_116 = arith.constant 0 : i32
        %dma_wait3A_117 = tpu.memref_slice %arg5[%dma_wait3A_115, %dma_wait3A_116] : memref<10000x128xf32, #tpu.memory_space<hbm>> -> memref<10000x128xf32, #tpu.memory_space<hbm>>
        tpu.wait_indirect_dma semaphore(%arg15 : memref<!tpu.dma_semaphore, #tpu.memory_space<semaphore_mem>>) src(%dma_wait3A_117 : memref<10000x128xf32, #tpu.memory_space<hbm>>) dst(%arg12 : memref<125x128xf32, #tpu.memory_space<vmem>>)
        %dma_start3A_118 = arith.constant 0 : i32
        %dma_start3A_119 = tpu.memref_slice %arg11[%mul3A_98, %dma_start3A_118] : memref<40x125xi32, #tpu.memory_space<vmem>> -> memref<1x125xi32, #tpu.memory_space<vmem>>
        %dma_start3A_120 = tpu.memref_squeeze %dma_start3A_119 : memref<1x125xi32, #tpu.memory_space<vmem>> -> memref<125xi32, #tpu.memory_space<vmem>>
        %dma_start3A_121 = arith.constant 0 : i32
        %dma_start3A_122 = arith.constant 0 : i32
        %dma_start3A_123 = tpu.memref_slice %arg14[%dma_start3A_121, %dma_start3A_122] : memref<10000x128xf32, #tpu.memory_space<vmem_shared>> -> memref<10000x128xf32, #tpu.memory_space<vmem_shared>>
        tpu.enqueue_indirect_dma source(%arg12 : memref<125x128xf32, #tpu.memory_space<vmem>>) target(%dma_start3A_123 : memref<10000x128xf32, #tpu.memory_space<vmem_shared>>) offsets(%dma_start3A_120 : memref<125xi32, #tpu.memory_space<vmem>>) semaphore(%arg17 : memref<!tpu.dma_semaphore, #tpu.memory_space<semaphore_mem>>) {add = true}
        %add3A_124 = arith.constant 2 : i32
        %add3A_125 = arith.addi %mul3A_98, %add3A_124 : i32
        %lt3A = arith.constant 40 : i32
        %lt3A_126 = arith.cmpi slt, %add3A_125, %lt3A : i32
        %convert_element_type3A_127 = arith.extui %lt3A_126 : i1 to i32
        %cond3A_128 = arith.constant 0 : i32
        %cond3A_129 = arith.cmpi ne, %convert_element_type3A_127, %cond3A_128 : i32
        scf.if %cond3A_129 {
          %dma_wait3A_146 = arith.constant 0 : i32
          %dma_wait3A_147 = arith.constant 0 : i32
          %dma_wait3A_148 = tpu.memref_slice %arg11[%dma_wait3A_146, %dma_wait3A_147] : memref<40x125xi32, #tpu.memory_space<vmem>> -> memref<1x125xi32, #tpu.memory_space<vmem>>
          %dma_wait3A_149 = tpu.memref_squeeze %dma_wait3A_148 : memref<1x125xi32, #tpu.memory_space<vmem>> -> memref<125xi32, #tpu.memory_space<vmem>>
          %dma_wait3A_150 = arith.constant 0 : i32
          %dma_wait3A_151 = arith.constant 0 : i32
          %dma_wait3A_152 = tpu.memref_slice %arg14[%dma_wait3A_150, %dma_wait3A_151] : memref<10000x128xf32, #tpu.memory_space<vmem_shared>> -> memref<10000x128xf32, #tpu.memory_space<vmem_shared>>
          tpu.wait_indirect_dma semaphore(%arg17 : memref<!tpu.dma_semaphore, #tpu.memory_space<semaphore_mem>>) src(%arg12 : memref<125x128xf32, #tpu.memory_space<vmem>>) dst(%dma_wait3A_152 : memref<10000x128xf32, #tpu.memory_space<vmem_shared>>)
          %add3A_153 = arith.constant 2 : i32
          %add3A_154 = arith.addi %mul3A_98, %add3A_153 : i32
          %dma_start3A_155 = arith.constant 0 : i32
          %dma_start3A_156 = tpu.memref_slice %arg10[%add3A_154, %dma_start3A_155] : memref<40x125xi32, #tpu.memory_space<vmem>> -> memref<1x125xi32, #tpu.memory_space<vmem>>
          %dma_start3A_157 = tpu.memref_squeeze %dma_start3A_156 : memref<1x125xi32, #tpu.memory_space<vmem>> -> memref<125xi32, #tpu.memory_space<vmem>>
          %dma_start3A_158 = arith.constant 0 : i32
          %dma_start3A_159 = arith.constant 0 : i32
          %dma_start3A_160 = tpu.memref_slice %arg5[%dma_start3A_158, %dma_start3A_159] : memref<10000x128xf32, #tpu.memory_space<hbm>> -> memref<10000x128xf32, #tpu.memory_space<hbm>>
          tpu.enqueue_indirect_dma source(%dma_start3A_160 : memref<10000x128xf32, #tpu.memory_space<hbm>>) target(%arg12 : memref<125x128xf32, #tpu.memory_space<vmem>>) offsets(%dma_start3A_157 : memref<125xi32, #tpu.memory_space<vmem>>) semaphore(%arg15 : memref<!tpu.dma_semaphore, #tpu.memory_space<semaphore_mem>>)
        } else {
        }
        %dma_wait3A_130 = arith.constant 0 : i32
        %dma_wait3A_131 = arith.constant 0 : i32
        %dma_wait3A_132 = tpu.memref_slice %arg10[%dma_wait3A_130, %dma_wait3A_131] : memref<40x125xi32, #tpu.memory_space<vmem>> -> memref<1x125xi32, #tpu.memory_space<vmem>>
        %dma_wait3A_133 = tpu.memref_squeeze %dma_wait3A_132 : memref<1x125xi32, #tpu.memory_space<vmem>> -> memref<125xi32, #tpu.memory_space<vmem>>
        %dma_wait3A_134 = arith.constant 0 : i32
        %dma_wait3A_135 = arith.constant 0 : i32
        %dma_wait3A_136 = tpu.memref_slice %arg5[%dma_wait3A_134, %dma_wait3A_135] : memref<10000x128xf32, #tpu.memory_space<hbm>> -> memref<10000x128xf32, #tpu.memory_space<hbm>>
        tpu.wait_indirect_dma semaphore(%arg16 : memref<!tpu.dma_semaphore, #tpu.memory_space<semaphore_mem>>) src(%dma_wait3A_136 : memref<10000x128xf32, #tpu.memory_space<hbm>>) dst(%arg13 : memref<125x128xf32, #tpu.memory_space<vmem>>)
        %add3A_137 = arith.constant 1 : i32
        %add3A_138 = arith.addi %mul3A_98, %add3A_137 : i32
        %dma_start3A_139 = arith.constant 0 : i32
        %dma_start3A_140 = tpu.memref_slice %arg11[%add3A_138, %dma_start3A_139] : memref<40x125xi32, #tpu.memory_space<vmem>> -> memref<1x125xi32, #tpu.memory_space<vmem>>
        %dma_start3A_141 = tpu.memref_squeeze %dma_start3A_140 : memref<1x125xi32, #tpu.memory_space<vmem>> -> memref<125xi32, #tpu.memory_space<vmem>>
        %dma_start3A_142 = arith.constant 0 : i32
        %dma_start3A_143 = arith.constant 0 : i32
        %dma_start3A_144 = tpu.memref_slice %arg14[%dma_start3A_142, %dma_start3A_143] : memref<10000x128xf32, #tpu.memory_space<vmem_shared>> -> memref<10000x128xf32, #tpu.memory_space<vmem_shared>>
        tpu.enqueue_indirect_dma source(%arg13 : memref<125x128xf32, #tpu.memory_space<vmem>>) target(%dma_start3A_144 : memref<10000x128xf32, #tpu.memory_space<vmem_shared>>) offsets(%dma_start3A_141 : memref<125xi32, #tpu.memory_space<vmem>>) semaphore(%arg18 : memref<!tpu.dma_semaphore, #tpu.memory_space<semaphore_mem>>) {add = true}
        %scan3A_145 = arith.constant 0 : i32
        scf.yield %scan3A_145 : i32
      }
      %scan3A_65 = arith.constant 20 : i32
      %dma_wait3A_66 = arith.constant 0 : i32
      %dma_wait3A_67 = arith.constant 0 : i32
      %dma_wait3A_68 = tpu.memref_slice %arg11[%dma_wait3A_66, %dma_wait3A_67] : memref<40x125xi32, #tpu.memory_space<vmem>> -> memref<1x125xi32, #tpu.memory_space<vmem>>
      %dma_wait3A_69 = tpu.memref_squeeze %dma_wait3A_68 : memref<1x125xi32, #tpu.memory_space<vmem>> -> memref<125xi32, #tpu.memory_space<vmem>>
      %dma_wait3A_70 = arith.constant 0 : i32
      %dma_wait3A_71 = arith.constant 0 : i32
      %dma_wait3A_72 = tpu.memref_slice %arg14[%dma_wait3A_70, %dma_wait3A_71] : memref<10000x128xf32, #tpu.memory_space<vmem_shared>> -> memref<10000x128xf32, #tpu.memory_space<vmem_shared>>
      tpu.wait_indirect_dma semaphore(%arg17 : memref<!tpu.dma_semaphore, #tpu.memory_space<semaphore_mem>>) src(%arg12 : memref<125x128xf32, #tpu.memory_space<vmem>>) dst(%dma_wait3A_72 : memref<10000x128xf32, #tpu.memory_space<vmem_shared>>)
      %dma_wait3A_73 = arith.constant 0 : i32
      %dma_wait3A_74 = arith.constant 0 : i32
      %dma_wait3A_75 = tpu.memref_slice %arg11[%dma_wait3A_73, %dma_wait3A_74] : memref<40x125xi32, #tpu.memory_space<vmem>> -> memref<1x125xi32, #tpu.memory_space<vmem>>
      %dma_wait3A_76 = tpu.memref_squeeze %dma_wait3A_75 : memref<1x125xi32, #tpu.memory_space<vmem>> -> memref<125xi32, #tpu.memory_space<vmem>>
      %dma_wait3A_77 = arith.constant 0 : i32
      %dma_wait3A_78 = arith.constant 0 : i32
      %dma_wait3A_79 = tpu.memref_slice %arg14[%dma_wait3A_77, %dma_wait3A_78] : memref<10000x128xf32, #tpu.memory_space<vmem_shared>> -> memref<10000x128xf32, #tpu.memory_space<vmem_shared>>
      tpu.wait_indirect_dma semaphore(%arg18 : memref<!tpu.dma_semaphore, #tpu.memory_space<semaphore_mem>>) src(%arg13 : memref<125x128xf32, #tpu.memory_space<vmem>>) dst(%dma_wait3A_79 : memref<10000x128xf32, #tpu.memory_space<vmem_shared>>)
      %barrier3A_80 = arith.constant 0 : index
      tpu.barrier barrier_id(%barrier3A_80)
      %scan3A_81 = arith.constant 0 : i32
      %scan3A_82 = arith.constant 0 : i32
      %scan3A_83 = arith.constant 8 : i32
      %scan3A_84 = arith.addi %scan3A_82, %scan3A_83 : i32
      %scan3A_85 = arith.constant 1 : i32
      %scan3A_86 = scf.for %scan3A_95 = %scan3A_82 to %scan3A_84 step %scan3A_85 iter_args(%scan3A_96 = %scan3A_81) -> (i32)  : i32 {
        %mul3A_97 = arith.constant 16 : i32
        %mul3A_98 = arith.muli %scan3A_95, %mul3A_97 : i32
        %add3A_99 = arith.addi %mul3A_98, %arg1 : i32
        %lt3A = arith.constant 125 : i32
        %lt3A_100 = arith.cmpi slt, %add3A_99, %lt3A : i32
        %convert_element_type3A_101 = arith.extui %lt3A_100 : i1 to i32
        %cond3A_102 = arith.constant 0 : i32
        %cond3A_103 = arith.cmpi ne, %convert_element_type3A_101, %cond3A_102 : i32
        scf.if %cond3A_103 {
          %mul3A_105 = arith.constant 80 : i32
          %mul3A_106 = arith.muli %add3A_99, %mul3A_105 : i32
          %dma_start3A_107 = arith.constant 0 : i32
          %dma_start3A_108 = tpu.memref_slice %arg9[%mul3A_106, %dma_start3A_107] : memref<10000x128xf32, #tpu.memory_space<hbm>> -> memref<80x128xf32, #tpu.memory_space<hbm>>
          %dma_start3A_109 = arith.constant 0 : i32
          %dma_start3A_110 = tpu.memref_slice %arg14[%mul3A_106, %dma_start3A_109] : memref<10000x128xf32, #tpu.memory_space<vmem_shared>> -> memref<80x128xf32, #tpu.memory_space<vmem_shared>>
          tpu.enqueue_dma source(%dma_start3A_110 : memref<80x128xf32, #tpu.memory_space<vmem_shared>>) target(%dma_start3A_108 : memref<80x128xf32, #tpu.memory_space<hbm>>) target_semaphore(%arg15 : memref<!tpu.dma_semaphore, #tpu.memory_space<semaphore_mem>>)
        } else {
        }
        %scan3A_104 = arith.constant 0 : i32
        scf.yield %scan3A_104 : i32
      }
      %scan3A_87 = arith.constant 8 : i32
      %scan3A_88 = arith.constant 0 : i32
      %scan3A_89 = arith.constant 0 : i32
      %scan3A_90 = arith.constant 8 : i32
      %scan3A_91 = arith.addi %scan3A_89, %scan3A_90 : i32
      %scan3A_92 = arith.constant 1 : i32
      %scan3A_93 = scf.for %scan3A_95 = %scan3A_89 to %scan3A_91 step %scan3A_92 iter_args(%scan3A_96 = %scan3A_88) -> (i32)  : i32 {
        %mul3A_97 = arith.constant 16 : i32
        %mul3A_98 = arith.muli %scan3A_95, %mul3A_97 : i32
        %add3A_99 = arith.addi %mul3A_98, %arg1 : i32
        %lt3A = arith.constant 125 : i32
        %lt3A_100 = arith.cmpi slt, %add3A_99, %lt3A : i32
        %convert_element_type3A_101 = arith.extui %lt3A_100 : i1 to i32
        %cond3A_102 = arith.constant 0 : i32
        %cond3A_103 = arith.cmpi ne, %convert_element_type3A_101, %cond3A_102 : i32
        scf.if %cond3A_103 {
          %dma_wait3A_105 = arith.constant 0 : i32
          %dma_wait3A_106 = arith.constant 0 : i32
          %dma_wait3A_107 = tpu.memref_slice %arg9[%dma_wait3A_105, %dma_wait3A_106] : memref<10000x128xf32, #tpu.memory_space<hbm>> -> memref<80x128xf32, #tpu.memory_space<hbm>>
          %dma_wait3A_108 = arith.constant 0 : i32
          %dma_wait3A_109 = arith.constant 0 : i32
          %dma_wait3A_110 = tpu.memref_slice %arg14[%dma_wait3A_108, %dma_wait3A_109] : memref<10000x128xf32, #tpu.memory_space<vmem_shared>> -> memref<80x128xf32, #tpu.memory_space<vmem_shared>>
          tpu.wait_dma2 semaphore(%arg15 : memref<!tpu.dma_semaphore, #tpu.memory_space<semaphore_mem>>) src(%dma_wait3A_110 : memref<80x128xf32, #tpu.memory_space<vmem_shared>>) dst(%dma_wait3A_107 : memref<80x128xf32, #tpu.memory_space<hbm>>)
        } else {
        }
        %scan3A_104 = arith.constant 0 : i32
        scf.yield %scan3A_104 : i32
      }
      %scan3A_94 = arith.constant 8 : i32
    } else {
    }
    return
  }
}

#map = affine_map<(d0, d1) -> (0, 0)>
module attributes {stable_mosaic.version = 14 : i64} {
  func.func @sc2(%arg0: i32, %arg1: i32, %arg2: memref<1280x125xi32, #tpu.memory_space<hbm>>, %arg3: memref<1280x125xi32, #tpu.memory_space<hbm>>, %arg4: memref<10000x128xf32, #tpu.memory_space<hbm>>, %arg5: memref<10000x128xf32, #tpu.memory_space<hbm>>, %arg6: memref<10000x128xf32, #tpu.memory_space<hbm>>, %arg7: memref<10000x128xf32, #tpu.memory_space<hbm>>, %arg8: memref<40x125xi32, #tpu.memory_space<vmem>>, %arg9: memref<40x125xi32, #tpu.memory_space<vmem>>, %arg10: memref<125x128xf32, #tpu.memory_space<vmem>>, %arg11: memref<125x128xf32, #tpu.memory_space<vmem>>, %arg12: memref<10000x128xf32, #tpu.memory_space<vmem_shared>>, %arg13: memref<!tpu.dma_semaphore, #tpu.memory_space<semaphore_mem>>, %arg14: memref<!tpu.dma_semaphore, #tpu.memory_space<semaphore_mem>>, %arg15: memref<!tpu.dma_semaphore, #tpu.memory_space<semaphore_mem>>, %arg16: memref<!tpu.dma_semaphore, #tpu.memory_space<semaphore_mem>>) attributes {dimension_semantics = [#tpu.dimension_semantics<core_parallel>, #tpu.dimension_semantics<subcore_parallel>], iteration_bounds = array<i64: 2, 16>, scalar_prefetch = 0 : i64, scratch_operands = 9 : i64, tpu.core_type = #tpu.core_type<sc_vector_subcore>, window_params = [{transform_indices = #map}, {transform_indices = #map}, {transform_indices = #map}, {transform_indices = #map}, {transform_indices = #map}, {transform_indices = #map}]} {
    %mul3A = arith.constant 16 : i32
    %mul3A_0 = arith.muli %arg0, %mul3A : i32
    %add3A = arith.addi %mul3A_0, %arg1 : i32
    %mul3A_1 = arith.constant 40 : i32
    %mul3A_2 = arith.muli %add3A, %mul3A_1 : i32
    "tpu.region"() ({
      %run_scoped3A = tpu.sem_alloc : memref<!tpu.dma_semaphore, #tpu.memory_space<semaphore_mem>>
      %dma_start3A_50 = arith.constant 0 : i32
      %dma_start3A_51 = tpu.memref_slice %arg2[%mul3A_2, %dma_start3A_50] : memref<1280x125xi32, #tpu.memory_space<hbm>> -> memref<40x125xi32, #tpu.memory_space<hbm>>
      %dma_start3A_52 = arith.constant 0 : i32
      %dma_start3A_53 = tpu.memref_slice %arg2[%mul3A_2, %dma_start3A_52] : memref<1280x125xi32, #tpu.memory_space<hbm>> -> memref<40x125xi32, #tpu.memory_space<hbm>>
      tpu.enqueue_dma source(%dma_start3A_53 : memref<40x125xi32, #tpu.memory_space<hbm>>) target(%arg8 : memref<40x125xi32, #tpu.memory_space<vmem>>) target_semaphore(%run_scoped3A : memref<!tpu.dma_semaphore, #tpu.memory_space<semaphore_mem>>)
      %dma_wait3A_54 = arith.constant 0 : i32
      %dma_wait3A_55 = tpu.memref_slice %arg2[%mul3A_2, %dma_wait3A_54] : memref<1280x125xi32, #tpu.memory_space<hbm>> -> memref<40x125xi32, #tpu.memory_space<hbm>>
      %dma_wait3A_56 = arith.constant 0 : i32
      %dma_wait3A_57 = tpu.memref_slice %arg2[%mul3A_2, %dma_wait3A_56] : memref<1280x125xi32, #tpu.memory_space<hbm>> -> memref<40x125xi32, #tpu.memory_space<hbm>>
      tpu.wait_dma2 semaphore(%run_scoped3A : memref<!tpu.dma_semaphore, #tpu.memory_space<semaphore_mem>>) src(%dma_wait3A_57 : memref<40x125xi32, #tpu.memory_space<hbm>>) dst(%arg8 : memref<40x125xi32, #tpu.memory_space<vmem>>)
      tpu.yield
    }) : () -> ()
    "tpu.region"() ({
      %run_scoped3A = tpu.sem_alloc : memref<!tpu.dma_semaphore, #tpu.memory_space<semaphore_mem>>
      %dma_start3A_50 = arith.constant 0 : i32
      %dma_start3A_51 = tpu.memref_slice %arg3[%mul3A_2, %dma_start3A_50] : memref<1280x125xi32, #tpu.memory_space<hbm>> -> memref<40x125xi32, #tpu.memory_space<hbm>>
      %dma_start3A_52 = arith.constant 0 : i32
      %dma_start3A_53 = tpu.memref_slice %arg3[%mul3A_2, %dma_start3A_52] : memref<1280x125xi32, #tpu.memory_space<hbm>> -> memref<40x125xi32, #tpu.memory_space<hbm>>
      tpu.enqueue_dma source(%dma_start3A_53 : memref<40x125xi32, #tpu.memory_space<hbm>>) target(%arg9 : memref<40x125xi32, #tpu.memory_space<vmem>>) target_semaphore(%run_scoped3A : memref<!tpu.dma_semaphore, #tpu.memory_space<semaphore_mem>>)
      %dma_wait3A_54 = arith.constant 0 : i32
      %dma_wait3A_55 = tpu.memref_slice %arg3[%mul3A_2, %dma_wait3A_54] : memref<1280x125xi32, #tpu.memory_space<hbm>> -> memref<40x125xi32, #tpu.memory_space<hbm>>
      %dma_wait3A_56 = arith.constant 0 : i32
      %dma_wait3A_57 = tpu.memref_slice %arg3[%mul3A_2, %dma_wait3A_56] : memref<1280x125xi32, #tpu.memory_space<hbm>> -> memref<40x125xi32, #tpu.memory_space<hbm>>
      tpu.wait_dma2 semaphore(%run_scoped3A : memref<!tpu.dma_semaphore, #tpu.memory_space<semaphore_mem>>) src(%dma_wait3A_57 : memref<40x125xi32, #tpu.memory_space<hbm>>) dst(%arg9 : memref<40x125xi32, #tpu.memory_space<vmem>>)
      tpu.yield
    }) : () -> ()
    %scan3A = arith.constant 0 : i32
    %scan3A_3 = arith.constant 0 : i32
    %scan3A_4 = arith.constant 8 : i32
    %scan3A_5 = arith.addi %scan3A_3, %scan3A_4 : i32
    %scan3A_6 = arith.constant 1 : i32
    %scan3A_7 = scf.for %scan3A_50 = %scan3A_3 to %scan3A_5 step %scan3A_6 iter_args(%scan3A_51 = %scan3A) -> (i32)  : i32 {
      %mul3A_52 = arith.constant 16 : i32
      %mul3A_53 = arith.muli %scan3A_50, %mul3A_52 : i32
      %add3A_54 = arith.addi %mul3A_53, %arg1 : i32
      %lt3A = arith.constant 125 : i32
      %lt3A_55 = arith.cmpi slt, %add3A_54, %lt3A : i32
      %convert_element_type3A_56 = arith.extui %lt3A_55 : i1 to i32
      %cond3A_57 = arith.constant 0 : i32
      %cond3A_58 = arith.cmpi ne, %convert_element_type3A_56, %cond3A_57 : i32
      scf.if %cond3A_58 {
        %mul3A_60 = arith.constant 80 : i32
        %mul3A_61 = arith.muli %add3A_54, %mul3A_60 : i32
        %dma_start3A_62 = arith.constant 0 : i32
        %dma_start3A_63 = tpu.memref_slice %arg12[%mul3A_61, %dma_start3A_62] : memref<10000x128xf32, #tpu.memory_space<vmem_shared>> -> memref<80x128xf32, #tpu.memory_space<vmem_shared>>
        %dma_start3A_64 = arith.constant 0 : i32
        %dma_start3A_65 = tpu.memref_slice %arg5[%mul3A_61, %dma_start3A_64] : memref<10000x128xf32, #tpu.memory_space<hbm>> -> memref<80x128xf32, #tpu.memory_space<hbm>>
        tpu.enqueue_dma source(%dma_start3A_65 : memref<80x128xf32, #tpu.memory_space<hbm>>) target(%dma_start3A_63 : memref<80x128xf32, #tpu.memory_space<vmem_shared>>) target_semaphore(%arg13 : memref<!tpu.dma_semaphore, #tpu.memory_space<semaphore_mem>>)
      } else {
      }
      %scan3A_59 = arith.constant 0 : i32
      scf.yield %scan3A_59 : i32
    }
    %scan3A_8 = arith.constant 8 : i32
    %scan3A_9 = arith.constant 0 : i32
    %scan3A_10 = arith.constant 0 : i32
    %scan3A_11 = arith.constant 8 : i32
    %scan3A_12 = arith.addi %scan3A_10, %scan3A_11 : i32
    %scan3A_13 = arith.constant 1 : i32
    %scan3A_14 = scf.for %scan3A_50 = %scan3A_10 to %scan3A_12 step %scan3A_13 iter_args(%scan3A_51 = %scan3A_9) -> (i32)  : i32 {
      %mul3A_52 = arith.constant 16 : i32
      %mul3A_53 = arith.muli %scan3A_50, %mul3A_52 : i32
      %add3A_54 = arith.addi %mul3A_53, %arg1 : i32
      %lt3A = arith.constant 125 : i32
      %lt3A_55 = arith.cmpi slt, %add3A_54, %lt3A : i32
      %convert_element_type3A_56 = arith.extui %lt3A_55 : i1 to i32
      %cond3A_57 = arith.constant 0 : i32
      %cond3A_58 = arith.cmpi ne, %convert_element_type3A_56, %cond3A_57 : i32
      scf.if %cond3A_58 {
        %dma_wait3A_60 = arith.constant 0 : i32
        %dma_wait3A_61 = arith.constant 0 : i32
        %dma_wait3A_62 = tpu.memref_slice %arg12[%dma_wait3A_60, %dma_wait3A_61] : memref<10000x128xf32, #tpu.memory_space<vmem_shared>> -> memref<80x128xf32, #tpu.memory_space<vmem_shared>>
        %dma_wait3A_63 = arith.constant 0 : i32
        %dma_wait3A_64 = arith.constant 0 : i32
        %dma_wait3A_65 = tpu.memref_slice %arg5[%dma_wait3A_63, %dma_wait3A_64] : memref<10000x128xf32, #tpu.memory_space<hbm>> -> memref<80x128xf32, #tpu.memory_space<hbm>>
        tpu.wait_dma2 semaphore(%arg13 : memref<!tpu.dma_semaphore, #tpu.memory_space<semaphore_mem>>) src(%dma_wait3A_65 : memref<80x128xf32, #tpu.memory_space<hbm>>) dst(%dma_wait3A_62 : memref<80x128xf32, #tpu.memory_space<vmem_shared>>)
      } else {
      }
      %scan3A_59 = arith.constant 0 : i32
      scf.yield %scan3A_59 : i32
    }
    %scan3A_15 = arith.constant 8 : i32
    %barrier3A = arith.constant 0 : index
    tpu.barrier barrier_id(%barrier3A)
    %dma_start3A = arith.constant 0 : i32
    %dma_start3A_16 = arith.constant 0 : i32
    %dma_start3A_17 = tpu.memref_slice %arg8[%dma_start3A, %dma_start3A_16] : memref<40x125xi32, #tpu.memory_space<vmem>> -> memref<1x125xi32, #tpu.memory_space<vmem>>
    %dma_start3A_18 = tpu.memref_squeeze %dma_start3A_17 : memref<1x125xi32, #tpu.memory_space<vmem>> -> memref<125xi32, #tpu.memory_space<vmem>>
    %dma_start3A_19 = arith.constant 0 : i32
    %dma_start3A_20 = arith.constant 0 : i32
    %dma_start3A_21 = tpu.memref_slice %arg4[%dma_start3A_19, %dma_start3A_20] : memref<10000x128xf32, #tpu.memory_space<hbm>> -> memref<10000x128xf32, #tpu.memory_space<hbm>>
    tpu.enqueue_indirect_dma source(%dma_start3A_21 : memref<10000x128xf32, #tpu.memory_space<hbm>>) target(%arg10 : memref<125x128xf32, #tpu.memory_space<vmem>>) offsets(%dma_start3A_18 : memref<125xi32, #tpu.memory_space<vmem>>) semaphore(%arg13 : memref<!tpu.dma_semaphore, #tpu.memory_space<semaphore_mem>>)
    %scan3A_22 = arith.constant 0 : i32
    %scan3A_23 = arith.constant 0 : i32
    %scan3A_24 = arith.constant 20 : i32
    %scan3A_25 = arith.addi %scan3A_23, %scan3A_24 : i32
    %scan3A_26 = arith.constant 1 : i32
    %scan3A_27 = scf.for %scan3A_50 = %scan3A_23 to %scan3A_25 step %scan3A_26 iter_args(%scan3A_51 = %scan3A_22) -> (i32)  : i32 {
      %mul3A_52 = arith.constant 2 : i32
      %mul3A_53 = arith.muli %mul3A_52, %scan3A_50 : i32
      %gt3A = arith.constant 0 : i32
      %gt3A_54 = arith.cmpi sgt, %scan3A_50, %gt3A : i32
      %convert_element_type3A_55 = arith.extui %gt3A_54 : i1 to i32
      %cond3A_56 = arith.constant 0 : i32
      %cond3A_57 = arith.cmpi ne, %convert_element_type3A_55, %cond3A_56 : i32
      scf.if %cond3A_57 {
        %dma_wait3A_101 = arith.constant 0 : i32
        %dma_wait3A_102 = arith.constant 0 : i32
        %dma_wait3A_103 = tpu.memref_slice %arg9[%dma_wait3A_101, %dma_wait3A_102] : memref<40x125xi32, #tpu.memory_space<vmem>> -> memref<1x125xi32, #tpu.memory_space<vmem>>
        %dma_wait3A_104 = tpu.memref_squeeze %dma_wait3A_103 : memref<1x125xi32, #tpu.memory_space<vmem>> -> memref<125xi32, #tpu.memory_space<vmem>>
        %dma_wait3A_105 = arith.constant 0 : i32
        %dma_wait3A_106 = arith.constant 0 : i32
        %dma_wait3A_107 = tpu.memref_slice %arg12[%dma_wait3A_105, %dma_wait3A_106] : memref<10000x128xf32, #tpu.memory_space<vmem_shared>> -> memref<10000x128xf32, #tpu.memory_space<vmem_shared>>
        tpu.wait_indirect_dma semaphore(%arg16 : memref<!tpu.dma_semaphore, #tpu.memory_space<semaphore_mem>>) src(%arg11 : memref<125x128xf32, #tpu.memory_space<vmem>>) dst(%dma_wait3A_107 : memref<10000x128xf32, #tpu.memory_space<vmem_shared>>)
      } else {
      }
      %add3A_58 = arith.constant 1 : i32
      %add3A_59 = arith.addi %mul3A_53, %add3A_58 : i32
      %dma_start3A_60 = arith.constant 0 : i32
      %dma_start3A_61 = tpu.memref_slice %arg8[%add3A_59, %dma_start3A_60] : memref<40x125xi32, #tpu.memory_space<vmem>> -> memref<1x125xi32, #tpu.memory_space<vmem>>
      %dma_start3A_62 = tpu.memref_squeeze %dma_start3A_61 : memref<1x125xi32, #tpu.memory_space<vmem>> -> memref<125xi32, #tpu.memory_space<vmem>>
      %dma_start3A_63 = arith.constant 0 : i32
      %dma_start3A_64 = arith.constant 0 : i32
      %dma_start3A_65 = tpu.memref_slice %arg4[%dma_start3A_63, %dma_start3A_64] : memref<10000x128xf32, #tpu.memory_space<hbm>> -> memref<10000x128xf32, #tpu.memory_space<hbm>>
      tpu.enqueue_indirect_dma source(%dma_start3A_65 : memref<10000x128xf32, #tpu.memory_space<hbm>>) target(%arg11 : memref<125x128xf32, #tpu.memory_space<vmem>>) offsets(%dma_start3A_62 : memref<125xi32, #tpu.memory_space<vmem>>) semaphore(%arg14 : memref<!tpu.dma_semaphore, #tpu.memory_space<semaphore_mem>>)
      %dma_wait3A_66 = arith.constant 0 : i32
      %dma_wait3A_67 = arith.constant 0 : i32
      %dma_wait3A_68 = tpu.memref_slice %arg8[%dma_wait3A_66, %dma_wait3A_67] : memref<40x125xi32, #tpu.memory_space<vmem>> -> memref<1x125xi32, #tpu.memory_space<vmem>>
      %dma_wait3A_69 = tpu.memref_squeeze %dma_wait3A_68 : memref<1x125xi32, #tpu.memory_space<vmem>> -> memref<125xi32, #tpu.memory_space<vmem>>
      %dma_wait3A_70 = arith.constant 0 : i32
      %dma_wait3A_71 = arith.constant 0 : i32
      %dma_wait3A_72 = tpu.memref_slice %arg4[%dma_wait3A_70, %dma_wait3A_71] : memref<10000x128xf32, #tpu.memory_space<hbm>> -> memref<10000x128xf32, #tpu.memory_space<hbm>>
      tpu.wait_indirect_dma semaphore(%arg13 : memref<!tpu.dma_semaphore, #tpu.memory_space<semaphore_mem>>) src(%dma_wait3A_72 : memref<10000x128xf32, #tpu.memory_space<hbm>>) dst(%arg10 : memref<125x128xf32, #tpu.memory_space<vmem>>)
      %dma_start3A_73 = arith.constant 0 : i32
      %dma_start3A_74 = tpu.memref_slice %arg9[%mul3A_53, %dma_start3A_73] : memref<40x125xi32, #tpu.memory_space<vmem>> -> memref<1x125xi32, #tpu.memory_space<vmem>>
      %dma_start3A_75 = tpu.memref_squeeze %dma_start3A_74 : memref<1x125xi32, #tpu.memory_space<vmem>> -> memref<125xi32, #tpu.memory_space<vmem>>
      %dma_start3A_76 = arith.constant 0 : i32
      %dma_start3A_77 = arith.constant 0 : i32
      %dma_start3A_78 = tpu.memref_slice %arg12[%dma_start3A_76, %dma_start3A_77] : memref<10000x128xf32, #tpu.memory_space<vmem_shared>> -> memref<10000x128xf32, #tpu.memory_space<vmem_shared>>
      tpu.enqueue_indirect_dma source(%arg10 : memref<125x128xf32, #tpu.memory_space<vmem>>) target(%dma_start3A_78 : memref<10000x128xf32, #tpu.memory_space<vmem_shared>>) offsets(%dma_start3A_75 : memref<125xi32, #tpu.memory_space<vmem>>) semaphore(%arg15 : memref<!tpu.dma_semaphore, #tpu.memory_space<semaphore_mem>>) {add = true}
      %add3A_79 = arith.constant 2 : i32
      %add3A_80 = arith.addi %mul3A_53, %add3A_79 : i32
      %lt3A = arith.constant 40 : i32
      %lt3A_81 = arith.cmpi slt, %add3A_80, %lt3A : i32
      %convert_element_type3A_82 = arith.extui %lt3A_81 : i1 to i32
      %cond3A_83 = arith.constant 0 : i32
      %cond3A_84 = arith.cmpi ne, %convert_element_type3A_82, %cond3A_83 : i32
      scf.if %cond3A_84 {
        %dma_wait3A_101 = arith.constant 0 : i32
        %dma_wait3A_102 = arith.constant 0 : i32
        %dma_wait3A_103 = tpu.memref_slice %arg9[%dma_wait3A_101, %dma_wait3A_102] : memref<40x125xi32, #tpu.memory_space<vmem>> -> memref<1x125xi32, #tpu.memory_space<vmem>>
        %dma_wait3A_104 = tpu.memref_squeeze %dma_wait3A_103 : memref<1x125xi32, #tpu.memory_space<vmem>> -> memref<125xi32, #tpu.memory_space<vmem>>
        %dma_wait3A_105 = arith.constant 0 : i32
        %dma_wait3A_106 = arith.constant 0 : i32
        %dma_wait3A_107 = tpu.memref_slice %arg12[%dma_wait3A_105, %dma_wait3A_106] : memref<10000x128xf32, #tpu.memory_space<vmem_shared>> -> memref<10000x128xf32, #tpu.memory_space<vmem_shared>>
        tpu.wait_indirect_dma semaphore(%arg15 : memref<!tpu.dma_semaphore, #tpu.memory_space<semaphore_mem>>) src(%arg10 : memref<125x128xf32, #tpu.memory_space<vmem>>) dst(%dma_wait3A_107 : memref<10000x128xf32, #tpu.memory_space<vmem_shared>>)
        %add3A_108 = arith.constant 2 : i32
        %add3A_109 = arith.addi %mul3A_53, %add3A_108 : i32
        %dma_start3A_110 = arith.constant 0 : i32
        %dma_start3A_111 = tpu.memref_slice %arg8[%add3A_109, %dma_start3A_110] : memref<40x125xi32, #tpu.memory_space<vmem>> -> memref<1x125xi32, #tpu.memory_space<vmem>>
        %dma_start3A_112 = tpu.memref_squeeze %dma_start3A_111 : memref<1x125xi32, #tpu.memory_space<vmem>> -> memref<125xi32, #tpu.memory_space<vmem>>
        %dma_start3A_113 = arith.constant 0 : i32
        %dma_start3A_114 = arith.constant 0 : i32
        %dma_start3A_115 = tpu.memref_slice %arg4[%dma_start3A_113, %dma_start3A_114] : memref<10000x128xf32, #tpu.memory_space<hbm>> -> memref<10000x128xf32, #tpu.memory_space<hbm>>
        tpu.enqueue_indirect_dma source(%dma_start3A_115 : memref<10000x128xf32, #tpu.memory_space<hbm>>) target(%arg10 : memref<125x128xf32, #tpu.memory_space<vmem>>) offsets(%dma_start3A_112 : memref<125xi32, #tpu.memory_space<vmem>>) semaphore(%arg13 : memref<!tpu.dma_semaphore, #tpu.memory_space<semaphore_mem>>)
      } else {
      }
      %dma_wait3A_85 = arith.constant 0 : i32
      %dma_wait3A_86 = arith.constant 0 : i32
      %dma_wait3A_87 = tpu.memref_slice %arg8[%dma_wait3A_85, %dma_wait3A_86] : memref<40x125xi32, #tpu.memory_space<vmem>> -> memref<1x125xi32, #tpu.memory_space<vmem>>
      %dma_wait3A_88 = tpu.memref_squeeze %dma_wait3A_87 : memref<1x125xi32, #tpu.memory_space<vmem>> -> memref<125xi32, #tpu.memory_space<vmem>>
      %dma_wait3A_89 = arith.constant 0 : i32
      %dma_wait3A_90 = arith.constant 0 : i32
      %dma_wait3A_91 = tpu.memref_slice %arg4[%dma_wait3A_89, %dma_wait3A_90] : memref<10000x128xf32, #tpu.memory_space<hbm>> -> memref<10000x128xf32, #tpu.memory_space<hbm>>
      tpu.wait_indirect_dma semaphore(%arg14 : memref<!tpu.dma_semaphore, #tpu.memory_space<semaphore_mem>>) src(%dma_wait3A_91 : memref<10000x128xf32, #tpu.memory_space<hbm>>) dst(%arg11 : memref<125x128xf32, #tpu.memory_space<vmem>>)
      %add3A_92 = arith.constant 1 : i32
      %add3A_93 = arith.addi %mul3A_53, %add3A_92 : i32
      %dma_start3A_94 = arith.constant 0 : i32
      %dma_start3A_95 = tpu.memref_slice %arg9[%add3A_93, %dma_start3A_94] : memref<40x125xi32, #tpu.memory_space<vmem>> -> memref<1x125xi32, #tpu.memory_space<vmem>>
      %dma_start3A_96 = tpu.memref_squeeze %dma_start3A_95 : memref<1x125xi32, #tpu.memory_space<vmem>> -> memref<125xi32, #tpu.memory_space<vmem>>
      %dma_start3A_97 = arith.constant 0 : i32
      %dma_start3A_98 = arith.constant 0 : i32
      %dma_start3A_99 = tpu.memref_slice %arg12[%dma_start3A_97, %dma_start3A_98] : memref<10000x128xf32, #tpu.memory_space<vmem_shared>> -> memref<10000x128xf32, #tpu.memory_space<vmem_shared>>
      tpu.enqueue_indirect_dma source(%arg11 : memref<125x128xf32, #tpu.memory_space<vmem>>) target(%dma_start3A_99 : memref<10000x128xf32, #tpu.memory_space<vmem_shared>>) offsets(%dma_start3A_96 : memref<125xi32, #tpu.memory_space<vmem>>) semaphore(%arg16 : memref<!tpu.dma_semaphore, #tpu.memory_space<semaphore_mem>>) {add = true}
      %scan3A_100 = arith.constant 0 : i32
      scf.yield %scan3A_100 : i32
    }
    %scan3A_28 = arith.constant 20 : i32
    %dma_wait3A = arith.constant 0 : i32
    %dma_wait3A_29 = arith.constant 0 : i32
    %dma_wait3A_30 = tpu.memref_slice %arg9[%dma_wait3A, %dma_wait3A_29] : memref<40x125xi32, #tpu.memory_space<vmem>> -> memref<1x125xi32, #tpu.memory_space<vmem>>
    %dma_wait3A_31 = tpu.memref_squeeze %dma_wait3A_30 : memref<1x125xi32, #tpu.memory_space<vmem>> -> memref<125xi32, #tpu.memory_space<vmem>>
    %dma_wait3A_32 = arith.constant 0 : i32
    %dma_wait3A_33 = arith.constant 0 : i32
    %dma_wait3A_34 = tpu.memref_slice %arg12[%dma_wait3A_32, %dma_wait3A_33] : memref<10000x128xf32, #tpu.memory_space<vmem_shared>> -> memref<10000x128xf32, #tpu.memory_space<vmem_shared>>
    tpu.wait_indirect_dma semaphore(%arg15 : memref<!tpu.dma_semaphore, #tpu.memory_space<semaphore_mem>>) src(%arg10 : memref<125x128xf32, #tpu.memory_space<vmem>>) dst(%dma_wait3A_34 : memref<10000x128xf32, #tpu.memory_space<vmem_shared>>)
    %dma_wait3A_35 = arith.constant 0 : i32
    %dma_wait3A_36 = arith.constant 0 : i32
    %dma_wait3A_37 = tpu.memref_slice %arg9[%dma_wait3A_35, %dma_wait3A_36] : memref<40x125xi32, #tpu.memory_space<vmem>> -> memref<1x125xi32, #tpu.memory_space<vmem>>
    %dma_wait3A_38 = tpu.memref_squeeze %dma_wait3A_37 : memref<1x125xi32, #tpu.memory_space<vmem>> -> memref<125xi32, #tpu.memory_space<vmem>>
    %dma_wait3A_39 = arith.constant 0 : i32
    %dma_wait3A_40 = arith.constant 0 : i32
    %dma_wait3A_41 = tpu.memref_slice %arg12[%dma_wait3A_39, %dma_wait3A_40] : memref<10000x128xf32, #tpu.memory_space<vmem_shared>> -> memref<10000x128xf32, #tpu.memory_space<vmem_shared>>
    tpu.wait_indirect_dma semaphore(%arg16 : memref<!tpu.dma_semaphore, #tpu.memory_space<semaphore_mem>>) src(%arg11 : memref<125x128xf32, #tpu.memory_space<vmem>>) dst(%dma_wait3A_41 : memref<10000x128xf32, #tpu.memory_space<vmem_shared>>)
    %barrier3A_42 = arith.constant 0 : index
    tpu.barrier barrier_id(%barrier3A_42)
    %eq3A = arith.constant 0 : i32
    %eq3A_43 = arith.cmpi eq, %arg0, %eq3A : i32
    %convert_element_type3A = arith.extui %eq3A_43 : i1 to i32
    %cond3A = arith.constant 0 : i32
    %cond3A_44 = arith.cmpi ne, %convert_element_type3A, %cond3A : i32
    scf.if %cond3A_44 {
      %scan3A_50 = arith.constant 0 : i32
      %scan3A_51 = arith.constant 0 : i32
      %scan3A_52 = arith.constant 8 : i32
      %scan3A_53 = arith.addi %scan3A_51, %scan3A_52 : i32
      %scan3A_54 = arith.constant 1 : i32
      %scan3A_55 = scf.for %scan3A_64 = %scan3A_51 to %scan3A_53 step %scan3A_54 iter_args(%scan3A_65 = %scan3A_50) -> (i32)  : i32 {
        %mul3A_66 = arith.constant 16 : i32
        %mul3A_67 = arith.muli %scan3A_64, %mul3A_66 : i32
        %add3A_68 = arith.addi %mul3A_67, %arg1 : i32
        %lt3A = arith.constant 125 : i32
        %lt3A_69 = arith.cmpi slt, %add3A_68, %lt3A : i32
        %convert_element_type3A_70 = arith.extui %lt3A_69 : i1 to i32
        %cond3A_71 = arith.constant 0 : i32
        %cond3A_72 = arith.cmpi ne, %convert_element_type3A_70, %cond3A_71 : i32
        scf.if %cond3A_72 {
          %mul3A_74 = arith.constant 80 : i32
          %mul3A_75 = arith.muli %add3A_68, %mul3A_74 : i32
          %dma_start3A_76 = arith.constant 0 : i32
          %dma_start3A_77 = tpu.memref_slice %arg6[%mul3A_75, %dma_start3A_76] : memref<10000x128xf32, #tpu.memory_space<hbm>> -> memref<80x128xf32, #tpu.memory_space<hbm>>
          %dma_start3A_78 = arith.constant 0 : i32
          %dma_start3A_79 = tpu.memref_slice %arg12[%mul3A_75, %dma_start3A_78] : memref<10000x128xf32, #tpu.memory_space<vmem_shared>> -> memref<80x128xf32, #tpu.memory_space<vmem_shared>>
          tpu.enqueue_dma source(%dma_start3A_79 : memref<80x128xf32, #tpu.memory_space<vmem_shared>>) target(%dma_start3A_77 : memref<80x128xf32, #tpu.memory_space<hbm>>) target_semaphore(%arg13 : memref<!tpu.dma_semaphore, #tpu.memory_space<semaphore_mem>>)
        } else {
        }
        %scan3A_73 = arith.constant 0 : i32
        scf.yield %scan3A_73 : i32
      }
      %scan3A_56 = arith.constant 8 : i32
      %scan3A_57 = arith.constant 0 : i32
      %scan3A_58 = arith.constant 0 : i32
      %scan3A_59 = arith.constant 8 : i32
      %scan3A_60 = arith.addi %scan3A_58, %scan3A_59 : i32
      %scan3A_61 = arith.constant 1 : i32
      %scan3A_62 = scf.for %scan3A_64 = %scan3A_58 to %scan3A_60 step %scan3A_61 iter_args(%scan3A_65 = %scan3A_57) -> (i32)  : i32 {
        %mul3A_66 = arith.constant 16 : i32
        %mul3A_67 = arith.muli %scan3A_64, %mul3A_66 : i32
        %add3A_68 = arith.addi %mul3A_67, %arg1 : i32
        %lt3A = arith.constant 125 : i32
        %lt3A_69 = arith.cmpi slt, %add3A_68, %lt3A : i32
        %convert_element_type3A_70 = arith.extui %lt3A_69 : i1 to i32
        %cond3A_71 = arith.constant 0 : i32
        %cond3A_72 = arith.cmpi ne, %convert_element_type3A_70, %cond3A_71 : i32
        scf.if %cond3A_72 {
          %dma_wait3A_74 = arith.constant 0 : i32
          %dma_wait3A_75 = arith.constant 0 : i32
          %dma_wait3A_76 = tpu.memref_slice %arg6[%dma_wait3A_74, %dma_wait3A_75] : memref<10000x128xf32, #tpu.memory_space<hbm>> -> memref<80x128xf32, #tpu.memory_space<hbm>>
          %dma_wait3A_77 = arith.constant 0 : i32
          %dma_wait3A_78 = arith.constant 0 : i32
          %dma_wait3A_79 = tpu.memref_slice %arg12[%dma_wait3A_77, %dma_wait3A_78] : memref<10000x128xf32, #tpu.memory_space<vmem_shared>> -> memref<80x128xf32, #tpu.memory_space<vmem_shared>>
          tpu.wait_dma2 semaphore(%arg13 : memref<!tpu.dma_semaphore, #tpu.memory_space<semaphore_mem>>) src(%dma_wait3A_79 : memref<80x128xf32, #tpu.memory_space<vmem_shared>>) dst(%dma_wait3A_76 : memref<80x128xf32, #tpu.memory_space<hbm>>)
        } else {
        }
        %scan3A_73 = arith.constant 0 : i32
        scf.yield %scan3A_73 : i32
      }
      %scan3A_63 = arith.constant 8 : i32
    } else {
    }
    %eq3A_45 = arith.constant 1 : i32
    %eq3A_46 = arith.cmpi eq, %arg0, %eq3A_45 : i32
    %convert_element_type3A_47 = arith.extui %eq3A_46 : i1 to i32
    %cond3A_48 = arith.constant 0 : i32
    %cond3A_49 = arith.cmpi ne, %convert_element_type3A_47, %cond3A_48 : i32
    scf.if %cond3A_49 {
      %scan3A_50 = arith.constant 0 : i32
      %scan3A_51 = arith.constant 0 : i32
      %scan3A_52 = arith.constant 8 : i32
      %scan3A_53 = arith.addi %scan3A_51, %scan3A_52 : i32
      %scan3A_54 = arith.constant 1 : i32
      %scan3A_55 = scf.for %scan3A_64 = %scan3A_51 to %scan3A_53 step %scan3A_54 iter_args(%scan3A_65 = %scan3A_50) -> (i32)  : i32 {
        %mul3A_66 = arith.constant 16 : i32
        %mul3A_67 = arith.muli %scan3A_64, %mul3A_66 : i32
        %add3A_68 = arith.addi %mul3A_67, %arg1 : i32
        %lt3A = arith.constant 125 : i32
        %lt3A_69 = arith.cmpi slt, %add3A_68, %lt3A : i32
        %convert_element_type3A_70 = arith.extui %lt3A_69 : i1 to i32
        %cond3A_71 = arith.constant 0 : i32
        %cond3A_72 = arith.cmpi ne, %convert_element_type3A_70, %cond3A_71 : i32
        scf.if %cond3A_72 {
          %mul3A_74 = arith.constant 80 : i32
          %mul3A_75 = arith.muli %add3A_68, %mul3A_74 : i32
          %dma_start3A_76 = arith.constant 0 : i32
          %dma_start3A_77 = tpu.memref_slice %arg7[%mul3A_75, %dma_start3A_76] : memref<10000x128xf32, #tpu.memory_space<hbm>> -> memref<80x128xf32, #tpu.memory_space<hbm>>
          %dma_start3A_78 = arith.constant 0 : i32
          %dma_start3A_79 = tpu.memref_slice %arg12[%mul3A_75, %dma_start3A_78] : memref<10000x128xf32, #tpu.memory_space<vmem_shared>> -> memref<80x128xf32, #tpu.memory_space<vmem_shared>>
          tpu.enqueue_dma source(%dma_start3A_79 : memref<80x128xf32, #tpu.memory_space<vmem_shared>>) target(%dma_start3A_77 : memref<80x128xf32, #tpu.memory_space<hbm>>) target_semaphore(%arg13 : memref<!tpu.dma_semaphore, #tpu.memory_space<semaphore_mem>>)
        } else {
        }
        %scan3A_73 = arith.constant 0 : i32
        scf.yield %scan3A_73 : i32
      }
      %scan3A_56 = arith.constant 8 : i32
      %scan3A_57 = arith.constant 0 : i32
      %scan3A_58 = arith.constant 0 : i32
      %scan3A_59 = arith.constant 8 : i32
      %scan3A_60 = arith.addi %scan3A_58, %scan3A_59 : i32
      %scan3A_61 = arith.constant 1 : i32
      %scan3A_62 = scf.for %scan3A_64 = %scan3A_58 to %scan3A_60 step %scan3A_61 iter_args(%scan3A_65 = %scan3A_57) -> (i32)  : i32 {
        %mul3A_66 = arith.constant 16 : i32
        %mul3A_67 = arith.muli %scan3A_64, %mul3A_66 : i32
        %add3A_68 = arith.addi %mul3A_67, %arg1 : i32
        %lt3A = arith.constant 125 : i32
        %lt3A_69 = arith.cmpi slt, %add3A_68, %lt3A : i32
        %convert_element_type3A_70 = arith.extui %lt3A_69 : i1 to i32
        %cond3A_71 = arith.constant 0 : i32
        %cond3A_72 = arith.cmpi ne, %convert_element_type3A_70, %cond3A_71 : i32
        scf.if %cond3A_72 {
          %dma_wait3A_74 = arith.constant 0 : i32
          %dma_wait3A_75 = arith.constant 0 : i32
          %dma_wait3A_76 = tpu.memref_slice %arg7[%dma_wait3A_74, %dma_wait3A_75] : memref<10000x128xf32, #tpu.memory_space<hbm>> -> memref<80x128xf32, #tpu.memory_space<hbm>>
          %dma_wait3A_77 = arith.constant 0 : i32
          %dma_wait3A_78 = arith.constant 0 : i32
          %dma_wait3A_79 = tpu.memref_slice %arg12[%dma_wait3A_77, %dma_wait3A_78] : memref<10000x128xf32, #tpu.memory_space<vmem_shared>> -> memref<80x128xf32, #tpu.memory_space<vmem_shared>>
          tpu.wait_dma2 semaphore(%arg13 : memref<!tpu.dma_semaphore, #tpu.memory_space<semaphore_mem>>) src(%dma_wait3A_79 : memref<80x128xf32, #tpu.memory_space<vmem_shared>>) dst(%dma_wait3A_76 : memref<80x128xf32, #tpu.memory_space<hbm>>)
        } else {
        }
        %scan3A_73 = arith.constant 0 : i32
        scf.yield %scan3A_73 : i32
      }
      %scan3A_63 = arith.constant 8 : i32
    } else {
    }
    return
  }
}

module attributes {stable_mosaic.version = 14 : i64} {
  func.func @_lin2_body(%arg0: i32, %arg1: memref<5000x128xf32, #tpu.memory_space<vmem>>, %arg2: memref<5000x128xf32, #tpu.memory_space<vmem>>, %arg3: memref<128x256xf32, #tpu.memory_space<vmem>>, %arg4: memref<128x256xf32, #tpu.memory_space<vmem>>, %arg5: memref<1x128xf32, #tpu.memory_space<vmem>>, %arg6: memref<5000x128xf32, #tpu.memory_space<vmem>>, %arg7: memref<5000x128xf32, #tpu.memory_space<vmem>>) attributes {dimension_semantics = [#tpu.dimension_semantics<arbitrary>], iteration_bounds = array<i64: 2>, scalar_prefetch = 0 : i64, scratch_operands = 0 : i64, tpu.core_type = #tpu.core_type<tc>, window_params = [{transform_indices = @transform_0, window_bounds = array<i64: 5000, 128>}, {transform_indices = @transform_1, window_bounds = array<i64: 5000, 128>}, {pipeline_mode = #tpu.pipeline_mode<synchronous>, transform_indices = @transform_2, window_bounds = array<i64: 128, 256>}, {pipeline_mode = #tpu.pipeline_mode<synchronous>, transform_indices = @transform_3, window_bounds = array<i64: 128, 256>}, {pipeline_mode = #tpu.pipeline_mode<synchronous>, transform_indices = @transform_4, window_bounds = array<i64: 1, 128>}, {transform_indices = @transform_5, window_bounds = array<i64: 5000, 128>}, {transform_indices = @transform_6, window_bounds = array<i64: 5000, 128>}]} {
    %get3A = arith.constant 0 : index
    %get3A_0 = arith.constant 0 : index
    %get3A_1 = vector.load %arg1[%get3A, %get3A_0] : memref<5000x128xf32, #tpu.memory_space<vmem>>, vector<5000x128xf32>
    %get3A_2 = arith.constant 0 : index
    %get3A_3 = arith.constant 0 : index
    %get3A_4 = vector.load %arg2[%get3A_2, %get3A_3] : memref<5000x128xf32, #tpu.memory_space<vmem>>, vector<5000x128xf32>
    %concatenate3A = tpu.concatenate %get3A_1, %get3A_4 in 1 : vector<5000x128xf32>, vector<5000x128xf32> -> vector<5000x256xf32>
    %max3A = arith.constant 0.000000e+00 : f32
    %max3A_5 = vector.broadcast %max3A : f32 to vector<5000x256xf32>
    %max3A_6 = arith.maximumf %concatenate3A, %max3A_5 : vector<5000x256xf32>
    %get3A_7 = arith.constant 0 : index
    %get3A_8 = arith.constant 0 : index
    %get3A_9 = vector.load %arg3[%get3A_7, %get3A_8] : memref<128x256xf32, #tpu.memory_space<vmem>>, vector<128x256xf32>
    %dot_general3A = arith.constant dense<0.000000e+00> : vector<5000x128xf32>
    %dot_general3A_10 = tpu.matmul %max3A_6, %get3A_9, %dot_general3A {dimension_numbers = #tpu.dot_dimension_numbers<[1], [1], [0], [0], [0, 0, 1, 0], [], []>, transpose_lhs_hint = false} : vector<5000x256xf32>, vector<128x256xf32>, vector<5000x128xf32> -> vector<5000x128xf32>
    %swap3A = arith.constant 0 : index
    %swap3A_11 = arith.constant 0 : index
    %swap3A_12 = vector.load %arg6[%swap3A, %swap3A_11] : memref<5000x128xf32, #tpu.memory_space<vmem>>, vector<5000x128xf32>
    tpu.vector_store %arg6[%swap3A, %swap3A_11], %dot_general3A_10 {strides = array<i32>} : memref<5000x128xf32, #tpu.memory_space<vmem>>, vector<5000x128xf32>,
    %get3A_13 = arith.constant 0 : index
    %get3A_14 = arith.constant 0 : index
    %get3A_15 = vector.load %arg4[%get3A_13, %get3A_14] : memref<128x256xf32, #tpu.memory_space<vmem>>, vector<128x256xf32>
    %dot_general3A_16 = arith.constant dense<0.000000e+00> : vector<5000x128xf32>
    %dot_general3A_17 = tpu.matmul %max3A_6, %get3A_15, %dot_general3A_16 {dimension_numbers = #tpu.dot_dimension_numbers<[1], [1], [0], [0], [0, 0, 1, 0], [], []>, transpose_lhs_hint = false} : vector<5000x256xf32>, vector<128x256xf32>, vector<5000x128xf32> -> vector<5000x128xf32>
    %get3A_18 = arith.constant 0 : index
    %get3A_19 = arith.constant 0 : index
    %get3A_20 = vector.load %arg5[%get3A_18, %get3A_19] : memref<1x128xf32, #tpu.memory_space<vmem>>, vector<1x128xf32>
    %add3A = vector.broadcast %get3A_20 : vector<1x128xf32> to vector<5000x128xf32>
    %add3A_21 = arith.addf %dot_general3A_17, %add3A : vector<5000x128xf32>
    %mul3A = arith.constant 5.000000e-01 : f32
    %mul3A_22 = vector.broadcast %mul3A : f32 to vector<5000x128xf32>
    %mul3A_23 = arith.mulf %add3A_21, %mul3A_22 : vector<5000x128xf32>
    %swap3A_24 = arith.constant 0 : index
    %swap3A_25 = arith.constant 0 : index
    %swap3A_26 = vector.load %arg7[%swap3A_24, %swap3A_25] : memref<5000x128xf32, #tpu.memory_space<vmem>>, vector<5000x128xf32>
    tpu.vector_store %arg7[%swap3A_24, %swap3A_25], %mul3A_23 {strides = array<i32>} : memref<5000x128xf32, #tpu.memory_space<vmem>>, vector<5000x128xf32>,
    return
  }
  func.func @transform_0(%arg0: i32) -> (i32, i32) {
    %c0_i32 = arith.constant 0 : i32
    %c0_i32_0 = arith.constant 0 : i32
    return %arg0, %c0_i32 : i32, i32
  }
  func.func @transform_1(%arg0: i32) -> (i32, i32) {
    %c0_i32 = arith.constant 0 : i32
    %c0_i32_0 = arith.constant 0 : i32
    return %arg0, %c0_i32 : i32, i32
  }
  func.func @transform_2(%arg0: i32) -> (i32, i32) {
    %c0_i32 = arith.constant 0 : i32
    %c0_i32_0 = arith.constant 0 : i32
    %c0_i32_1 = arith.constant 0 : i32
    return %c0_i32, %c0_i32_0 : i32, i32
  }
  func.func @transform_3(%arg0: i32) -> (i32, i32) {
    %c0_i32 = arith.constant 0 : i32
    %c0_i32_0 = arith.constant 0 : i32
    %c0_i32_1 = arith.constant 0 : i32
    return %c0_i32, %c0_i32_0 : i32, i32
  }
  func.func @transform_4(%arg0: i32) -> (i32, i32) {
    %c0_i32 = arith.constant 0 : i32
    %c0_i32_0 = arith.constant 0 : i32
    %c0_i32_1 = arith.constant 0 : i32
    return %c0_i32, %c0_i32_0 : i32, i32
  }
  func.func @transform_5(%arg0: i32) -> (i32, i32) {
    %c0_i32 = arith.constant 0 : i32
    %c0_i32_0 = arith.constant 0 : i32
    return %arg0, %c0_i32 : i32, i32
  }
  func.func @transform_6(%arg0: i32) -> (i32, i32) {
    %c0_i32 = arith.constant 0 : i32
    %c0_i32_0 = arith.constant 0 : i32
    return %arg0, %c0_i32 : i32, i32
  }
}

module attributes {stable_mosaic.version = 14 : i64} {
  func.func @_lin1_body(%arg0: i32, %arg1: memref<5000x256xf32, #tpu.memory_space<vmem>>, %arg2: memref<256x256xf32, #tpu.memory_space<vmem>>, %arg3: memref<256x256xf32, #tpu.memory_space<vmem>>, %arg4: memref<1x256xf32, #tpu.memory_space<vmem>>, %arg5: memref<5000x128xf32, #tpu.memory_space<vmem>>, %arg6: memref<5000x128xf32, #tpu.memory_space<vmem>>, %arg7: memref<5000x128xf32, #tpu.memory_space<vmem>>, %arg8: memref<5000x128xf32, #tpu.memory_space<vmem>>) attributes {dimension_semantics = [#tpu.dimension_semantics<arbitrary>], iteration_bounds = array<i64: 2>, scalar_prefetch = 0 : i64, scratch_operands = 0 : i64, tpu.core_type = #tpu.core_type<tc>, window_params = [{transform_indices = @transform_0, window_bounds = array<i64: 5000, 256>}, {pipeline_mode = #tpu.pipeline_mode<synchronous>, transform_indices = @transform_1, window_bounds = array<i64: 256, 256>}, {pipeline_mode = #tpu.pipeline_mode<synchronous>, transform_indices = @transform_2, window_bounds = array<i64: 256, 256>}, {pipeline_mode = #tpu.pipeline_mode<synchronous>, transform_indices = @transform_3, window_bounds = array<i64: 1, 256>}, {transform_indices = @transform_4, window_bounds = array<i64: 5000, 128>}, {transform_indices = @transform_5, window_bounds = array<i64: 5000, 128>}, {transform_indices = @transform_6, window_bounds = array<i64: 5000, 128>}, {transform_indices = @transform_7, window_bounds = array<i64: 5000, 128>}]} {
    %get3A = arith.constant 0 : index
    %get3A_0 = arith.constant 0 : index
    %get3A_1 = vector.load %arg1[%get3A, %get3A_0] : memref<5000x256xf32, #tpu.memory_space<vmem>>, vector<5000x256xf32>
    %get3A_2 = arith.constant 0 : index
    %get3A_3 = arith.constant 0 : index
    %get3A_4 = vector.load %arg2[%get3A_2, %get3A_3] : memref<256x256xf32, #tpu.memory_space<vmem>>, vector<256x256xf32>
    %dot_general3A = arith.constant dense<0.000000e+00> : vector<5000x256xf32>
    %dot_general3A_5 = tpu.matmul %get3A_1, %get3A_4, %dot_general3A {dimension_numbers = #tpu.dot_dimension_numbers<[1], [1], [0], [0], [0, 0, 1, 0], [], []>, transpose_lhs_hint = false} : vector<5000x256xf32>, vector<256x256xf32>, vector<5000x256xf32> -> vector<5000x256xf32>
    %get3A_6 = arith.constant 0 : index
    %get3A_7 = arith.constant 0 : index
    %get3A_8 = vector.load %arg3[%get3A_6, %get3A_7] : memref<256x256xf32, #tpu.memory_space<vmem>>, vector<256x256xf32>
    %dot_general3A_9 = arith.constant dense<0.000000e+00> : vector<5000x256xf32>
    %dot_general3A_10 = tpu.matmul %get3A_1, %get3A_8, %dot_general3A_9 {dimension_numbers = #tpu.dot_dimension_numbers<[1], [1], [0], [0], [0, 0, 1, 0], [], []>, transpose_lhs_hint = false} : vector<5000x256xf32>, vector<256x256xf32>, vector<5000x256xf32> -> vector<5000x256xf32>
    %get3A_11 = arith.constant 0 : index
    %get3A_12 = arith.constant 0 : index
    %get3A_13 = vector.load %arg4[%get3A_11, %get3A_12] : memref<1x256xf32, #tpu.memory_space<vmem>>, vector<1x256xf32>
    %add3A = vector.broadcast %get3A_13 : vector<1x256xf32> to vector<5000x256xf32>
    %add3A_14 = arith.addf %dot_general3A_10, %add3A : vector<5000x256xf32>
    %slice3A = vector.extract_strided_slice %dot_general3A_5 {offsets = [0, 0], sizes = [5000, 128], strides = [1, 1]} : vector<5000x256xf32> to vector<5000x128xf32>
    %swap3A = arith.constant 0 : index
    %swap3A_15 = arith.constant 0 : index
    %swap3A_16 = vector.load %arg5[%swap3A, %swap3A_15] : memref<5000x128xf32, #tpu.memory_space<vmem>>, vector<5000x128xf32>
    tpu.vector_store %arg5[%swap3A, %swap3A_15], %slice3A {strides = array<i32>} : memref<5000x128xf32, #tpu.memory_space<vmem>>, vector<5000x128xf32>,
    %slice3A_17 = vector.extract_strided_slice %dot_general3A_5 {offsets = [0, 128], sizes = [5000, 128], strides = [1, 1]} : vector<5000x256xf32> to vector<5000x128xf32>
    %swap3A_18 = arith.constant 0 : index
    %swap3A_19 = arith.constant 0 : index
    %swap3A_20 = vector.load %arg6[%swap3A_18, %swap3A_19] : memref<5000x128xf32, #tpu.memory_space<vmem>>, vector<5000x128xf32>
    tpu.vector_store %arg6[%swap3A_18, %swap3A_19], %slice3A_17 {strides = array<i32>} : memref<5000x128xf32, #tpu.memory_space<vmem>>, vector<5000x128xf32>,
    %slice3A_21 = vector.extract_strided_slice %add3A_14 {offsets = [0, 0], sizes = [5000, 128], strides = [1, 1]} : vector<5000x256xf32> to vector<5000x128xf32>
    %swap3A_22 = arith.constant 0 : index
    %swap3A_23 = arith.constant 0 : index
    %swap3A_24 = vector.load %arg7[%swap3A_22, %swap3A_23] : memref<5000x128xf32, #tpu.memory_space<vmem>>, vector<5000x128xf32>
    tpu.vector_store %arg7[%swap3A_22, %swap3A_23], %slice3A_21 {strides = array<i32>} : memref<5000x128xf32, #tpu.memory_space<vmem>>, vector<5000x128xf32>,
    %slice3A_25 = vector.extract_strided_slice %add3A_14 {offsets = [0, 128], sizes = [5000, 128], strides = [1, 1]} : vector<5000x256xf32> to vector<5000x128xf32>
    %swap3A_26 = arith.constant 0 : index
    %swap3A_27 = arith.constant 0 : index
    %swap3A_28 = vector.load %arg8[%swap3A_26, %swap3A_27] : memref<5000x128xf32, #tpu.memory_space<vmem>>, vector<5000x128xf32>
    tpu.vector_store %arg8[%swap3A_26, %swap3A_27], %slice3A_25 {strides = array<i32>} : memref<5000x128xf32, #tpu.memory_space<vmem>>, vector<5000x128xf32>,
    return
  }
  func.func @transform_0(%arg0: i32) -> (i32, i32) {
    %c0_i32 = arith.constant 0 : i32
    %c0_i32_0 = arith.constant 0 : i32
    return %arg0, %c0_i32 : i32, i32
  }
  func.func @transform_1(%arg0: i32) -> (i32, i32) {
    %c0_i32 = arith.constant 0 : i32
    %c0_i32_0 = arith.constant 0 : i32
    %c0_i32_1 = arith.constant 0 : i32
    return %c0_i32, %c0_i32_0 : i32, i32
  }
  func.func @transform_2(%arg0: i32) -> (i32, i32) {
    %c0_i32 = arith.constant 0 : i32
    %c0_i32_0 = arith.constant 0 : i32
    %c0_i32_1 = arith.constant 0 : i32
    return %c0_i32, %c0_i32_0 : i32, i32
  }
  func.func @transform_3(%arg0: i32) -> (i32, i32) {
    %c0_i32 = arith.constant 0 : i32
    %c0_i32_0 = arith.constant 0 : i32
    %c0_i32_1 = arith.constant 0 : i32
    return %c0_i32, %c0_i32_0 : i32, i32
  }
  func.func @transform_4(%arg0: i32) -> (i32, i32) {
    %c0_i32 = arith.constant 0 : i32
    %c0_i32_0 = arith.constant 0 : i32
    return %arg0, %c0_i32 : i32, i32
  }
  func.func @transform_5(%arg0: i32) -> (i32, i32) {
    %c0_i32 = arith.constant 0 : i32
    %c0_i32_0 = arith.constant 0 : i32
    return %arg0, %c0_i32 : i32, i32
  }
  func.func @transform_6(%arg0: i32) -> (i32, i32) {
    %c0_i32 = arith.constant 0 : i32
    %c0_i32_0 = arith.constant 0 : i32
    return %arg0, %c0_i32 : i32, i32
  }
  func.func @transform_7(%arg0: i32) -> (i32, i32) {
    %c0_i32 = arith.constant 0 : i32
    %c0_i32_0 = arith.constant 0 : i32
    return %arg0, %c0_i32 : i32, i32
  }
}

module attributes {stable_mosaic.version = 14 : i64} {
  func.func @_comb_body(%arg0: i32, %arg1: memref<5000x128xf32, #tpu.memory_space<vmem>>, %arg2: memref<5000x128xf32, #tpu.memory_space<vmem>>, %arg3: memref<5000x128xf32, #tpu.memory_space<vmem>>) attributes {dimension_semantics = [#tpu.dimension_semantics<arbitrary>], iteration_bounds = array<i64: 2>, scalar_prefetch = 0 : i64, scratch_operands = 0 : i64, tpu.core_type = #tpu.core_type<tc>, window_params = [{transform_indices = @transform_0, window_bounds = array<i64: 5000, 128>}, {transform_indices = @transform_1, window_bounds = array<i64: 5000, 128>}, {transform_indices = @transform_2, window_bounds = array<i64: 5000, 128>}]} {
    %get3A = arith.constant 0 : index
    %get3A_0 = arith.constant 0 : index
    %get3A_1 = vector.load %arg1[%get3A, %get3A_0] : memref<5000x128xf32, #tpu.memory_space<vmem>>, vector<5000x128xf32>
    %get3A_2 = arith.constant 0 : index
    %get3A_3 = arith.constant 0 : index
    %get3A_4 = vector.load %arg2[%get3A_2, %get3A_3] : memref<5000x128xf32, #tpu.memory_space<vmem>>, vector<5000x128xf32>
    %add3A = arith.addf %get3A_1, %get3A_4 : vector<5000x128xf32>
    %swap3A = arith.constant 0 : index
    %swap3A_5 = arith.constant 0 : index
    %swap3A_6 = vector.load %arg3[%swap3A, %swap3A_5] : memref<5000x128xf32, #tpu.memory_space<vmem>>, vector<5000x128xf32>
    tpu.vector_store %arg3[%swap3A, %swap3A_5], %add3A {strides = array<i32>} : memref<5000x128xf32, #tpu.memory_space<vmem>>, vector<5000x128xf32>,
    return
  }
  func.func @transform_0(%arg0: i32) -> (i32, i32) {
    %c0_i32 = arith.constant 0 : i32
    %c0_i32_0 = arith.constant 0 : i32
    return %arg0, %c0_i32 : i32, i32
  }
  func.func @transform_1(%arg0: i32) -> (i32, i32) {
    %c0_i32 = arith.constant 0 : i32
    %c0_i32_0 = arith.constant 0 : i32
    return %arg0, %c0_i32 : i32, i32
  }
  func.func @transform_2(%arg0: i32) -> (i32, i32) {
    %c0_i32 = arith.constant 0 : i32
    %c0_i32_0 = arith.constant 0 : i32
    return %arg0, %c0_i32 : i32, i32
  }
}

</mosaic_0001>

<sc_bundles>
// kernel: kernel.10.cloned.1.call-start
scs
__scs_entry_jumppad:
0x0: {  	(pc) =	sbr.rel $0x88, $3  }
0x1: {  	(tag) =	ssettag $0x0;
	lr =	simm.s32 $0x1  }
0x2: {  	[smem:$0x3F99] =	sst lr;
	_ =	strace $0xD0000000  }
0x3: {  	_ = 	snop  }
0x4: {  	_ = 	snop  }
0x5: {  	_ = 	snop  }
0x6: {  	_ = 	snop  }
0x7: {  	_ = 	snop  }
__scs_overlays_trampoline_lowered:
0x8: {  	[smem:$0x3FA8] =	sst s0  }
0x9: {  	[smem:$0x3FA9] =	sst s1  }
0xa: {  	[smem:$0x3FAA] =	sst s2  }
0xb: {  	[smem:$0x3FAB] =	sst s3  }
0xc: {  	[smem:$0x3FAC] =	sst s4  }
0xd: {  	[smem:$0x3FAD] =	sst s5  }
0xe: {  	[smem:$0x3FAE] =	sst s6  }
0xf: {  	[smem:$0x3FAF] =	sst s7  }
0x10: {  	[smem:$0x3FB0] =	sst s8  }
0x11: {  	[smem:$0x3FB1] =	sst s9;
	s0 =	simm.s32 @!p0 $0x0  }
0x12: {  	s1 =	sld [smem:$0x3F97];
	s0 =	simm.s32 @p0 $0x1  }
0x13: {  	[smem:$0x3FB2] =	sst s0;
	s0 =	simm.s32 @!p1 $0x0  }
0x14: {  	s2 =	sld [smem:$0x3F96];
	s0 =	simm.s32 @p1 $0x1  }
0x15: {  	[smem:$0x3FB3] =	sst s0;
	s0 =	simm.s32 @!p2 $0x0  }
0x16: {  	s3 =	sld [smem:$0x3FDB];
	s0 =	simm.s32 @p2 $0x1  }
0x17: {  	s4 =	simm.s32 $0x1BF5;
	[smem:$0x3FB5] =	sst s0  }
0x18: {  	s0 =	sld [smem:$0x3F98];
	_ =	swait.ge [sflag:s4], $0x0  }
0x19: {  	s7 =	sld [smem:$0x3F99]  }
0x1a: {  	s8 =	sadd.s32 $0xFFFFE003, lr  }
0x1b: {  	s9 =	sadd.s32 $0xFFFFFEF7, lr;
	s5 =	simm.s32 $0xFFFFFFFF;
	p2 =	slt.u32 s8, $0xFFFFF086  }
0x1c: {  	p1 =	slt.u32 s9, $0xF7A;
	s5 =	simm.s32 @!p2 $0x0  }
0x1d: {  	s5 =	simm.s32 @p1 $0x1;
	p0 =	seq.s32 s7, s2  }
0x1e: {  	s7 =	smul.u32 @!p0 $0xF7A, s2;
	p2 =	seq.s32 @!p0 s5, $0x0  }
0x1f: {  	s9 =	smul.u32 $0xF7A, s1;
	s8 =	simm.s32 @!p0 $0x1BF5;
	p2 =	por !p2, p0  }
0x20: {  	[sflag:s8] =	ssyncset.s32 @!p0 $0xFFFFF086;
	s6 =	sadd.s32 @!p0 s3, s7;
	s7 =	simm.s32 @!p0 $0x108  }
0x21: {  	s3 =	sadd.s32 s3, s9;
	s6 =	sadd.s32 @!p0 $0x88, s6;
	s7 =	simm.s32 @p2 $0x1082  }
0x22: {  	[simem:s7], [sflag:s8] =	dma.local @!p0 [hbm:s6], $0xF7A  }
0x23: {  	s9 =	sor.u32 $0xD0000000, s2;
	s6 =	simm.s32 $0x108;
	_ =	swait.ge @!p0 [sflag:s8], $0x0  }
0x24: {  	s3 =	sadd.s32 $0x88, s3;
	s6 =	simm.s32 @!p1 $0x1082;
	[sflag:s4] =	ssyncset.s32 $0xFFFFF086  }
0x25: {  	[simem:s6], [sflag:s4] =	dma.local [hbm:s3], $0xF7A  }
0x26: {  	[smem:$0x3F99] =	sst s1;
	(tag) =	ssettag s2;
	_ =	strace s9  }
0x27: {  	s1 =	sld [smem:$0x3FA9]  }
0x28: {  	s2 =	sld [smem:$0x3FAA]  }
0x29: {  	s4 =	sld [smem:$0x3FAC]  }
0x2a: {  	p0 =	seq.s32 s5, $0x0;
	s5 =	sld [smem:$0x3FAD]  }
0x2b: {  	s6 =	sld [smem:$0x3FAE]  }
0x2c: {  	s7 =	sld [smem:$0x3FAF]  }
0x2d: {  	s3 =	simm.s32 $0x108;
	s8 =	sld [smem:$0x3FB0]  }
0x2e: {  	s3 =	simm.s32 @!p0 $0x1082;
	s9 =	sld [smem:$0x3FB1]  }
0x2f: {  	lr =	sadd.s32 s0, s3;
	s0 =	sld [smem:$0x3FA8]  }
0x30: {  	s3 =	sld [smem:$0x3FAB]  }
0x31: {  	[smem:$0x3FB4] =	sst s10  }
0x32: {  	s10 =	sld [smem:$0x3FB2];
	_ =	sdelay $0x3  }
0x33: {  	p0 =	seq.s32 s10, $0x1;
	s10 =	sld [smem:$0x3FB4];
	_ =	sdelay $0x3  }
0x34: {  	[smem:$0x3FB4] =	sst s10  }
0x35: {  	s10 =	sld [smem:$0x3FB3];
	_ =	sdelay $0x3  }
0x36: {  	p1 =	seq.s32 s10, $0x1;
	s10 =	sld [smem:$0x3FB4];
	_ =	sdelay $0x3  }
0x37: {  	[smem:$0x3FB4] =	sst s10  }
0x38: {  	s10 =	sld [smem:$0x3FB5]  }
0x39: {  	_ = 	snop;
	(pc) =	sbr.ind lr, $3  }
0x3a: {  	_ = 	snop  }
0x3b: {  	_ = 	snop  }
0x3c: {  	p2 =	seq.s32 s10, $0x1;
	s10 =	sld [smem:$0x3FB4]  }
0x3d: {  	_ =	shalt  }
0x3e: {  	_ =	shalt  }
0x3f: {  	_ =	shalt  }
0x40: {  	_ =	shalt  }
0x41: {  	_ =	shalt  }
0x42: {  	_ =	shalt  }
0x43: {  	_ =	shalt  }
0x44: {  	_ =	shalt  }
0x45: {  	_ =	shalt  }
0x46: {  	_ =	shalt  }
0x47: {  	_ =	shalt  }
0x48: {  	_ =	shalt  }
0x49: {  	_ =	shalt  }
0x4a: {  	_ =	shalt  }
0x4b: {  	_ =	shalt  }
0x4c: {  	_ =	shalt  }
0x4d: {  	_ =	shalt  }
0x4e: {  	_ =	shalt  }
0x4f: {  	_ =	shalt  }
0x50: {  	_ =	shalt  }
0x51: {  	_ =	shalt  }
0x52: {  	_ =	shalt  }
0x53: {  	_ =	shalt  }
0x54: {  	_ =	shalt  }
0x55: {  	_ =	shalt  }
0x56: {  	_ =	shalt  }
0x57: {  	_ =	shalt  }
0x58: {  	_ =	shalt  }
0x59: {  	_ =	shalt  }
0x5a: {  	_ =	shalt  }
0x5b: {  	_ =	shalt  }
0x5c: {  	_ =	shalt  }
0x5d: {  	_ =	shalt  }
0x5e: {  	_ =	shalt  }
0x5f: {  	_ =	shalt  }
0x60: {  	_ =	shalt  }
0x61: {  	_ =	shalt  }
0x62: {  	_ =	shalt  }
0x63: {  	_ =	shalt  }
0x64: {  	_ =	shalt  }
0x65: {  	_ =	shalt  }
0x66: {  	_ =	shalt  }
0x67: {  	_ =	shalt  }
0x68: {  	_ =	shalt  }
0x69: {  	_ =	shalt  }
0x6a: {  	_ =	shalt  }
0x6b: {  	_ =	shalt  }
0x6c: {  	_ =	shalt  }
0x6d: {  	_ =	shalt  }
0x6e: {  	_ =	shalt  }
0x6f: {  	_ =	shalt  }
0x70: {  	_ =	shalt  }
0x71: {  	_ =	shalt  }
0x72: {  	_ =	shalt  }
0x73: {  	_ =	shalt  }
0x74: {  	_ =	shalt  }
0x75: {  	_ =	shalt  }
0x76: {  	_ =	shalt  }
0x77: {  	_ =	shalt  }
0x78: {  	_ =	shalt  }
0x79: {  	_ =	shalt  }
0x7a: {  	_ =	shalt  }
0x7b: {  	_ =	shalt  }
0x7c: {  	_ =	shalt  }
0x7d: {  	_ =	shalt  }
0x7e: {  	_ =	shalt  }
0x7f: {  	_ =	shalt  }
0x80: {  	_ =	shalt  }
0x81: {  	_ =	shalt  }
0x82: {  	_ =	shalt  }
0x83: {  	_ =	shalt  }
0x84: {  	_ =	shalt  }
0x85: {  	_ =	shalt  }
0x86: {  	_ =	shalt  }
0x87: {  	_ =	shalt  }
.Lfunc_end0:
.L_simem_size_0:
called_computation.1_lowered:
.L_overlay_start_0:
0x88: {  	s2 =	sld [smem:$0x3FD9]  }
0x89: {  	s3 =	sld [smem:$0x3FFE];
	_ =	sdelay $0x1  }
0x8a: {  	s1 =	srdreg.scid  }
0x8b: {  	s0 =	sand.u32 $0x1, s1  }
0x8c: {  	s17 =	sshll.u32 s0, $0xA;
	s2 =	sadd.s32 s3, s2  }
0x8d: {  	s2 =	sadd.s32 s2, s17  }
0x8e: {  	[smem:$0x3FC0] =	sst s2  }
0x8f: {  	_ = 	snop  }
0x90: {  	s2 =	sld [smem:$0x3FD0];
	(tm) =	ssettm $0x1  }
0x91: {  	s18 =	sld [smem:$0x3FFB];
	_ =	sdelay $0x3  }
0x92: {  	_ =	strace s18  }
0x93: {  	s3 =	sld [smem:$0x3FFC];
	_ =	sdelay $0x3  }
0x94: {  	_ =	strace s3  }
0x95: {  	s3 =	sld [smem:$0x3FFD];
	_ =	sdelay $0x3  }
0x96: {  	_ =	strace s3  }
0x97: {  	_ =	strace $0x8FFFFFFF  }
0x98: {  	s19 =	sld [smem:$0x3FDB];
	_ =	sdelay $0x1  }
0x99: {  	s4 =	simm.s32 $_scs_section_size  }
0x9a: {  	s5 =	simm.s32 $_size__tile_overlayer_lowered;
	s6 =	simm.s32 $_tile_overlayer_lowered  }
0x9b: {  	s22 =	simm.s32 $0x1BFF;
	s21 =	sshll.u32 s6, $0x1;
	s3 =	sadd.s32 s4, s19  }
0x9c: {  	s7 =	simm.s32 $0x0;
	s20 =	sshll.u32 s5, $0x1;
	s5 =	sadd.s32 s21, s3  }
0x9d: {  	[timem:s7], [sflag:s22] =	dma.local [hbm:s5], s20  }
0x9e: {  	_ =	swait.ge [sflag:s22], s20  }
0x9f: {  	s4 =	ssub.s32 $0x0, s20;
	[sflag:s22] =	ssyncset.done $0x0  }
0xa0: {  	[sflag:s22] =	ssyncadd.s32 s4;
	_ =	sdelay $0x1  }
0xa1: {  	s23 =	simm.s32 $0x1B8B  }
0xa2: {  	_ =	swait.ge [sflag:s23], $0x1  }
0xa3: {  	[sflag:s23] =	ssyncset.done $0x0  }
0xa4: {  	s25 =	simm.s32 $0x1B8E;
	s24 =	sld [smem:$0x3FFE];
	[sflag:s23] =	ssyncadd.s32 $0xFFFFFFFF  }
0xa5: {  	s26 =	simm.s32 $execute0_lowered;
	[smem:$0x3FD2] =	sst s25  }
0xa6: {  	s5 =	sshll.u32 s26, $0x1;
	_ =	strace $0x80000049;
	[dreg:$0x1] =	wrdreg $0xFFFFFFFF  }
0xa7: {  	s28 =	simm.s32 $_size_execute0_lowered;
	s3 =	sadd.s32 s3, s5;
	[dreg:$0x0] =	wrdreg $0x0  }
0xa8: {  	s5 =	sshll.u32 s28, $0x1;
	[dreg:$0x2] =	wrdreg s3  }
0xa9: {  	[dreg:$0x3] =	wrdreg s5  }
0xaa: {  	[dreg:$0x4] =	wrdreg $0xC0  }
0xab: {  	_ =	task [dreg:s7], $0x5FFFF  }
0xac: {  	[dreg:$0x1] =	wrdreg $0xFFFFFFFF  }
0xad: {  	[dreg:$0x0] =	wrdreg $0x60  }
0xae: {  	[dreg:$0x2] =	wrdreg s24  }
0xaf: {  	[dreg:$0x3] =	wrdreg s2  }
0xb0: {  	[dreg:$0x4] =	wrdreg $0xA8000  }
0xb1: {  	[dreg:$0x5] =	wrdreg $0x9  }
0xb2: {  	_ =	task.clear_ibuf [dreg:s7], $0x6FFFF;
	_ =	strace $0x90000049  }
0xb3: {  	s29 =	simm.s32 $0x9;
	_ =	strace $0x8000004B  }
0xb4: {  	_ =	swait.ge [sflag:s29], $0x1  }
0xb5: {  	[sflag:s29] =	ssyncadd.s32 $0xFFFFFFFF  }
0xb6: {  	_ =	strace $0x9000004B  }
0xb7: {  	_ =	sfence  }
0xb8: {  	s30 =	sld [smem:$0x0];
	_ =	sdelay $0x2  }
0xb9: {  	s31 =	sshll.u32 s1, $0xD;
	s1 =	sshrl.u32 s1, $0x2  }
0xba: {  	s3 =	sand.u32 $0x4000, s31;
	s1 =	sadd.s32 s1, s30  }
0xbb: {  	s0 =	sor.u32 s3, s0;
	s1 =	sshll.u32 s1, $0x11  }
0xbc: {  	s0 =	sor.u32 s1, s0  }
0xbd: {  	s0 =	sadd.s32 $0x8F2B, s0  }
0xbe: {  	[sflag:s0] =	ssyncadd.remote.s32 $0x1  }
0xbf: {  	_ =	sfence.sel $0xFFFF  }
0xc0: {  	[dreg:$0x0] =	wrdreg $0xFFFFFFFF;
	(pc) =	sbr.abs _section_cstart, $3  }
0xc1: {  	[dreg:$0x1] =	wrdreg $0xFFFFFFFF  }
0xc2: {  	_ =	task.clear_ibuf [dreg:s7], $0x2FFFF;
	_ =	strace $0x9FFFFFFF  }
0xc3: {  	(tm) =	ssettm $0x7FFFFFFF  }
tec
execute0_lowered:
.L_overlay_start_1:
0x0: {  	(tag) =	ssettag $0x1  }
0x1: {  	s0 =	srdreg.scid  }
0x2: {  	s21 =	stileid.u32;
	s3 =	rddreg [dreg:$0x0]  }
0x3: {  	s28 =	rddreg [dreg:$0x2];
	s0 =	sand.u32 $0x1, s0;
	s4 =	sadd.s32 $0xCC00, s3  }
0x4: {  	s5 =	smul.u32 $0x500, s21;
	s6 =	sor.u32 $0x10, s21;
	s7 =	sadd.s32 $0x33E00, s3  }
0x5: {  	s10 =	sor.u32 $0x20, s21;
	s13 =	sor.u32 $0x30, s21;
	s14 =	sor.u32 $0x40, s21  }
0x6: {  	s15 =	sor.u32 $0x50, s21;
	s17 =	sor.u32 $0x60, s21;
	s8 =	smul.u32 $0xA000, s6  }
0x7: {  	s1 =	sshll.u32 s0, $0x4;
	s9 =	ssub.s32 $0x2, s0;
	s6 =	smul.u32 $0x500, s6  }
0x8: {  	s12 =	smul.u32 $0x500, s10;
	p0 =	seq.s32 s0, $0x1;
	s16 =	sadd.s32 s4, s5  }
0x9: {  	s1 =	sor.u32 s21, s1;
	s24 =	sadd.s32 s7, s5;
	[dreg:$0x4] =	wrdreg s16  }
0xa: {  	s2 =	smul.u32 $0x280, s1;
	s1 =	simm.s32 $0x0;
	[dreg:$0xc] =	wrdreg s24  }
0xb: {  	s0 =	smul.u32 $0x500, s14;
	s18 =	sadd.s32 s4, s6;
	[smem:$0x7FF] =	sst s1  }
0xc: {  	s11 =	sshrl.u32 s9, $0x1;
	s20 =	sadd.s32 s4, s12;
	[dreg:$0x5] =	wrdreg s18  }
0xd: {  	s9 =	ssub.s32 s9, s11;
	s22 =	sadd.s32 s4, s0;
	[dreg:$0x6] =	wrdreg s20  }
0xe: {  	s11 =	smul.u32 $0x500, s13;
	s25 =	sadd.s32 s7, s6;
	[dreg:$0x8] =	wrdreg s22  }
0xf: {  	s16 =	smul.u32 $0x500, s15;
	s26 =	sadd.s32 s7, s12;
	[dreg:$0xd] =	wrdreg s25  }
0x10: {  	s19 =	sor.u32 $0x70, s21;
	[dreg:$0xe] =	wrdreg s26;
	s30 =	sadd.s32 s4, s11  }
0x11: {  	s18 =	smul.u32 $0x500, s17;
	s31 =	sadd.s32 s4, s16;
	[dreg:$0x7] =	wrdreg s30  }
0x12: {  	s20 =	smul.u32 $0x500, s19;
	s22 =	sadd.s32 s7, s16;
	[dreg:$0x9] =	wrdreg s31  }
0x13: {  	s29 =	simm.s32 $0x3;
	s23 =	sadd.s32 s4, s18;
	[dreg:$0x11] =	wrdreg s22  }
0x14: {  	p2 =	sgt.u32 s21, $0xC;
	s4 =	sadd.s32 s4, s20;
	[dreg:$0xa] =	wrdreg s23  }
0x15: {  	p3 =	slt.u32 s21, $0xD;
	s30 =	sadd.s32 s7, s11;
	[dreg:$0xb] =	wrdreg s4  }
0x16: {  	s2 =	sadd.s32 s2, s3;
	s31 =	sadd.s32 s7, s0;
	[dreg:$0xf] =	wrdreg s30  }
0x17: {  	s3 =	sadd.s32 $0x5B000, s3;
	s24 =	sadd.s32 s7, s20;
	[dreg:$0x10] =	wrdreg s31  }
0x18: {  	p1 =	sgt.u32 s19, $0x7C;
	s25 =	sadd.s32 s3, s5;
	[dreg:$0x13] =	wrdreg s24  }
0x19: {  	s13 =	smul.u32 $0xA000, s13;
	s26 =	sadd.s32 s3, s6;
	[dreg:$0x14] =	wrdreg s25  }
0x1a: {  	s0 =	sadd.s32 s3, s0;
	s5 =	sadd.s32 s3, s18;
	[dreg:$0x15] =	wrdreg s26  }
0x1b: {  	s6 =	sadd.s32 s3, s20;
	s22 =	smul.u32 $0xA000, s15;
	[dreg:$0x18] =	wrdreg s0  }
0x1c: {  	s23 =	sadd.s32 s7, s18;
	s30 =	sadd.s32 s3, s12;
	s24 =	rddreg [dreg:$0x1]  }
0x1d: {  	s31 =	sadd.s32 s3, s11;
	s4 =	sadd.s32 s3, s16;
	[dreg:$0x1a] =	wrdreg s5  }
0x1e: {  	[dreg:$0x1b] =	wrdreg s6;
	s7 =	smul.u32 $0xA000, s10;
	s10 =	sadd.s32 $0x7C00, s2  }
0x1f: {  	s11 =	smul.u32 $0xA000, s21;
	s2 =	sadd.s32 $0x2C00, s2;
	[dreg:$0x12] =	wrdreg s23  }
0x20: {  	s12 =	smax.u32 s9, $0x1;
	s18 =	smul.u32 $0xA000, s14;
	[dreg:$0x16] =	wrdreg s30  }
0x21: {  	s16 =	sshrl.u32 s8, $0x2;
	s25 =	smul.u32 $0xA000, s19;
	[dreg:$0x17] =	wrdreg s31  }
0x22: {  	s19 =	simm.s32 $0x1400;
	s21 =	simm.s32 $0x7D;
	[dreg:$0x19] =	wrdreg s4  }
0x23: {  	s20 =	sadd.s32 s16, s28;
	_ =	strace $0x8000004A;
	[dreg:$0x1c] =	wrdreg s10  }
0x24: {  	s23 =	smul.u32 $0xA000, s17;
	s26 =	sshrl.u32 s22, $0x2;
	[dreg:$0x1d] =	wrdreg s2  }
0x25: {  	s22 =	simm.s32 $0x2800;
	[dreg:$0x1e] =	wrdreg s12;
	s3 =	sshrl.u32 s11, $0x2  }
0x26: {  	[smem:$0x7FD] =	sst s20;
	s0 =	sshrl.u32 s7, $0x2;
	s2 =	sshrl.u32 s13, $0x2  }
0x27: {  	s5 =	sshrl.u32 s18, $0x2;
	s31 =	sshrl.u32 s25, $0x2;
	s15 =	sadd.s32 s26, s28  }
.Ltmp0:
0x28: {  	s18 =	simm.s32 $0x5;
	s20 =	simm.s32 $0x1;
	(pc) =	sbr.rel .LBB2_1-.Ltmp0, $4  }
0x29: {  	s26 =	simm.s32 $0x6800;
	s25 =	simm.s32 $0x2;
	s3 =	sadd.s32 s3, s28  }
0x2a: {  	s12 =	sadd.s32 s0, s28;
	s13 =	sadd.s32 s2, s28;
	s14 =	sadd.s32 s5, s28  }
0x2b: {  	s30 =	sshrl.u32 s23, $0x2;
	s17 =	sadd.s32 s31, s28;
	s0 =	simm.s32 $0x4  }
0x2c: {  	s2 =	simm.s32 $0x0;
	[dreg:$0x1f] =	wrdreg s3;
	s16 =	sadd.s32 s30, s28  }
.LBB2_6:
0x2d: {  	_ =	swait.ge [sflag:s20], $0x500  }
0x2e: {  	[sflag:s20] =	ssyncset.done $0x0  }
0x2f: {  	[sflag:s20] =	ssyncadd.s32 $0xFFFFFB00  }
.LBB2_7:
0x30: {  	s2 =	sadd.s32 $0x1, s2;
	s3 =	rddreg [dreg:$0x1e]  }
0x31: {  	p4 =	sne.s32 s2, s3  }
.Ltmp1:
0x32: {  	_ = 	snop;
	(pc) =	sbr.rel @!p4 .LBB2_8-.Ltmp1, $1  }
0x33: {  	_ =	sdelay $0x3  }
.LBB2_1:
0x34: {  	s3 =	rddreg [dreg:$0x1c]  }
0x35: {  	[tilespmem:s1], [sflag:$0x5] =	stream.linear.gather [hbm4b:s3+s1], $0x1400, $0x38;
	[tilespmem:$0x1E080] =	vst v63  }
0x36: {  	_ =	swait.ge [sflag:s18], $0x1400  }
0x37: {  	[sflag:s18] =	ssyncset.done $0x0  }
0x38: {  	s10 =	stileid.u32;
	s9 =	rddreg [dreg:$0x1d];
	[sflag:s18] =	ssyncadd.s32 $0xFFFFEC00  }
0x39: {  	[tilespmem:s19], [sflag:$0x5] =	stream.linear.gather [hbm4b:s9+s1], $0x1400, $0x38;
	[tilespmem:$0x1E080] =	vst v63  }
0x3a: {  	s3 =	sshll.u32 s10, $0x6;
	_ =	swait.ge [sflag:s18], $0x1400  }
0x3b: {  	s3 =	sor.u32 $0x1C01, s3;
	[sflag:s18] =	ssyncset.done $0x0;
	s4 =	rddreg [dreg:$0x1f]  }
0x3c: {  	s5 =	rddreg [dreg:$0x4];
	[sflag:s18] =	ssyncadd.s32 $0xFFFFEC00;
	s4 =	sshrl.u32 s4, $0x3  }
0x3d: {  	[spmem:s4], [sflag:s3] =	dma.local [hbm:s5], $0x500  }
0x3e: {  	s5 =	sld [smem:$0x7FD];
	_ =	sdelay $0x2  }
0x3f: {  	s6 =	rddreg [dreg:$0x5];
	s5 =	sshrl.u32 s5, $0x3  }
0x40: {  	[spmem:s5], [sflag:s3] =	dma.local [hbm:s6], $0x500  }
0x41: {  	s6 =	sshrl.u32 s12, $0x3;
	s7 =	rddreg [dreg:$0x6]  }
0x42: {  	[spmem:s6], [sflag:s3] =	dma.local [hbm:s7], $0x500  }
0x43: {  	s7 =	sshrl.u32 s13, $0x3;
	s8 =	rddreg [dreg:$0x7]  }
0x44: {  	[spmem:s7], [sflag:s3] =	dma.local [hbm:s8], $0x500  }
0x45: {  	s8 =	sshrl.u32 s14, $0x3;
	s9 =	rddreg [dreg:$0x8]  }
0x46: {  	[spmem:s8], [sflag:s3] =	dma.local [hbm:s9], $0x500  }
0x47: {  	s9 =	sshrl.u32 s15, $0x3;
	s10 =	rddreg [dreg:$0x9]  }
0x48: {  	[spmem:s9], [sflag:s3] =	dma.local [hbm:s10], $0x500  }
0x49: {  	s30 =	sshrl.u32 s16, $0x3;
	s10 =	rddreg [dreg:$0xa]  }
0x4a: {  	[spmem:s30], [sflag:s3] =	dma.local [hbm:s10], $0x500  }
0x4b: {  	s31 =	sshrl.u32 @!p1 s17, $0x3;
	s10 =	rddreg [dreg:$0xb]  }
0x4c: {  	[spmem:s31], [sflag:s3] =	dma.local @!p1 [hbm:s10], $0x500  }
0x4d: {  	_ =	swait.ge [sflag:s20], $0x500  }
0x4e: {  	[sflag:s20] =	ssyncset.done $0x0  }
0x4f: {  	[sflag:s20] =	ssyncadd.s32 $0xFFFFFB00  }
0x50: {  	_ =	swait.ge [sflag:s20], $0x500  }
0x51: {  	[sflag:s20] =	ssyncset.done $0x0  }
0x52: {  	[sflag:s20] =	ssyncadd.s32 $0xFFFFFB00  }
0x53: {  	_ =	swait.ge [sflag:s20], $0x500  }
0x54: {  	[sflag:s20] =	ssyncset.done $0x0  }
0x55: {  	[sflag:s20] =	ssyncadd.s32 $0xFFFFFB00  }
0x56: {  	_ =	swait.ge [sflag:s20], $0x500  }
0x57: {  	[sflag:s20] =	ssyncset.done $0x0  }
0x58: {  	[sflag:s20] =	ssyncadd.s32 $0xFFFFFB00  }
0x59: {  	_ =	swait.ge [sflag:s20], $0x500  }
0x5a: {  	[sflag:s20] =	ssyncset.done $0x0  }
0x5b: {  	[sflag:s20] =	ssyncadd.s32 $0xFFFFFB00  }
0x5c: {  	_ =	swait.ge [sflag:s20], $0x500  }
0x5d: {  	[sflag:s20] =	ssyncset.done $0x0  }
0x5e: {  	[sflag:s20] =	ssyncadd.s32 $0xFFFFFB00  }
0x5f: {  	_ =	swait.ge [sflag:s20], $0x500  }
0x60: {  	[sflag:s20] =	ssyncset.done $0x0  }
0x61: {  	s10 =	simm.s32 @!p2 $0x1;
	[sflag:s20] =	ssyncadd.s32 $0xFFFFFB00  }
0x62: {  	_ =	swait.ge @!p2 [sflag:s10], $0x500  }
0x63: {  	[sflag:s10] =	ssyncset.done @!p2 $0x0  }
0x64: {  	[sflag:s10] =	ssyncadd.s32 @!p2 $0xFFFFFB00  }
0x65: {  	[bflag:$0x0] =	sbarrier.arrive $0xFFFF  }
0x66: {  	[tilespmem:s22], [sflag:$0x1] =	stream.indirect.gather [hbm4b:s24+s21], $0x80, s1, s21, $0xb8;
	[tilespmem:$0x1E080] =	vst v63  }
0x67: {  	s11 =	simm.s32 $0x80  }
0x68: {  	[tilespmem:s26], [sflag:$0x2] =	stream.indirect.gather [hbm4b:s24+s21], $0x80, s11, s21, $0xb8;
	[tilespmem:$0x1E080] =	vst v63  }
0x69: {  	_ =	swait.ge [sflag:s20], $0x3E80  }
0x6a: {  	[sflag:s20] =	ssyncset.done $0x0  }
0x6b: {  	[sflag:s20] =	ssyncadd.s32 $0xFFFFC180  }
0x6c: {  	[spmem:s28] =	stream.indirect.scatter.add.f32 [tilespmem:s22], [sflag:$0x3], $0x80, s19, s21, $0xb8;
	[tilespmem:$0x1E080] =	vst v63  }
0x6d: {  	_ =	swait.ge [sflag:s29], $0x3E80  }
0x6e: {  	[sflag:s29] =	ssyncset.done $0x0  }
0x6f: {  	s23 =	simm.s32 $0x100;
	[sflag:s29] =	ssyncadd.s32 $0xFFFFC180  }
0x70: {  	[tilespmem:s22], [sflag:$0x1] =	stream.indirect.gather [hbm4b:s24+s21], $0x80, s23, s21, $0xb8;
	[tilespmem:$0x1E080] =	vst v63  }
0x71: {  	_ =	swait.ge [sflag:s25], $0x3E80  }
0x72: {  	[sflag:s25] =	ssyncset.done $0x0  }
0x73: {  	s11 =	simm.s32 $0x1480;
	[sflag:s25] =	ssyncadd.s32 $0xFFFFC180  }
0x74: {  	[spmem:s28] =	stream.indirect.scatter.add.f32 [tilespmem:s26], [sflag:$0x4], $0x80, s11, s21, $0xb8;
	[tilespmem:$0x1E080] =	vst v63  }
0x75: {  	_ =	swait.ge [sflag:s0], $0x3E80  }
0x76: {  	[sflag:s0] =	ssyncset.done $0x0  }
0x77: {  	s23 =	simm.s32 $0x180;
	[sflag:s0] =	ssyncadd.s32 $0xFFFFC180  }
0x78: {  	[tilespmem:s26], [sflag:$0x2] =	stream.indirect.gather [hbm4b:s24+s21], $0x80, s23, s21, $0xb8;
	[tilespmem:$0x1E080] =	vst v63  }
0x79: {  	_ =	swait.ge [sflag:s20], $0x3E80  }
0x7a: {  	[sflag:s20] =	ssyncset.done $0x0  }
0x7b: {  	s11 =	simm.s32 $0x1500;
	[sflag:s20] =	ssyncadd.s32 $0xFFFFC180  }
0x7c: {  	[spmem:s28] =	stream.indirect.scatter.add.f32 [tilespmem:s22], [sflag:$0x3], $0x80, s11, s21, $0xb8;
	[tilespmem:$0x1E080] =	vst v63  }
0x7d: {  	_ =	swait.ge [sflag:s29], $0x3E80  }
0x7e: {  	[sflag:s29] =	ssyncset.done $0x0  }
0x7f: {  	s23 =	simm.s32 $0x200;
	[sflag:s29] =	ssyncadd.s32 $0xFFFFC180  }
0x80: {  	[tilespmem:s22], [sflag:$0x1] =	stream.indirect.gather [hbm4b:s24+s21], $0x80, s23, s21, $0xb8;
	[tilespmem:$0x1E080] =	vst v63  }
0x81: {  	_ =	swait.ge [sflag:s25], $0x3E80  }
0x82: {  	[sflag:s25] =	ssyncset.done $0x0  }
0x83: {  	s10 =	simm.s32 $0x1580;
	s23 =	simm.s32 $0xFFFFBC00;
	[sflag:s25] =	ssyncadd.s32 $0xFFFFC180  }
.LBB2_2:
0x84: {  	[spmem:s28] =	stream.indirect.scatter.add.f32 [tilespmem:s26], [sflag:$0x4], $0x80, s10, s21, $0xb8;
	[tilespmem:$0x1E080] =	vst v63  }
0x85: {  	s10 =	smov.u32 s23  }
0x86: {  	p4 =	sne.s32 s23, $0xFFFFFC00;
	s23 =	sadd.s32 $0x400, s23;
	_ =	swait.ge [sflag:s0], $0x3E80  }
0x87: {  	s10 =	sshra.s32 s10, $0x2;
	[sflag:s0] =	ssyncset.done $0x0  }
0x88: {  	s11 =	sadd.s32 $0x1380, s10;
	[sflag:s0] =	ssyncadd.s32 $0xFFFFC180  }
0x89: {  	[tilespmem:s26], [sflag:$0x2] =	stream.indirect.gather [hbm4b:s24+s21], $0x80, s11, s21, $0xb8;
	[tilespmem:$0x1E080] =	vst v63  }
0x8a: {  	_ =	swait.ge [sflag:s20], $0x3E80  }
0x8b: {  	[sflag:s20] =	ssyncset.done $0x0  }
0x8c: {  	s11 =	sadd.s32 $0x2700, s10;
	[sflag:s20] =	ssyncadd.s32 $0xFFFFC180  }
0x8d: {  	[spmem:s28] =	stream.indirect.scatter.add.f32 [tilespmem:s22], [sflag:$0x3], $0x80, s11, s21, $0xb8;
	[tilespmem:$0x1E080] =	vst v63  }
0x8e: {  	_ =	swait.ge [sflag:s29], $0x3E80  }
0x8f: {  	[sflag:s29] =	ssyncset.done $0x0  }
.Ltmp2:
0x90: {  	s11 =	sadd.s32 $0x1400, s10;
	[sflag:s29] =	ssyncadd.s32 $0xFFFFC180;
	(pc) =	sbr.rel @p4 .LBB2_2-.Ltmp2, $4  }
0x91: {  	[tilespmem:s22], [sflag:$0x1] =	stream.indirect.gather [hbm4b:s24+s21], $0x80, s11, s21, $0xb8;
	[tilespmem:$0x1E080] =	vst v63  }
0x92: {  	_ =	swait.ge [sflag:s25], $0x3E80  }
0x93: {  	[sflag:s25] =	ssyncset.done $0x0  }
0x94: {  	s10 =	sadd.s32 $0x2780, s10;
	[sflag:s25] =	ssyncadd.s32 $0xFFFFC180  }
0x95: {  	[spmem:s28] =	stream.indirect.scatter.add.f32 [tilespmem:s26], [sflag:$0x4], $0x80, s10, s21, $0xb8;
	[tilespmem:$0x1E080] =	vst v63  }
0x96: {  	_ =	swait.ge [sflag:s0], $0x3E80  }
0x97: {  	[sflag:s0] =	ssyncset.done $0x0  }
0x98: {  	s23 =	simm.s32 $0x1380;
	[sflag:s0] =	ssyncadd.s32 $0xFFFFC180  }
0x99: {  	[tilespmem:s26], [sflag:$0x2] =	stream.indirect.gather [hbm4b:s24+s21], $0x80, s23, s21, $0xb8;
	[tilespmem:$0x1E080] =	vst v63  }
0x9a: {  	_ =	swait.ge [sflag:s20], $0x3E80  }
0x9b: {  	[sflag:s20] =	ssyncset.done $0x0  }
0x9c: {  	s11 =	simm.s32 $0x2700;
	[sflag:s20] =	ssyncadd.s32 $0xFFFFC180  }
0x9d: {  	[spmem:s28] =	stream.indirect.scatter.add.f32 [tilespmem:s22], [sflag:$0x3], $0x80, s11, s21, $0xb8;
	[tilespmem:$0x1E080] =	vst v63  }
0x9e: {  	_ =	swait.ge [sflag:s25], $0x3E80  }
0x9f: {  	[sflag:s25] =	ssyncset.done $0x0  }
0xa0: {  	s23 =	simm.s32 $0x2780;
	[sflag:s25] =	ssyncadd.s32 $0xFFFFC180  }
0xa1: {  	[spmem:s28] =	stream.indirect.scatter.add.f32 [tilespmem:s26], [sflag:$0x4], $0x80, s23, s21, $0xb8;
	[tilespmem:$0x1E080] =	vst v63  }
0xa2: {  	_ =	swait.ge [sflag:s29], $0x3E80  }
0xa3: {  	[sflag:s29] =	ssyncset.done $0x0  }
0xa4: {  	[sflag:s29] =	ssyncadd.s32 $0xFFFFC180  }
.Ltmp3:
0xa5: {  	_ =	swait.ge [sflag:s0], $0x3E80;
	(pc) =	sbr.rel @!p0 .LBB2_4-.Ltmp3, $3  }
0xa6: {  	[sflag:s0] =	ssyncset.done $0x0  }
0xa7: {  	[sflag:s0] =	ssyncadd.s32 $0xFFFFC180  }
0xa8: {  	[bflag:$0x0] =	sbarrier.arrive $0xFFFF;
	_ =	sdelay $0x1  }
0xa9: {  	s10 =	rddreg [dreg:$0x14]  }
0xaa: {  	[hbm:s10], [sflag:s3] =	dma.local [spmem:s4], $0x500  }
0xab: {  	s4 =	rddreg [dreg:$0x15]  }
0xac: {  	[hbm:s4], [sflag:s3] =	dma.local [spmem:s5], $0x500  }
0xad: {  	s4 =	rddreg [dreg:$0x16]  }
0xae: {  	[hbm:s4], [sflag:s3] =	dma.local [spmem:s6], $0x500  }
0xaf: {  	s4 =	rddreg [dreg:$0x17]  }
0xb0: {  	[hbm:s4], [sflag:s3] =	dma.local [spmem:s7], $0x500  }
0xb1: {  	s4 =	rddreg [dreg:$0x18]  }
0xb2: {  	[hbm:s4], [sflag:s3] =	dma.local [spmem:s8], $0x500  }
0xb3: {  	s4 =	rddreg [dreg:$0x19]  }
0xb4: {  	[hbm:s4], [sflag:s3] =	dma.local [spmem:s9], $0x500  }
0xb5: {  	s4 =	rddreg [dreg:$0x1a]  }
0xb6: {  	[hbm:s4], [sflag:s3] =	dma.local [spmem:s30], $0x500  }
0xb7: {  	s4 =	rddreg [dreg:$0x1b]  }
0xb8: {  	[hbm:s4], [sflag:s3] =	dma.local @!p1 [spmem:s31], $0x500  }
0xb9: {  	_ =	swait.ge [sflag:s20], $0x500  }
0xba: {  	[sflag:s20] =	ssyncset.done $0x0  }
0xbb: {  	[sflag:s20] =	ssyncadd.s32 $0xFFFFFB00  }
0xbc: {  	_ =	swait.ge [sflag:s20], $0x500  }
0xbd: {  	[sflag:s20] =	ssyncset.done $0x0  }
0xbe: {  	[sflag:s20] =	ssyncadd.s32 $0xFFFFFB00  }
0xbf: {  	_ =	swait.ge [sflag:s20], $0x500  }
0xc0: {  	[sflag:s20] =	ssyncset.done $0x0  }
0xc1: {  	[sflag:s20] =	ssyncadd.s32 $0xFFFFFB00  }
0xc2: {  	_ =	swait.ge [sflag:s20], $0x500  }
0xc3: {  	[sflag:s20] =	ssyncset.done $0x0  }
0xc4: {  	[sflag:s20] =	ssyncadd.s32 $0xFFFFFB00  }
0xc5: {  	_ =	swait.ge [sflag:s20], $0x500  }
0xc6: {  	[sflag:s20] =	ssyncset.done $0x0  }
0xc7: {  	[sflag:s20] =	ssyncadd.s32 $0xFFFFFB00  }
0xc8: {  	_ =	swait.ge [sflag:s20], $0x500  }
.Ltmp4:
0xc9: {  	[sflag:s20] =	ssyncset.done $0x0;
	(pc) =	sbr.rel @p2 .LBB2_7-.Ltmp4, $4  }
.Ltmp5:
0xca: {  	[sflag:s20] =	ssyncadd.s32 $0xFFFFFB00;
	(pc) =	sbr.rel @!p2 .LBB2_6-.Ltmp5, $4  }
0xcb: {  	_ =	swait.ge [sflag:s20], $0x500  }
0xcc: {  	[sflag:s20] =	ssyncset.done $0x0  }
0xcd: {  	[sflag:s20] =	ssyncadd.s32 $0xFFFFFB00  }
0xce: {  	_ = 	snop  }
.LBB2_4:
0xcf: {  	s10 =	rddreg [dreg:$0xc]  }
0xd0: {  	[hbm:s10], [sflag:s3] =	dma.local [spmem:s4], $0x500  }
0xd1: {  	s4 =	rddreg [dreg:$0xd]  }
0xd2: {  	[hbm:s4], [sflag:s3] =	dma.local [spmem:s5], $0x500  }
0xd3: {  	s4 =	rddreg [dreg:$0xe]  }
0xd4: {  	[hbm:s4], [sflag:s3] =	dma.local [spmem:s6], $0x500  }
0xd5: {  	s4 =	rddreg [dreg:$0xf]  }
0xd6: {  	[hbm:s4], [sflag:s3] =	dma.local [spmem:s7], $0x500  }
0xd7: {  	s4 =	rddreg [dreg:$0x10]  }
0xd8: {  	[hbm:s4], [sflag:s3] =	dma.local [spmem:s8], $0x500  }
0xd9: {  	s4 =	rddreg [dreg:$0x11]  }
0xda: {  	[hbm:s4], [sflag:s3] =	dma.local [spmem:s9], $0x500  }
0xdb: {  	s4 =	rddreg [dreg:$0x12]  }
0xdc: {  	[hbm:s4], [sflag:s3] =	dma.local [spmem:s30], $0x500  }
0xdd: {  	s4 =	rddreg [dreg:$0x13]  }
0xde: {  	[hbm:s4], [sflag:s3] =	dma.local @!p1 [spmem:s31], $0x500  }
0xdf: {  	_ =	swait.ge [sflag:s20], $0x500  }
0xe0: {  	[sflag:s20] =	ssyncset.done $0x0  }
0xe1: {  	[sflag:s20] =	ssyncadd.s32 $0xFFFFFB00  }
0xe2: {  	_ =	swait.ge [sflag:s20], $0x500  }
0xe3: {  	[sflag:s20] =	ssyncset.done $0x0  }
0xe4: {  	[sflag:s20] =	ssyncadd.s32 $0xFFFFFB00  }
0xe5: {  	_ =	swait.ge [sflag:s20], $0x500  }
0xe6: {  	[sflag:s20] =	ssyncset.done $0x0  }
0xe7: {  	[sflag:s20] =	ssyncadd.s32 $0xFFFFFB00  }
0xe8: {  	_ =	swait.ge [sflag:s20], $0x500  }
0xe9: {  	[sflag:s20] =	ssyncset.done $0x0  }
0xea: {  	[sflag:s20] =	ssyncadd.s32 $0xFFFFFB00  }
0xeb: {  	_ =	swait.ge [sflag:s20], $0x500  }
0xec: {  	[sflag:s20] =	ssyncset.done $0x0  }
0xed: {  	[sflag:s20] =	ssyncadd.s32 $0xFFFFFB00  }
0xee: {  	_ =	swait.ge [sflag:s20], $0x500  }
.Ltmp6:
0xef: {  	[sflag:s20] =	ssyncset.done $0x0;
	(pc) =	sbr.rel @p3 .LBB2_6-.Ltmp6, $4  }
.Ltmp7:
0xf0: {  	[sflag:s20] =	ssyncadd.s32 $0xFFFFFB00;
	(pc) =	sbr.rel @!p3 .LBB2_7-.Ltmp7, $4  }
0xf1: {  	_ =	swait.ge [sflag:s20], $0x500  }
0xf2: {  	[sflag:s20] =	ssyncset.done $0x0  }
0xf3: {  	[sflag:s20] =	ssyncadd.s32 $0xFFFFFB00  }
0xf4: {  	_ = 	snop  }
.LBB2_8:
0xf5: {  	_ =	sfence.sel $0x180000  }
0xf6: {  	[bflag:$0x0] =	sbarrier.arrive $0xFFFF  }
0xf7: {  	_ =	strace $0x9000004A  }
0xf8: {  	s0 =	stileid.u32;
	[bflag:$0x2] =	sbarrier.arrive $0xFFFF  }
0xf9: {  	p0 =	sne.s32 s0, $0x0;
	s0 =	rddreg [dreg:$0x3]  }
0xfa: {  	s0 =	sadd.s32 @!p0 $0x100000, s0  }
0xfb: {  	[sflag:s0] =	ssyncadd.tile.s32 @!p0 $0x1;
	_ =	shalt  }
.Lfunc_end2:
_tile_overlayer_lowered:
.L_overlay_start_2:
0xfc: {  	(tag) =	ssettag $0x2  }
0xfd: {  	s0 =	rddreg [dreg:$0x0];
	s2 =	stileid.u32  }
0xfe: {  	s1 =	rddreg [dreg:$0x1];
	p0 =	sne.s32 s2, $0x0  }
0xff: {  	s3 =	rddreg [dreg:$0x2];
	[bflag:$0x3] =	sbarrier.arrive $0xFFFF;
	s2 =	simm.s32 @!p0 $0x1C05  }
0x100: {  	[timem:s3], [sflag:s2] =	dma.local @!p0 [hbm:s0], s1  }
0x101: {  	s0 =	simm.s32 @!p0 $0x5  }
0x102: {  	_ =	swait.ge @!p0 [sflag:s0], s1  }
0x103: {  	s1 =	ssub.s32 @!p0 $0x0, s1;
	[sflag:s0] =	ssyncset.done @!p0 $0x0  }
0x104: {  	[sflag:s0] =	ssyncadd.s32 @!p0 s1  }
0x105: {  	[bflag:$0x3] =	sbarrier.arrive $0xFFFF  }
0x106: {  	_ =	shalt  }

// kernel: kernel.7.cloned.1.call-start
scs
__scs_entry_jumppad:
0x0: {  	(pc) =	sbr.rel $0x88, $3  }
0x1: {  	(tag) =	ssettag $0x0;
	lr =	simm.s32 $0x1  }
0x2: {  	[smem:$0x3F99] =	sst lr;
	_ =	strace $0xD0000000  }
0x3: {  	_ = 	snop  }
0x4: {  	_ = 	snop  }
0x5: {  	_ = 	snop  }
0x6: {  	_ = 	snop  }
0x7: {  	_ = 	snop  }
__scs_overlays_trampoline_lowered:
0x8: {  	[smem:$0x3FA8] =	sst s0  }
0x9: {  	[smem:$0x3FA9] =	sst s1  }
0xa: {  	[smem:$0x3FAA] =	sst s2  }
0xb: {  	[smem:$0x3FAB] =	sst s3  }
0xc: {  	[smem:$0x3FAC] =	sst s4  }
0xd: {  	[smem:$0x3FAD] =	sst s5  }
0xe: {  	[smem:$0x3FAE] =	sst s6  }
0xf: {  	[smem:$0x3FAF] =	sst s7  }
0x10: {  	[smem:$0x3FB0] =	sst s8  }
0x11: {  	[smem:$0x3FB1] =	sst s9;
	s0 =	simm.s32 @!p0 $0x0  }
0x12: {  	s1 =	sld [smem:$0x3F97];
	s0 =	simm.s32 @p0 $0x1  }
0x13: {  	[smem:$0x3FB2] =	sst s0;
	s0 =	simm.s32 @!p1 $0x0  }
0x14: {  	s2 =	sld [smem:$0x3F96];
	s0 =	simm.s32 @p1 $0x1  }
0x15: {  	[smem:$0x3FB3] =	sst s0;
	s0 =	simm.s32 @!p2 $0x0  }
0x16: {  	s3 =	sld [smem:$0x3FDB];
	s0 =	simm.s32 @p2 $0x1  }
0x17: {  	s4 =	simm.s32 $0x1BF5;
	[smem:$0x3FB5] =	sst s0  }
0x18: {  	s0 =	sld [smem:$0x3F98];
	_ =	swait.ge [sflag:s4], $0x0  }
0x19: {  	s7 =	sld [smem:$0x3F99]  }
0x1a: {  	s8 =	sadd.s32 $0xFFFFE003, lr  }
0x1b: {  	s9 =	sadd.s32 $0xFFFFFEF7, lr;
	s5 =	simm.s32 $0xFFFFFFFF;
	p2 =	slt.u32 s8, $0xFFFFF086  }
0x1c: {  	p1 =	slt.u32 s9, $0xF7A;
	s5 =	simm.s32 @!p2 $0x0  }
0x1d: {  	s5 =	simm.s32 @p1 $0x1;
	p0 =	seq.s32 s7, s2  }
0x1e: {  	s7 =	smul.u32 @!p0 $0xF7A, s2;
	p2 =	seq.s32 @!p0 s5, $0x0  }
0x1f: {  	s9 =	smul.u32 $0xF7A, s1;
	s8 =	simm.s32 @!p0 $0x1BF5;
	p2 =	por !p2, p0  }
0x20: {  	[sflag:s8] =	ssyncset.s32 @!p0 $0xFFFFF086;
	s6 =	sadd.s32 @!p0 s3, s7;
	s7 =	simm.s32 @!p0 $0x108  }
0x21: {  	s3 =	sadd.s32 s3, s9;
	s6 =	sadd.s32 @!p0 $0x88, s6;
	s7 =	simm.s32 @p2 $0x1082  }
0x22: {  	[simem:s7], [sflag:s8] =	dma.local @!p0 [hbm:s6], $0xF7A  }
0x23: {  	s9 =	sor.u32 $0xD0000000, s2;
	s6 =	simm.s32 $0x108;
	_ =	swait.ge @!p0 [sflag:s8], $0x0  }
0x24: {  	s3 =	sadd.s32 $0x88, s3;
	s6 =	simm.s32 @!p1 $0x1082;
	[sflag:s4] =	ssyncset.s32 $0xFFFFF086  }
0x25: {  	[simem:s6], [sflag:s4] =	dma.local [hbm:s3], $0xF7A  }
0x26: {  	[smem:$0x3F99] =	sst s1;
	(tag) =	ssettag s2;
	_ =	strace s9  }
0x27: {  	s1 =	sld [smem:$0x3FA9]  }
0x28: {  	s2 =	sld [smem:$0x3FAA]  }
0x29: {  	s4 =	sld [smem:$0x3FAC]  }
0x2a: {  	p0 =	seq.s32 s5, $0x0;
	s5 =	sld [smem:$0x3FAD]  }
0x2b: {  	s6 =	sld [smem:$0x3FAE]  }
0x2c: {  	s7 =	sld [smem:$0x3FAF]  }
0x2d: {  	s3 =	simm.s32 $0x108;
	s8 =	sld [smem:$0x3FB0]  }
0x2e: {  	s3 =	simm.s32 @!p0 $0x1082;
	s9 =	sld [smem:$0x3FB1]  }
0x2f: {  	lr =	sadd.s32 s0, s3;
	s0 =	sld [smem:$0x3FA8]  }
0x30: {  	s3 =	sld [smem:$0x3FAB]  }
0x31: {  	[smem:$0x3FB4] =	sst s10  }
0x32: {  	s10 =	sld [smem:$0x3FB2];
	_ =	sdelay $0x3  }
0x33: {  	p0 =	seq.s32 s10, $0x1;
	s10 =	sld [smem:$0x3FB4];
	_ =	sdelay $0x3  }
0x34: {  	[smem:$0x3FB4] =	sst s10  }
0x35: {  	s10 =	sld [smem:$0x3FB3];
	_ =	sdelay $0x3  }
0x36: {  	p1 =	seq.s32 s10, $0x1;
	s10 =	sld [smem:$0x3FB4];
	_ =	sdelay $0x3  }
0x37: {  	[smem:$0x3FB4] =	sst s10  }
0x38: {  	s10 =	sld [smem:$0x3FB5]  }
0x39: {  	_ = 	snop;
	(pc) =	sbr.ind lr, $3  }
0x3a: {  	_ = 	snop  }
0x3b: {  	_ = 	snop  }
0x3c: {  	p2 =	seq.s32 s10, $0x1;
	s10 =	sld [smem:$0x3FB4]  }
0x3d: {  	_ =	shalt  }
0x3e: {  	_ =	shalt  }
0x3f: {  	_ =	shalt  }
0x40: {  	_ =	shalt  }
0x41: {  	_ =	shalt  }
0x42: {  	_ =	shalt  }
0x43: {  	_ =	shalt  }
0x44: {  	_ =	shalt  }
0x45: {  	_ =	shalt  }
0x46: {  	_ =	shalt  }
0x47: {  	_ =	shalt  }
0x48: {  	_ =	shalt  }
0x49: {  	_ =	shalt  }
0x4a: {  	_ =	shalt  }
0x4b: {  	_ =	shalt  }
0x4c: {  	_ =	shalt  }
0x4d: {  	_ =	shalt  }
0x4e: {  	_ =	shalt  }
0x4f: {  	_ =	shalt  }
0x50: {  	_ =	shalt  }
0x51: {  	_ =	shalt  }
0x52: {  	_ =	shalt  }
0x53: {  	_ =	shalt  }
0x54: {  	_ =	shalt  }
0x55: {  	_ =	shalt  }
0x56: {  	_ =	shalt  }
0x57: {  	_ =	shalt  }
0x58: {  	_ =	shalt  }
0x59: {  	_ =	shalt  }
0x5a: {  	_ =	shalt  }
0x5b: {  	_ =	shalt  }
0x5c: {  	_ =	shalt  }
0x5d: {  	_ =	shalt  }
0x5e: {  	_ =	shalt  }
0x5f: {  	_ =	shalt  }
0x60: {  	_ =	shalt  }
0x61: {  	_ =	shalt  }
0x62: {  	_ =	shalt  }
0x63: {  	_ =	shalt  }
0x64: {  	_ =	shalt  }
0x65: {  	_ =	shalt  }
0x66: {  	_ =	shalt  }
0x67: {  	_ =	shalt  }
0x68: {  	_ =	shalt  }
0x69: {  	_ =	shalt  }
0x6a: {  	_ =	shalt  }
0x6b: {  	_ =	shalt  }
0x6c: {  	_ =	shalt  }
0x6d: {  	_ =	shalt  }
0x6e: {  	_ =	shalt  }
0x6f: {  	_ =	shalt  }
0x70: {  	_ =	shalt  }
0x71: {  	_ =	shalt  }
0x72: {  	_ =	shalt  }
0x73: {  	_ =	shalt  }
0x74: {  	_ =	shalt  }
0x75: {  	_ =	shalt  }
0x76: {  	_ =	shalt  }
0x77: {  	_ =	shalt  }
0x78: {  	_ =	shalt  }
0x79: {  	_ =	shalt  }
0x7a: {  	_ =	shalt  }
0x7b: {  	_ =	shalt  }
0x7c: {  	_ =	shalt  }
0x7d: {  	_ =	shalt  }
0x7e: {  	_ =	shalt  }
0x7f: {  	_ =	shalt  }
0x80: {  	_ =	shalt  }
0x81: {  	_ =	shalt  }
0x82: {  	_ =	shalt  }
0x83: {  	_ =	shalt  }
0x84: {  	_ =	shalt  }
0x85: {  	_ =	shalt  }
0x86: {  	_ =	shalt  }
0x87: {  	_ =	shalt  }
.Lfunc_end0:
.L_simem_size_0:
called_computation_lowered:
.L_overlay_start_0:
0x88: {  	s2 =	sld [smem:$0x3FD9]  }
0x89: {  	s3 =	sld [smem:$0x3FFE];
	_ =	sdelay $0x1  }
0x8a: {  	s1 =	srdreg.scid  }
0x8b: {  	s0 =	sand.u32 $0x1, s1  }
0x8c: {  	s17 =	sshll.u32 s0, $0xA;
	s2 =	sadd.s32 s3, s2  }
0x8d: {  	s2 =	sadd.s32 s2, s17  }
0x8e: {  	[smem:$0x3FC0] =	sst s2  }
0x8f: {  	_ = 	snop  }
0x90: {  	s2 =	sld [smem:$0x3FD0];
	(tm) =	ssettm $0x1  }
0x91: {  	s18 =	sld [smem:$0x3FFB];
	_ =	sdelay $0x3  }
0x92: {  	_ =	strace s18  }
0x93: {  	s3 =	sld [smem:$0x3FFC];
	_ =	sdelay $0x3  }
0x94: {  	_ =	strace s3  }
0x95: {  	s3 =	sld [smem:$0x3FFD];
	_ =	sdelay $0x3  }
0x96: {  	_ =	strace s3  }
0x97: {  	_ =	strace $0x8FFFFFFF  }
0x98: {  	s19 =	sld [smem:$0x3FDB];
	_ =	sdelay $0x1  }
0x99: {  	s4 =	simm.s32 $_scs_section_size  }
0x9a: {  	s5 =	simm.s32 $_size__tile_overlayer_lowered;
	s6 =	simm.s32 $_tile_overlayer_lowered  }
0x9b: {  	s22 =	simm.s32 $0x1BFF;
	s21 =	sshll.u32 s6, $0x1;
	s3 =	sadd.s32 s4, s19  }
0x9c: {  	s7 =	simm.s32 $0x0;
	s20 =	sshll.u32 s5, $0x1;
	s5 =	sadd.s32 s21, s3  }
0x9d: {  	[timem:s7], [sflag:s22] =	dma.local [hbm:s5], s20  }
0x9e: {  	_ =	swait.ge [sflag:s22], s20  }
0x9f: {  	s4 =	ssub.s32 $0x0, s20;
	[sflag:s22] =	ssyncset.done $0x0  }
0xa0: {  	[sflag:s22] =	ssyncadd.s32 s4;
	_ =	sdelay $0x1  }
0xa1: {  	s23 =	simm.s32 $0x1B8B  }
0xa2: {  	_ =	swait.ge [sflag:s23], $0x1  }
0xa3: {  	[sflag:s23] =	ssyncset.done $0x0  }
0xa4: {  	s25 =	simm.s32 $0x1B8E;
	s24 =	sld [smem:$0x3FFE];
	[sflag:s23] =	ssyncadd.s32 $0xFFFFFFFF  }
0xa5: {  	s26 =	simm.s32 $execute0_lowered;
	[smem:$0x3FD2] =	sst s25  }
0xa6: {  	s5 =	sshll.u32 s26, $0x1;
	_ =	strace $0x80000046;
	[dreg:$0x1] =	wrdreg $0xFFFFFFFF  }
0xa7: {  	s28 =	simm.s32 $_size_execute0_lowered;
	s3 =	sadd.s32 s3, s5;
	[dreg:$0x0] =	wrdreg $0x0  }
0xa8: {  	s5 =	sshll.u32 s28, $0x1;
	[dreg:$0x2] =	wrdreg s3  }
0xa9: {  	[dreg:$0x3] =	wrdreg s5  }
0xaa: {  	[dreg:$0x4] =	wrdreg $0xC0  }
0xab: {  	_ =	task [dreg:s7], $0x5FFFF  }
0xac: {  	[dreg:$0x1] =	wrdreg $0xFFFFFFFF  }
0xad: {  	[dreg:$0x0] =	wrdreg $0x60  }
0xae: {  	[dreg:$0x2] =	wrdreg s24  }
0xaf: {  	[dreg:$0x3] =	wrdreg s2  }
0xb0: {  	[dreg:$0x4] =	wrdreg $0xA8000  }
0xb1: {  	[dreg:$0x5] =	wrdreg $0x9  }
0xb2: {  	_ =	task.clear_ibuf [dreg:s7], $0x6FFFF;
	_ =	strace $0x90000046  }
0xb3: {  	s29 =	simm.s32 $0x9;
	_ =	strace $0x80000048  }
0xb4: {  	_ =	swait.ge [sflag:s29], $0x1  }
0xb5: {  	[sflag:s29] =	ssyncadd.s32 $0xFFFFFFFF  }
0xb6: {  	_ =	strace $0x90000048  }
0xb7: {  	_ =	sfence  }
0xb8: {  	s30 =	sld [smem:$0x0];
	_ =	sdelay $0x2  }
0xb9: {  	s31 =	sshll.u32 s1, $0xD;
	s1 =	sshrl.u32 s1, $0x2  }
0xba: {  	s3 =	sand.u32 $0x4000, s31;
	s1 =	sadd.s32 s1, s30  }
0xbb: {  	s0 =	sor.u32 s3, s0;
	s1 =	sshll.u32 s1, $0x11  }
0xbc: {  	s0 =	sor.u32 s1, s0  }
0xbd: {  	s0 =	sadd.s32 $0x8F2B, s0  }
0xbe: {  	[sflag:s0] =	ssyncadd.remote.s32 $0x1  }
0xbf: {  	_ =	sfence.sel $0xFFFF  }
0xc0: {  	[dreg:$0x0] =	wrdreg $0xFFFFFFFF;
	(pc) =	sbr.abs _section_cstart, $3  }
0xc1: {  	[dreg:$0x1] =	wrdreg $0xFFFFFFFF  }
0xc2: {  	_ =	task.clear_ibuf [dreg:s7], $0x2FFFF;
	_ =	strace $0x9FFFFFFF  }
0xc3: {  	(tm) =	ssettm $0x7FFFFFFF  }
tec
execute0_lowered:
.L_overlay_start_1:
0x0: {  	(tag) =	ssettag $0x1  }
0x1: {  	s1 =	rddreg [dreg:$0x0];
	s0 =	simm.s32 $0x0;
	s2 =	srdreg.scid  }
0x2: {  	s21 =	stileid.u32;
	[smem:$0x7FF] =	sst s0;
	s5 =	sadd.s32 $0x7C00, s1  }
0x3: {  	s6 =	sadd.s32 $0x2C00, s1;
	s3 =	sand.u32 $0x1, s2;
	s8 =	smul.u32 $0x500, s21  }
0x4: {  	s7 =	sadd.s32 $0x33E00, s1;
	s9 =	smul.u32 $0x2800, s21;
	s10 =	sor.u32 $0x10, s21  }
0x5: {  	s11 =	sadd.s32 $0x82200, s1;
	s12 =	sor.u32 $0x20, s21;
	s13 =	sor.u32 $0x30, s21  }
0x6: {  	s16 =	sor.u32 $0x40, s21;
	s17 =	sor.u32 $0x50, s21;
	s2 =	ssub.s32 $0x2, s3  }
0x7: {  	p0 =	seq.s32 s3, $0x1;
	s3 =	smul.u32 $0xA000, s12;
	s22 =	sadd.s32 s5, s8  }
0x8: {  	s12 =	smul.u32 $0x500, s12;
	s23 =	sadd.s32 s6, s8;
	[dreg:$0x4] =	wrdreg s22  }
0x9: {  	s14 =	smul.u32 $0x500, s13;
	s15 =	sadd.s32 s7, s8;
	[dreg:$0x5] =	wrdreg s23  }
0xa: {  	s4 =	sshrl.u32 s2, $0x1;
	[dreg:$0x8] =	wrdreg s15;
	s24 =	sadd.s32 s7, s12  }
0xb: {  	s9 =	sshrl.u32 s9, $0x3;
	s20 =	sadd.s32 s7, s14;
	[dreg:$0xa] =	wrdreg s24  }
0xc: {  	s9 =	sadd.s32 $0x280, s9;
	s23 =	sadd.s32 s11, s12;
	[dreg:$0xb] =	wrdreg s20  }
0xd: {  	s4 =	ssub.s32 s2, s4;
	s5 =	sadd.s32 s5, s9;
	[dreg:$0x12] =	wrdreg s23  }
0xe: {  	s2 =	smul.u32 $0xA000, s10;
	s6 =	sadd.s32 s6, s9;
	[dreg:$0x6] =	wrdreg s5  }
0xf: {  	s10 =	smul.u32 $0x500, s10;
	s20 =	sadd.s32 s11, s8;
	[dreg:$0x7] =	wrdreg s6  }
0x10: {  	s9 =	sor.u32 $0x60, s21;
	s24 =	sadd.s32 s11, s14;
	[dreg:$0x10] =	wrdreg s20  }
0x11: {  	s5 =	smul.u32 $0x500, s16;
	s19 =	sadd.s32 s7, s10;
	[dreg:$0x13] =	wrdreg s24  }
0x12: {  	s6 =	smul.u32 $0x500, s17;
	s22 =	sadd.s32 s11, s10;
	[dreg:$0x9] =	wrdreg s19  }
0x13: {  	s15 =	smul.u32 $0x500, s9;
	[dreg:$0x11] =	wrdreg s22;
	s25 =	sadd.s32 s7, s5  }
0x14: {  	s18 =	sor.u32 $0x70, s21;
	s26 =	sadd.s32 s7, s6;
	[dreg:$0xc] =	wrdreg s25  }
0x15: {  	s19 =	smul.u32 $0x500, s18;
	s31 =	sadd.s32 s7, s15;
	[dreg:$0xd] =	wrdreg s26  }
0x16: {  	[dreg:$0xe] =	wrdreg s31  }
0x17: {  	s7 =	sadd.s32 s7, s19;
	s25 =	sadd.s32 s11, s5;
	s26 =	sadd.s32 s11, s6  }
0x18: {  	s31 =	sadd.s32 s11, s15;
	s20 =	sadd.s32 s11, s19;
	s11 =	rddreg [dreg:$0x2]  }
0x19: {  	[dreg:$0xf] =	wrdreg s7  }
0x1a: {  	s28 =	simm.s32 $0x1400;
	[dreg:$0x14] =	wrdreg s25  }
0x1b: {  	s29 =	simm.s32 $0x7D;
	s30 =	simm.s32 $0x2800;
	[dreg:$0x15] =	wrdreg s26  }
0x1c: {  	p2 =	sgt.u32 s21, $0xC;
	[dreg:$0x16] =	wrdreg s31;
	s7 =	sadd.s32 $0x5B000, s1  }
0x1d: {  	p3 =	slt.u32 s21, $0xD;
	[dreg:$0x17] =	wrdreg s20;
	s22 =	sadd.s32 s7, s8  }
0x1e: {  	s13 =	smul.u32 $0xA000, s13;
	s23 =	sadd.s32 s7, s10;
	[dreg:$0x18] =	wrdreg s22  }
0x1f: {  	p1 =	sgt.u32 s18, $0x7C;
	s24 =	sadd.s32 s7, s12;
	[dreg:$0x19] =	wrdreg s23  }
0x20: {  	s3 =	sshrl.u32 s3, $0x2;
	s25 =	sadd.s32 s7, s14;
	[dreg:$0x1a] =	wrdreg s24  }
0x21: {  	s2 =	sshrl.u32 s2, $0x2;
	s26 =	sadd.s32 s7, s5;
	[dreg:$0x1b] =	wrdreg s25  }
0x22: {  	s16 =	smul.u32 $0xA000, s16;
	s31 =	sadd.s32 s7, s6;
	[dreg:$0x1c] =	wrdreg s26  }
0x23: {  	s17 =	smul.u32 $0xA000, s17;
	s20 =	sadd.s32 $0xA9400, s1;
	[dreg:$0x1d] =	wrdreg s31  }
0x24: {  	s5 =	sadd.s32 s20, s5;
	s23 =	sadd.s32 s20, s8;
	s8 =	rddreg [dreg:$0x1]  }
0x25: {  	s2 =	sadd.s32 s2, s11;
	s22 =	sadd.s32 s7, s15;
	[smem:$0x7F1] =	sst s5  }
0x26: {  	s3 =	sadd.s32 s3, s11;
	s7 =	sadd.s32 s7, s19;
	[dreg:$0x1e] =	wrdreg s22  }
0x27: {  	s24 =	sadd.s32 s20, s10;
	s25 =	sadd.s32 s20, s12;
	[dreg:$0x1f] =	wrdreg s7  }
0x28: {  	s26 =	sadd.s32 s20, s14;
	s31 =	sadd.s32 s20, s6;
	[smem:$0x7ED] =	sst s23  }
0x29: {  	s6 =	sadd.s32 s20, s15;
	s10 =	smul.u32 $0xA000, s21;
	[smem:$0x7EE] =	sst s24  }
0x2a: {  	s15 =	sadd.s32 $0xCC00, s1;
	s12 =	smax.u32 s4, $0x1;
	[smem:$0x7EF] =	sst s25  }
0x2b: {  	s1 =	sshrl.u32 s13, $0x2;
	s5 =	sshrl.u32 s16, $0x2;
	[smem:$0x7F0] =	sst s26  }
0x2c: {  	[smem:$0x7F2] =	sst s31;
	s7 =	sadd.s32 s20, s19;
	s19 =	smul.u32 $0xA000, s9  }
0x2d: {  	s13 =	simm.s32 $0x4;
	[smem:$0x7F3] =	sst s6;
	s20 =	smul.u32 $0xA000, s18  }
0x2e: {  	s1 =	sadd.s32 s1, s11;
	s22 =	sadd.s32 s5, s11;
	[smem:$0x7F4] =	sst s7  }
0x2f: {  	s23 =	sshrl.u32 s17, $0x2;
	_ =	strace $0x80000047;
	[smem:$0x7F5] =	sst s12  }
0x30: {  	s6 =	simm.s32 $0x6800;
	s9 =	simm.s32 $0x100;
	[smem:$0x7F7] =	sst s2  }
0x31: {  	s14 =	sshrl.u32 s10, $0x2;
	s7 =	simm.s32 $0x3;
	[smem:$0x7F8] =	sst s3  }
0x32: {  	s10 =	simm.s32 $0x2;
	s4 =	sadd.s32 s14, s11;
	[smem:$0x7F9] =	sst s1  }
0x33: {  	[smem:$0x7FA] =	sst s22;
	s24 =	sshrl.u32 s19, $0x2;
	s25 =	sshrl.u32 s20, $0x2  }
.Ltmp0:
0x34: {  	s1 =	sadd.s32 s23, s11;
	s12 =	simm.s32 $0x1480;
	(pc) =	sbr.rel .LBB2_1-.Ltmp0, $4  }
0x35: {  	s14 =	simm.s32 $0x1380;
	s2 =	simm.s32 $0x2780;
	[smem:$0x7F6] =	sst s4  }
0x36: {  	s3 =	simm.s32 $0x0;
	[smem:$0x7FB] =	sst s1;
	s26 =	sadd.s32 s24, s11  }
0x37: {  	s31 =	sadd.s32 s25, s11;
	s25 =	simm.s32 $0x1;
	[smem:$0x7FC] =	sst s26  }
0x38: {  	s1 =	simm.s32 $0x2700;
	[smem:$0x7FD] =	sst s31;
	s26 =	simm.s32 $0x5  }
.LBB2_12:
0x39: {  	_ =	swait.ge [sflag:s25], $0x500  }
0x3a: {  	[sflag:s25] =	ssyncset.done $0x0  }
0x3b: {  	[sflag:s25] =	ssyncadd.s32 $0xFFFFFB00  }
.LBB2_13:
0x3c: {  	s4 =	sld [smem:$0x7F5];
	_ =	sdelay $0x1  }
0x3d: {  	s3 =	sadd.s32 $0x1, s3  }
0x3e: {  	p4 =	sne.s32 s3, s4  }
.Ltmp1:
0x3f: {  	_ = 	snop;
	(pc) =	sbr.rel @!p4 .LBB2_14-.Ltmp1, $1  }
0x40: {  	_ =	sdelay $0x3  }
.LBB2_1:
0x41: {  	s4 =	stileid.u32;
	s31 =	sld [smem:$0x7F6]  }
.Ltmp2:
0x42: {  	s17 =	sld [smem:$0x7F7];
	(pc) =	sbr.rel @!p0 .LBB2_2-.Ltmp2, $3  }
0x43: {  	s5 =	sshll.u32 s4, $0x6;
	s4 =	sld [smem:$0x7FD];
	_ =	sdelay $0x1  }
0x44: {  	s5 =	sor.u32 $0x1C01, s5  }
0x45: {  	s16 =	sshrl.u32 s31, $0x3;
	s17 =	sshrl.u32 s17, $0x3;
	s4 =	sshrl.u32 @!p1 s4, $0x3  }
0x46: {  	s18 =	rddreg [dreg:$0x18]  }
0x47: {  	[spmem:s16], [sflag:s5] =	dma.local [hbm:s18], $0x500  }
0x48: {  	s18 =	rddreg [dreg:$0x19]  }
0x49: {  	[spmem:s17], [sflag:s5] =	dma.local [hbm:s18], $0x500  }
0x4a: {  	s18 =	sld [smem:$0x7F8];
	_ =	sdelay $0x2  }
0x4b: {  	s19 =	rddreg [dreg:$0x1a];
	s18 =	sshrl.u32 s18, $0x3  }
0x4c: {  	[spmem:s18], [sflag:s5] =	dma.local [hbm:s19], $0x500  }
0x4d: {  	s19 =	sld [smem:$0x7F9];
	_ =	sdelay $0x2  }
0x4e: {  	s20 =	rddreg [dreg:$0x1b];
	s19 =	sshrl.u32 s19, $0x3  }
0x4f: {  	[spmem:s19], [sflag:s5] =	dma.local [hbm:s20], $0x500  }
0x50: {  	s20 =	sld [smem:$0x7FA];
	_ =	sdelay $0x2  }
0x51: {  	s21 =	rddreg [dreg:$0x1c];
	s20 =	sshrl.u32 s20, $0x3  }
0x52: {  	[spmem:s20], [sflag:s5] =	dma.local [hbm:s21], $0x500  }
0x53: {  	s21 =	sld [smem:$0x7FB];
	_ =	sdelay $0x2  }
0x54: {  	s22 =	rddreg [dreg:$0x1d];
	s21 =	sshrl.u32 s21, $0x3  }
0x55: {  	[spmem:s21], [sflag:s5] =	dma.local [hbm:s22], $0x500  }
0x56: {  	s22 =	sld [smem:$0x7FC];
	_ =	sdelay $0x2  }
0x57: {  	s23 =	rddreg [dreg:$0x1e];
	s22 =	sshrl.u32 s22, $0x3  }
0x58: {  	[spmem:s22], [sflag:s5] =	dma.local [hbm:s23], $0x500  }
0x59: {  	s23 =	rddreg [dreg:$0x1f]  }
0x5a: {  	[spmem:s4], [sflag:s5] =	dma.local @!p1 [hbm:s23], $0x500  }
0x5b: {  	_ =	swait.ge [sflag:s25], $0x500  }
0x5c: {  	[sflag:s25] =	ssyncset.done $0x0  }
0x5d: {  	[sflag:s25] =	ssyncadd.s32 $0xFFFFFB00  }
0x5e: {  	_ =	swait.ge [sflag:s25], $0x500  }
0x5f: {  	[sflag:s25] =	ssyncset.done $0x0  }
0x60: {  	[sflag:s25] =	ssyncadd.s32 $0xFFFFFB00  }
0x61: {  	_ =	swait.ge [sflag:s25], $0x500  }
0x62: {  	[sflag:s25] =	ssyncset.done $0x0  }
0x63: {  	[sflag:s25] =	ssyncadd.s32 $0xFFFFFB00  }
0x64: {  	_ =	swait.ge [sflag:s25], $0x500  }
0x65: {  	[sflag:s25] =	ssyncset.done $0x0  }
0x66: {  	[sflag:s25] =	ssyncadd.s32 $0xFFFFFB00  }
0x67: {  	_ =	swait.ge [sflag:s25], $0x500  }
0x68: {  	[sflag:s25] =	ssyncset.done $0x0  }
0x69: {  	[sflag:s25] =	ssyncadd.s32 $0xFFFFFB00  }
0x6a: {  	_ =	swait.ge [sflag:s25], $0x500  }
0x6b: {  	[sflag:s25] =	ssyncset.done $0x0  }
0x6c: {  	[sflag:s25] =	ssyncadd.s32 $0xFFFFFB00  }
0x6d: {  	_ =	swait.ge [sflag:s25], $0x500  }
0x6e: {  	[sflag:s25] =	ssyncset.done $0x0  }
0x6f: {  	s23 =	simm.s32 @!p2 $0x1;
	[sflag:s25] =	ssyncadd.s32 $0xFFFFFB00  }
0x70: {  	_ =	swait.ge @!p2 [sflag:s23], $0x500  }
0x71: {  	[sflag:s23] =	ssyncset.done @!p2 $0x0  }
0x72: {  	[sflag:s23] =	ssyncadd.s32 @!p2 $0xFFFFFB00  }
0x73: {  	[bflag:$0x0] =	sbarrier.arrive $0xFFFF  }
0x74: {  	s24 =	rddreg [dreg:$0x4]  }
0x75: {  	[tilespmem:s0], [sflag:$0x5] =	stream.linear.gather [hbm4b:s24+s0], $0x1400, $0x38;
	[tilespmem:$0x1E080] =	vst v63  }
0x76: {  	_ =	swait.ge [sflag:s26], $0x1400  }
0x77: {  	[sflag:s26] =	ssyncset.done $0x0  }
0x78: {  	s24 =	rddreg [dreg:$0x5];
	[sflag:s26] =	ssyncadd.s32 $0xFFFFEC00  }
0x79: {  	[tilespmem:s28], [sflag:$0x5] =	stream.linear.gather [hbm4b:s24+s0], $0x1400, $0x38;
	[tilespmem:$0x1E080] =	vst v63  }
0x7a: {  	_ =	swait.ge [sflag:s26], $0x1400  }
0x7b: {  	[sflag:s26] =	ssyncset.done $0x0  }
0x7c: {  	[sflag:s26] =	ssyncadd.s32 $0xFFFFEC00  }
0x7d: {  	[tilespmem:s30], [sflag:$0x1] =	stream.indirect.gather [hbm4b:s15+s29], $0x80, s0, s29, $0xb8;
	[tilespmem:$0x1E080] =	vst v63  }
0x7e: {  	s24 =	simm.s32 $0x80  }
0x7f: {  	[tilespmem:s6], [sflag:$0x2] =	stream.indirect.gather [hbm4b:s15+s29], $0x80, s24, s29, $0xb8;
	[tilespmem:$0x1E080] =	vst v63  }
0x80: {  	_ =	swait.ge [sflag:s25], $0x3E80  }
0x81: {  	[sflag:s25] =	ssyncset.done $0x0  }
0x82: {  	[sflag:s25] =	ssyncadd.s32 $0xFFFFC180  }
0x83: {  	[spmem:s11] =	stream.indirect.scatter.add.f32 [tilespmem:s30], [sflag:$0x3], $0x80, s28, s29, $0xb8;
	[tilespmem:$0x1E080] =	vst v63  }
0x84: {  	_ =	swait.ge [sflag:s7], $0x3E80  }
0x85: {  	[sflag:s7] =	ssyncset.done $0x0  }
0x86: {  	[sflag:s7] =	ssyncadd.s32 $0xFFFFC180  }
0x87: {  	[tilespmem:s30], [sflag:$0x1] =	stream.indirect.gather [hbm4b:s15+s29], $0x80, s9, s29, $0xb8;
	[tilespmem:$0x1E080] =	vst v63  }
0x88: {  	_ =	swait.ge [sflag:s10], $0x3E80  }
0x89: {  	[sflag:s10] =	ssyncset.done $0x0  }
0x8a: {  	[sflag:s10] =	ssyncadd.s32 $0xFFFFC180  }
0x8b: {  	[spmem:s11] =	stream.indirect.scatter.add.f32 [tilespmem:s6], [sflag:$0x4], $0x80, s12, s29, $0xb8;
	[tilespmem:$0x1E080] =	vst v63  }
0x8c: {  	_ =	swait.ge [sflag:s13], $0x3E80  }
0x8d: {  	[sflag:s13] =	ssyncset.done $0x0  }
0x8e: {  	s24 =	simm.s32 $0x180;
	[sflag:s13] =	ssyncadd.s32 $0xFFFFC180  }
0x8f: {  	[tilespmem:s6], [sflag:$0x2] =	stream.indirect.gather [hbm4b:s15+s29], $0x80, s24, s29, $0xb8;
	[tilespmem:$0x1E080] =	vst v63  }
0x90: {  	_ =	swait.ge [sflag:s25], $0x3E80  }
0x91: {  	[sflag:s25] =	ssyncset.done $0x0  }
0x92: {  	s24 =	simm.s32 $0x1500;
	[sflag:s25] =	ssyncadd.s32 $0xFFFFC180  }
0x93: {  	[spmem:s11] =	stream.indirect.scatter.add.f32 [tilespmem:s30], [sflag:$0x3], $0x80, s24, s29, $0xb8;
	[tilespmem:$0x1E080] =	vst v63  }
0x94: {  	_ =	swait.ge [sflag:s7], $0x3E80  }
0x95: {  	[sflag:s7] =	ssyncset.done $0x0  }
0x96: {  	s24 =	simm.s32 $0x200;
	[sflag:s7] =	ssyncadd.s32 $0xFFFFC180  }
0x97: {  	[tilespmem:s30], [sflag:$0x1] =	stream.indirect.gather [hbm4b:s15+s29], $0x80, s24, s29, $0xb8;
	[tilespmem:$0x1E080] =	vst v63  }
0x98: {  	_ =	swait.ge [sflag:s10], $0x3E80  }
0x99: {  	[sflag:s10] =	ssyncset.done $0x0  }
0x9a: {  	s31 =	simm.s32 $0xFFFFBC00;
	s23 =	simm.s32 $0x1580;
	[sflag:s10] =	ssyncadd.s32 $0xFFFFC180  }
.LBB2_8:
0x9b: {  	[spmem:s11] =	stream.indirect.scatter.add.f32 [tilespmem:s6], [sflag:$0x4], $0x80, s23, s29, $0xb8;
	[tilespmem:$0x1E080] =	vst v63  }
0x9c: {  	s23 =	smov.u32 s31  }
0x9d: {  	p4 =	sne.s32 s31, $0xFFFFFC00;
	s31 =	sadd.s32 $0x400, s31;
	_ =	swait.ge [sflag:s13], $0x3E80  }
0x9e: {  	s23 =	sshra.s32 s23, $0x2;
	[sflag:s13] =	ssyncset.done $0x0  }
0x9f: {  	s24 =	sadd.s32 $0x1380, s23;
	[sflag:s13] =	ssyncadd.s32 $0xFFFFC180  }
0xa0: {  	[tilespmem:s6], [sflag:$0x2] =	stream.indirect.gather [hbm4b:s15+s29], $0x80, s24, s29, $0xb8;
	[tilespmem:$0x1E080] =	vst v63  }
0xa1: {  	_ =	swait.ge [sflag:s25], $0x3E80  }
0xa2: {  	[sflag:s25] =	ssyncset.done $0x0  }
0xa3: {  	s24 =	sadd.s32 $0x2700, s23;
	[sflag:s25] =	ssyncadd.s32 $0xFFFFC180  }
0xa4: {  	[spmem:s11] =	stream.indirect.scatter.add.f32 [tilespmem:s30], [sflag:$0x3], $0x80, s24, s29, $0xb8;
	[tilespmem:$0x1E080] =	vst v63  }
0xa5: {  	_ =	swait.ge [sflag:s7], $0x3E80  }
0xa6: {  	[sflag:s7] =	ssyncset.done $0x0  }
.Ltmp3:
0xa7: {  	s24 =	sadd.s32 $0x1400, s23;
	[sflag:s7] =	ssyncadd.s32 $0xFFFFC180;
	(pc) =	sbr.rel @p4 .LBB2_8-.Ltmp3, $4  }
0xa8: {  	[tilespmem:s30], [sflag:$0x1] =	stream.indirect.gather [hbm4b:s15+s29], $0x80, s24, s29, $0xb8;
	[tilespmem:$0x1E080] =	vst v63  }
0xa9: {  	_ =	swait.ge [sflag:s10], $0x3E80  }
0xaa: {  	[sflag:s10] =	ssyncset.done $0x0  }
0xab: {  	s23 =	sadd.s32 $0x2780, s23;
	[sflag:s10] =	ssyncadd.s32 $0xFFFFC180  }
0xac: {  	[spmem:s11] =	stream.indirect.scatter.add.f32 [tilespmem:s6], [sflag:$0x4], $0x80, s23, s29, $0xb8;
	[tilespmem:$0x1E080] =	vst v63  }
0xad: {  	_ =	swait.ge [sflag:s13], $0x3E80  }
0xae: {  	[sflag:s13] =	ssyncset.done $0x0  }
0xaf: {  	[sflag:s13] =	ssyncadd.s32 $0xFFFFC180  }
0xb0: {  	[tilespmem:s6], [sflag:$0x2] =	stream.indirect.gather [hbm4b:s15+s29], $0x80, s14, s29, $0xb8;
	[tilespmem:$0x1E080] =	vst v63  }
0xb1: {  	_ =	swait.ge [sflag:s25], $0x3E80  }
0xb2: {  	[sflag:s25] =	ssyncset.done $0x0  }
0xb3: {  	[sflag:s25] =	ssyncadd.s32 $0xFFFFC180  }
0xb4: {  	[spmem:s11] =	stream.indirect.scatter.add.f32 [tilespmem:s30], [sflag:$0x3], $0x80, s1, s29, $0xb8;
	[tilespmem:$0x1E080] =	vst v63  }
0xb5: {  	_ =	swait.ge [sflag:s10], $0x3E80  }
0xb6: {  	[sflag:s10] =	ssyncset.done $0x0  }
0xb7: {  	[sflag:s10] =	ssyncadd.s32 $0xFFFFC180  }
0xb8: {  	[spmem:s11] =	stream.indirect.scatter.add.f32 [tilespmem:s6], [sflag:$0x4], $0x80, s2, s29, $0xb8;
	[tilespmem:$0x1E080] =	vst v63  }
0xb9: {  	_ =	swait.ge [sflag:s7], $0x3E80  }
0xba: {  	[sflag:s7] =	ssyncset.done $0x0  }
0xbb: {  	[sflag:s7] =	ssyncadd.s32 $0xFFFFC180  }
0xbc: {  	_ =	swait.ge [sflag:s13], $0x3E80  }
0xbd: {  	[sflag:s13] =	ssyncset.done $0x0  }
0xbe: {  	s24 =	rddreg [dreg:$0x6];
	[sflag:s13] =	ssyncadd.s32 $0xFFFFC180  }
0xbf: {  	[tilespmem:s0], [sflag:$0x5] =	stream.linear.gather [hbm4b:s24+s0], $0x1400, $0x38;
	[tilespmem:$0x1E080] =	vst v63  }
0xc0: {  	_ =	swait.ge [sflag:s26], $0x1400  }
0xc1: {  	[sflag:s26] =	ssyncset.done $0x0  }
0xc2: {  	s24 =	rddreg [dreg:$0x7];
	[sflag:s26] =	ssyncadd.s32 $0xFFFFEC00  }
0xc3: {  	[tilespmem:s28], [sflag:$0x5] =	stream.linear.gather [hbm4b:s24+s0], $0x1400, $0x38;
	[tilespmem:$0x1E080] =	vst v63  }
0xc4: {  	_ =	swait.ge [sflag:s26], $0x1400  }
0xc5: {  	[sflag:s26] =	ssyncset.done $0x0  }
0xc6: {  	[sflag:s26] =	ssyncadd.s32 $0xFFFFEC00  }
0xc7: {  	[tilespmem:s30], [sflag:$0x1] =	stream.indirect.gather [hbm4b:s15+s29], $0x80, s0, s29, $0xb8;
	[tilespmem:$0x1E080] =	vst v63  }
0xc8: {  	s24 =	simm.s32 $0x80  }
0xc9: {  	[tilespmem:s6], [sflag:$0x2] =	stream.indirect.gather [hbm4b:s15+s29], $0x80, s24, s29, $0xb8;
	[tilespmem:$0x1E080] =	vst v63  }
0xca: {  	_ =	swait.ge [sflag:s25], $0x3E80  }
0xcb: {  	[sflag:s25] =	ssyncset.done $0x0  }
0xcc: {  	[sflag:s25] =	ssyncadd.s32 $0xFFFFC180  }
0xcd: {  	[spmem:s11] =	stream.indirect.scatter.add.f32 [tilespmem:s30], [sflag:$0x3], $0x80, s28, s29, $0xb8;
	[tilespmem:$0x1E080] =	vst v63  }
0xce: {  	_ =	swait.ge [sflag:s7], $0x3E80  }
0xcf: {  	[sflag:s7] =	ssyncset.done $0x0  }
0xd0: {  	[sflag:s7] =	ssyncadd.s32 $0xFFFFC180  }
0xd1: {  	[tilespmem:s30], [sflag:$0x1] =	stream.indirect.gather [hbm4b:s15+s29], $0x80, s9, s29, $0xb8;
	[tilespmem:$0x1E080] =	vst v63  }
0xd2: {  	_ =	swait.ge [sflag:s10], $0x3E80  }
0xd3: {  	[sflag:s10] =	ssyncset.done $0x0  }
0xd4: {  	[sflag:s10] =	ssyncadd.s32 $0xFFFFC180  }
0xd5: {  	[spmem:s11] =	stream.indirect.scatter.add.f32 [tilespmem:s6], [sflag:$0x4], $0x80, s12, s29, $0xb8;
	[tilespmem:$0x1E080] =	vst v63  }
0xd6: {  	_ =	swait.ge [sflag:s13], $0x3E80  }
0xd7: {  	[sflag:s13] =	ssyncset.done $0x0  }
0xd8: {  	s24 =	simm.s32 $0x180;
	[sflag:s13] =	ssyncadd.s32 $0xFFFFC180  }
0xd9: {  	[tilespmem:s6], [sflag:$0x2] =	stream.indirect.gather [hbm4b:s15+s29], $0x80, s24, s29, $0xb8;
	[tilespmem:$0x1E080] =	vst v63  }
0xda: {  	_ =	swait.ge [sflag:s25], $0x3E80  }
0xdb: {  	[sflag:s25] =	ssyncset.done $0x0  }
0xdc: {  	s24 =	simm.s32 $0x1500;
	[sflag:s25] =	ssyncadd.s32 $0xFFFFC180  }
0xdd: {  	[spmem:s11] =	stream.indirect.scatter.add.f32 [tilespmem:s30], [sflag:$0x3], $0x80, s24, s29, $0xb8;
	[tilespmem:$0x1E080] =	vst v63  }
0xde: {  	_ =	swait.ge [sflag:s7], $0x3E80  }
0xdf: {  	[sflag:s7] =	ssyncset.done $0x0  }
0xe0: {  	s24 =	simm.s32 $0x200;
	[sflag:s7] =	ssyncadd.s32 $0xFFFFC180  }
0xe1: {  	[tilespmem:s30], [sflag:$0x1] =	stream.indirect.gather [hbm4b:s15+s29], $0x80, s24, s29, $0xb8;
	[tilespmem:$0x1E080] =	vst v63  }
0xe2: {  	_ =	swait.ge [sflag:s10], $0x3E80  }
0xe3: {  	[sflag:s10] =	ssyncset.done $0x0  }
0xe4: {  	s31 =	simm.s32 $0xFFFFBC00;
	s23 =	simm.s32 $0x1580;
	[sflag:s10] =	ssyncadd.s32 $0xFFFFC180  }
.LBB2_10:
0xe5: {  	[spmem:s11] =	stream.indirect.scatter.add.f32 [tilespmem:s6], [sflag:$0x4], $0x80, s23, s29, $0xb8;
	[tilespmem:$0x1E080] =	vst v63  }
0xe6: {  	s23 =	smov.u32 s31  }
0xe7: {  	p4 =	sne.s32 s31, $0xFFFFFC00;
	s31 =	sadd.s32 $0x400, s31;
	_ =	swait.ge [sflag:s13], $0x3E80  }
0xe8: {  	s23 =	sshra.s32 s23, $0x2;
	[sflag:s13] =	ssyncset.done $0x0  }
0xe9: {  	s24 =	sadd.s32 $0x1380, s23;
	[sflag:s13] =	ssyncadd.s32 $0xFFFFC180  }
0xea: {  	[tilespmem:s6], [sflag:$0x2] =	stream.indirect.gather [hbm4b:s15+s29], $0x80, s24, s29, $0xb8;
	[tilespmem:$0x1E080] =	vst v63  }
0xeb: {  	_ =	swait.ge [sflag:s25], $0x3E80  }
0xec: {  	[sflag:s25] =	ssyncset.done $0x0  }
0xed: {  	s24 =	sadd.s32 $0x2700, s23;
	[sflag:s25] =	ssyncadd.s32 $0xFFFFC180  }
0xee: {  	[spmem:s11] =	stream.indirect.scatter.add.f32 [tilespmem:s30], [sflag:$0x3], $0x80, s24, s29, $0xb8;
	[tilespmem:$0x1E080] =	vst v63  }
0xef: {  	_ =	swait.ge [sflag:s7], $0x3E80  }
0xf0: {  	[sflag:s7] =	ssyncset.done $0x0  }
.Ltmp4:
0xf1: {  	s24 =	sadd.s32 $0x1400, s23;
	[sflag:s7] =	ssyncadd.s32 $0xFFFFC180;
	(pc) =	sbr.rel @p4 .LBB2_10-.Ltmp4, $4  }
0xf2: {  	[tilespmem:s30], [sflag:$0x1] =	stream.indirect.gather [hbm4b:s15+s29], $0x80, s24, s29, $0xb8;
	[tilespmem:$0x1E080] =	vst v63  }
0xf3: {  	_ =	swait.ge [sflag:s10], $0x3E80  }
0xf4: {  	[sflag:s10] =	ssyncset.done $0x0  }
0xf5: {  	s23 =	sadd.s32 $0x2780, s23;
	[sflag:s10] =	ssyncadd.s32 $0xFFFFC180  }
0xf6: {  	[spmem:s11] =	stream.indirect.scatter.add.f32 [tilespmem:s6], [sflag:$0x4], $0x80, s23, s29, $0xb8;
	[tilespmem:$0x1E080] =	vst v63  }
0xf7: {  	_ =	swait.ge [sflag:s13], $0x3E80  }
0xf8: {  	[sflag:s13] =	ssyncset.done $0x0  }
0xf9: {  	[sflag:s13] =	ssyncadd.s32 $0xFFFFC180  }
0xfa: {  	[tilespmem:s6], [sflag:$0x2] =	stream.indirect.gather [hbm4b:s15+s29], $0x80, s14, s29, $0xb8;
	[tilespmem:$0x1E080] =	vst v63  }
0xfb: {  	_ =	swait.ge [sflag:s25], $0x3E80  }
0xfc: {  	[sflag:s25] =	ssyncset.done $0x0  }
0xfd: {  	[sflag:s25] =	ssyncadd.s32 $0xFFFFC180  }
0xfe: {  	[spmem:s11] =	stream.indirect.scatter.add.f32 [tilespmem:s30], [sflag:$0x3], $0x80, s1, s29, $0xb8;
	[tilespmem:$0x1E080] =	vst v63  }
0xff: {  	_ =	swait.ge [sflag:s10], $0x3E80  }
0x100: {  	[sflag:s10] =	ssyncset.done $0x0  }
0x101: {  	[sflag:s10] =	ssyncadd.s32 $0xFFFFC180  }
0x102: {  	[spmem:s11] =	stream.indirect.scatter.add.f32 [tilespmem:s6], [sflag:$0x4], $0x80, s2, s29, $0xb8;
	[tilespmem:$0x1E080] =	vst v63  }
0x103: {  	_ =	swait.ge [sflag:s7], $0x3E80  }
0x104: {  	[sflag:s7] =	ssyncset.done $0x0  }
0x105: {  	[sflag:s7] =	ssyncadd.s32 $0xFFFFC180  }
0x106: {  	_ =	swait.ge [sflag:s13], $0x3E80  }
0x107: {  	[sflag:s13] =	ssyncset.done $0x0  }
0x108: {  	[sflag:s13] =	ssyncadd.s32 $0xFFFFC180  }
0x109: {  	[bflag:$0x0] =	sbarrier.arrive $0xFFFF  }
0x10a: {  	s31 =	sld [smem:$0x7ED];
	_ =	sdelay $0x2  }
0x10b: {  	[hbm:s31], [sflag:s5] =	dma.local [spmem:s16], $0x500  }
0x10c: {  	s16 =	sld [smem:$0x7EE];
	_ =	sdelay $0x2  }
0x10d: {  	[hbm:s16], [sflag:s5] =	dma.local [spmem:s17], $0x500  }
0x10e: {  	s16 =	sld [smem:$0x7EF];
	_ =	sdelay $0x2  }
0x10f: {  	[hbm:s16], [sflag:s5] =	dma.local [spmem:s18], $0x500  }
0x110: {  	s16 =	sld [smem:$0x7F0];
	_ =	sdelay $0x2  }
0x111: {  	[hbm:s16], [sflag:s5] =	dma.local [spmem:s19], $0x500  }
0x112: {  	s16 =	sld [smem:$0x7F1];
	_ =	sdelay $0x2  }
0x113: {  	[hbm:s16], [sflag:s5] =	dma.local [spmem:s20], $0x500  }
0x114: {  	s16 =	sld [smem:$0x7F2];
	_ =	sdelay $0x2  }
0x115: {  	[hbm:s16], [sflag:s5] =	dma.local [spmem:s21], $0x500  }
0x116: {  	s16 =	sld [smem:$0x7F3];
	_ =	sdelay $0x2  }
0x117: {  	[hbm:s16], [sflag:s5] =	dma.local [spmem:s22], $0x500  }
0x118: {  	s16 =	sld [smem:$0x7F4];
	_ =	sdelay $0x2  }
0x119: {  	[hbm:s16], [sflag:s5] =	dma.local @!p1 [spmem:s4], $0x500  }
0x11a: {  	_ =	swait.ge [sflag:s25], $0x500  }
0x11b: {  	[sflag:s25] =	ssyncset.done $0x0  }
0x11c: {  	[sflag:s25] =	ssyncadd.s32 $0xFFFFFB00  }
0x11d: {  	_ =	swait.ge [sflag:s25], $0x500  }
0x11e: {  	[sflag:s25] =	ssyncset.done $0x0  }
0x11f: {  	[sflag:s25] =	ssyncadd.s32 $0xFFFFFB00  }
0x120: {  	_ =	swait.ge [sflag:s25], $0x500  }
0x121: {  	[sflag:s25] =	ssyncset.done $0x0  }
0x122: {  	[sflag:s25] =	ssyncadd.s32 $0xFFFFFB00  }
0x123: {  	_ =	swait.ge [sflag:s25], $0x500  }
0x124: {  	[sflag:s25] =	ssyncset.done $0x0  }
0x125: {  	[sflag:s25] =	ssyncadd.s32 $0xFFFFFB00  }
0x126: {  	_ =	swait.ge [sflag:s25], $0x500  }
0x127: {  	[sflag:s25] =	ssyncset.done $0x0  }
0x128: {  	[sflag:s25] =	ssyncadd.s32 $0xFFFFFB00  }
0x129: {  	_ =	swait.ge [sflag:s25], $0x500  }
.Ltmp5:
0x12a: {  	[sflag:s25] =	ssyncset.done $0x0;
	(pc) =	sbr.rel @p2 .LBB2_13-.Ltmp5, $4  }
.Ltmp6:
0x12b: {  	[sflag:s25] =	ssyncadd.s32 $0xFFFFFB00;
	(pc) =	sbr.rel @!p2 .LBB2_12-.Ltmp6, $4  }
0x12c: {  	_ =	swait.ge [sflag:s25], $0x500  }
0x12d: {  	[sflag:s25] =	ssyncset.done $0x0  }
0x12e: {  	[sflag:s25] =	ssyncadd.s32 $0xFFFFFB00  }
0x12f: {  	_ = 	snop  }
.LBB2_2:
0x130: {  	s18 =	rddreg [dreg:$0x8]  }
0x131: {  	[spmem:s16], [sflag:s5] =	dma.local [hbm:s18], $0x500  }
0x132: {  	s18 =	rddreg [dreg:$0x9]  }
0x133: {  	[spmem:s17], [sflag:s5] =	dma.local [hbm:s18], $0x500  }
0x134: {  	s18 =	sld [smem:$0x7F8];
	_ =	sdelay $0x2  }
0x135: {  	s19 =	rddreg [dreg:$0xa];
	s18 =	sshrl.u32 s18, $0x3  }
0x136: {  	[spmem:s18], [sflag:s5] =	dma.local [hbm:s19], $0x500  }
0x137: {  	s19 =	sld [smem:$0x7F9];
	_ =	sdelay $0x2  }
0x138: {  	s20 =	rddreg [dreg:$0xb];
	s19 =	sshrl.u32 s19, $0x3  }
0x139: {  	[spmem:s19], [sflag:s5] =	dma.local [hbm:s20], $0x500  }
0x13a: {  	s20 =	sld [smem:$0x7FA];
	_ =	sdelay $0x2  }
0x13b: {  	s21 =	rddreg [dreg:$0xc];
	s20 =	sshrl.u32 s20, $0x3  }
0x13c: {  	[spmem:s20], [sflag:s5] =	dma.local [hbm:s21], $0x500  }
0x13d: {  	s21 =	sld [smem:$0x7FB];
	_ =	sdelay $0x2  }
0x13e: {  	s22 =	rddreg [dreg:$0xd];
	s21 =	sshrl.u32 s21, $0x3  }
0x13f: {  	[spmem:s21], [sflag:s5] =	dma.local [hbm:s22], $0x500  }
0x140: {  	s22 =	sld [smem:$0x7FC];
	_ =	sdelay $0x2  }
0x141: {  	s23 =	rddreg [dreg:$0xe];
	s22 =	sshrl.u32 s22, $0x3  }
0x142: {  	[spmem:s22], [sflag:s5] =	dma.local [hbm:s23], $0x500  }
0x143: {  	s23 =	rddreg [dreg:$0xf]  }
0x144: {  	[spmem:s4], [sflag:s5] =	dma.local @!p1 [hbm:s23], $0x500  }
0x145: {  	_ =	swait.ge [sflag:s25], $0x500  }
0x146: {  	[sflag:s25] =	ssyncset.done $0x0  }
0x147: {  	[sflag:s25] =	ssyncadd.s32 $0xFFFFFB00  }
0x148: {  	_ =	swait.ge [sflag:s25], $0x500  }
0x149: {  	[sflag:s25] =	ssyncset.done $0x0  }
0x14a: {  	[sflag:s25] =	ssyncadd.s32 $0xFFFFFB00  }
0x14b: {  	_ =	swait.ge [sflag:s25], $0x500  }
0x14c: {  	[sflag:s25] =	ssyncset.done $0x0  }
0x14d: {  	[sflag:s25] =	ssyncadd.s32 $0xFFFFFB00  }
0x14e: {  	_ =	swait.ge [sflag:s25], $0x500  }
0x14f: {  	[sflag:s25] =	ssyncset.done $0x0  }
0x150: {  	[sflag:s25] =	ssyncadd.s32 $0xFFFFFB00  }
0x151: {  	_ =	swait.ge [sflag:s25], $0x500  }
0x152: {  	[sflag:s25] =	ssyncset.done $0x0  }
0x153: {  	[sflag:s25] =	ssyncadd.s32 $0xFFFFFB00  }
0x154: {  	_ =	swait.ge [sflag:s25], $0x500  }
0x155: {  	[sflag:s25] =	ssyncset.done $0x0  }
0x156: {  	[sflag:s25] =	ssyncadd.s32 $0xFFFFFB00  }
0x157: {  	_ =	swait.ge [sflag:s25], $0x500  }
0x158: {  	[sflag:s25] =	ssyncset.done $0x0  }
0x159: {  	s23 =	simm.s32 @!p2 $0x1;
	[sflag:s25] =	ssyncadd.s32 $0xFFFFFB00  }
0x15a: {  	_ =	swait.ge @!p2 [sflag:s23], $0x500  }
0x15b: {  	[sflag:s23] =	ssyncset.done @!p2 $0x0  }
0x15c: {  	[sflag:s23] =	ssyncadd.s32 @!p2 $0xFFFFFB00  }
0x15d: {  	[bflag:$0x0] =	sbarrier.arrive $0xFFFF  }
0x15e: {  	s24 =	rddreg [dreg:$0x4]  }
0x15f: {  	[tilespmem:s0], [sflag:$0x5] =	stream.linear.gather [hbm4b:s24+s0], $0x1400, $0x38;
	[tilespmem:$0x1E080] =	vst v63  }
0x160: {  	_ =	swait.ge [sflag:s26], $0x1400  }
0x161: {  	[sflag:s26] =	ssyncset.done $0x0  }
0x162: {  	s24 =	rddreg [dreg:$0x5];
	[sflag:s26] =	ssyncadd.s32 $0xFFFFEC00  }
0x163: {  	[tilespmem:s28], [sflag:$0x5] =	stream.linear.gather [hbm4b:s24+s0], $0x1400, $0x38;
	[tilespmem:$0x1E080] =	vst v63  }
0x164: {  	_ =	swait.ge [sflag:s26], $0x1400  }
0x165: {  	[sflag:s26] =	ssyncset.done $0x0  }
0x166: {  	[sflag:s26] =	ssyncadd.s32 $0xFFFFEC00  }
0x167: {  	[tilespmem:s30], [sflag:$0x1] =	stream.indirect.gather [hbm4b:s8+s29], $0x80, s0, s29, $0xb8;
	[tilespmem:$0x1E080] =	vst v63  }
0x168: {  	s24 =	simm.s32 $0x80  }
0x169: {  	[tilespmem:s6], [sflag:$0x2] =	stream.indirect.gather [hbm4b:s8+s29], $0x80, s24, s29, $0xb8;
	[tilespmem:$0x1E080] =	vst v63  }
0x16a: {  	_ =	swait.ge [sflag:s25], $0x3E80  }
0x16b: {  	[sflag:s25] =	ssyncset.done $0x0  }
0x16c: {  	[sflag:s25] =	ssyncadd.s32 $0xFFFFC180  }
0x16d: {  	[spmem:s11] =	stream.indirect.scatter.add.f32 [tilespmem:s30], [sflag:$0x3], $0x80, s28, s29, $0xb8;
	[tilespmem:$0x1E080] =	vst v63  }
0x16e: {  	_ =	swait.ge [sflag:s7], $0x3E80  }
0x16f: {  	[sflag:s7] =	ssyncset.done $0x0  }
0x170: {  	[sflag:s7] =	ssyncadd.s32 $0xFFFFC180  }
0x171: {  	[tilespmem:s30], [sflag:$0x1] =	stream.indirect.gather [hbm4b:s8+s29], $0x80, s9, s29, $0xb8;
	[tilespmem:$0x1E080] =	vst v63  }
0x172: {  	_ =	swait.ge [sflag:s10], $0x3E80  }
0x173: {  	[sflag:s10] =	ssyncset.done $0x0  }
0x174: {  	[sflag:s10] =	ssyncadd.s32 $0xFFFFC180  }
0x175: {  	[spmem:s11] =	stream.indirect.scatter.add.f32 [tilespmem:s6], [sflag:$0x4], $0x80, s12, s29, $0xb8;
	[tilespmem:$0x1E080] =	vst v63  }
0x176: {  	_ =	swait.ge [sflag:s13], $0x3E80  }
0x177: {  	[sflag:s13] =	ssyncset.done $0x0  }
0x178: {  	s24 =	simm.s32 $0x180;
	[sflag:s13] =	ssyncadd.s32 $0xFFFFC180  }
0x179: {  	[tilespmem:s6], [sflag:$0x2] =	stream.indirect.gather [hbm4b:s8+s29], $0x80, s24, s29, $0xb8;
	[tilespmem:$0x1E080] =	vst v63  }
0x17a: {  	_ =	swait.ge [sflag:s25], $0x3E80  }
0x17b: {  	[sflag:s25] =	ssyncset.done $0x0  }
0x17c: {  	s24 =	simm.s32 $0x1500;
	[sflag:s25] =	ssyncadd.s32 $0xFFFFC180  }
0x17d: {  	[spmem:s11] =	stream.indirect.scatter.add.f32 [tilespmem:s30], [sflag:$0x3], $0x80, s24, s29, $0xb8;
	[tilespmem:$0x1E080] =	vst v63  }
0x17e: {  	_ =	swait.ge [sflag:s7], $0x3E80  }
0x17f: {  	[sflag:s7] =	ssyncset.done $0x0  }
0x180: {  	s24 =	simm.s32 $0x200;
	[sflag:s7] =	ssyncadd.s32 $0xFFFFC180  }
0x181: {  	[tilespmem:s30], [sflag:$0x1] =	stream.indirect.gather [hbm4b:s8+s29], $0x80, s24, s29, $0xb8;
	[tilespmem:$0x1E080] =	vst v63  }
0x182: {  	_ =	swait.ge [sflag:s10], $0x3E80  }
0x183: {  	[sflag:s10] =	ssyncset.done $0x0  }
0x184: {  	s31 =	simm.s32 $0xFFFFBC00;
	s23 =	simm.s32 $0x1580;
	[sflag:s10] =	ssyncadd.s32 $0xFFFFC180  }
.LBB2_3:
0x185: {  	[spmem:s11] =	stream.indirect.scatter.add.f32 [tilespmem:s6], [sflag:$0x4], $0x80, s23, s29, $0xb8;
	[tilespmem:$0x1E080] =	vst v63  }
0x186: {  	s23 =	smov.u32 s31  }
0x187: {  	p4 =	sne.s32 s31, $0xFFFFFC00;
	s31 =	sadd.s32 $0x400, s31;
	_ =	swait.ge [sflag:s13], $0x3E80  }
0x188: {  	s23 =	sshra.s32 s23, $0x2;
	[sflag:s13] =	ssyncset.done $0x0  }
0x189: {  	s24 =	sadd.s32 $0x1380, s23;
	[sflag:s13] =	ssyncadd.s32 $0xFFFFC180  }
0x18a: {  	[tilespmem:s6], [sflag:$0x2] =	stream.indirect.gather [hbm4b:s8+s29], $0x80, s24, s29, $0xb8;
	[tilespmem:$0x1E080] =	vst v63  }
0x18b: {  	_ =	swait.ge [sflag:s25], $0x3E80  }
0x18c: {  	[sflag:s25] =	ssyncset.done $0x0  }
0x18d: {  	s24 =	sadd.s32 $0x2700, s23;
	[sflag:s25] =	ssyncadd.s32 $0xFFFFC180  }
0x18e: {  	[spmem:s11] =	stream.indirect.scatter.add.f32 [tilespmem:s30], [sflag:$0x3], $0x80, s24, s29, $0xb8;
	[tilespmem:$0x1E080] =	vst v63  }
0x18f: {  	_ =	swait.ge [sflag:s7], $0x3E80  }
0x190: {  	[sflag:s7] =	ssyncset.done $0x0  }
.Ltmp7:
0x191: {  	s24 =	sadd.s32 $0x1400, s23;
	[sflag:s7] =	ssyncadd.s32 $0xFFFFC180;
	(pc) =	sbr.rel @p4 .LBB2_3-.Ltmp7, $4  }
0x192: {  	[tilespmem:s30], [sflag:$0x1] =	stream.indirect.gather [hbm4b:s8+s29], $0x80, s24, s29, $0xb8;
	[tilespmem:$0x1E080] =	vst v63  }
0x193: {  	_ =	swait.ge [sflag:s10], $0x3E80  }
0x194: {  	[sflag:s10] =	ssyncset.done $0x0  }
0x195: {  	s23 =	sadd.s32 $0x2780, s23;
	[sflag:s10] =	ssyncadd.s32 $0xFFFFC180  }
0x196: {  	[spmem:s11] =	stream.indirect.scatter.add.f32 [tilespmem:s6], [sflag:$0x4], $0x80, s23, s29, $0xb8;
	[tilespmem:$0x1E080] =	vst v63  }
0x197: {  	_ =	swait.ge [sflag:s13], $0x3E80  }
0x198: {  	[sflag:s13] =	ssyncset.done $0x0  }
0x199: {  	[sflag:s13] =	ssyncadd.s32 $0xFFFFC180  }
0x19a: {  	[tilespmem:s6], [sflag:$0x2] =	stream.indirect.gather [hbm4b:s8+s29], $0x80, s14, s29, $0xb8;
	[tilespmem:$0x1E080] =	vst v63  }
0x19b: {  	_ =	swait.ge [sflag:s25], $0x3E80  }
0x19c: {  	[sflag:s25] =	ssyncset.done $0x0  }
0x19d: {  	[sflag:s25] =	ssyncadd.s32 $0xFFFFC180  }
0x19e: {  	[spmem:s11] =	stream.indirect.scatter.add.f32 [tilespmem:s30], [sflag:$0x3], $0x80, s1, s29, $0xb8;
	[tilespmem:$0x1E080] =	vst v63  }
0x19f: {  	_ =	swait.ge [sflag:s10], $0x3E80  }
0x1a0: {  	[sflag:s10] =	ssyncset.done $0x0  }
0x1a1: {  	[sflag:s10] =	ssyncadd.s32 $0xFFFFC180  }
0x1a2: {  	[spmem:s11] =	stream.indirect.scatter.add.f32 [tilespmem:s6], [sflag:$0x4], $0x80, s2, s29, $0xb8;
	[tilespmem:$0x1E080] =	vst v63  }
0x1a3: {  	_ =	swait.ge [sflag:s7], $0x3E80  }
0x1a4: {  	[sflag:s7] =	ssyncset.done $0x0  }
0x1a5: {  	[sflag:s7] =	ssyncadd.s32 $0xFFFFC180  }
0x1a6: {  	_ =	swait.ge [sflag:s13], $0x3E80  }
0x1a7: {  	[sflag:s13] =	ssyncset.done $0x0  }
0x1a8: {  	s24 =	rddreg [dreg:$0x6];
	[sflag:s13] =	ssyncadd.s32 $0xFFFFC180  }
0x1a9: {  	[tilespmem:s0], [sflag:$0x5] =	stream.linear.gather [hbm4b:s24+s0], $0x1400, $0x38;
	[tilespmem:$0x1E080] =	vst v63  }
0x1aa: {  	_ =	swait.ge [sflag:s26], $0x1400  }
0x1ab: {  	[sflag:s26] =	ssyncset.done $0x0  }
0x1ac: {  	s24 =	rddreg [dreg:$0x7];
	[sflag:s26] =	ssyncadd.s32 $0xFFFFEC00  }
0x1ad: {  	[tilespmem:s28], [sflag:$0x5] =	stream.linear.gather [hbm4b:s24+s0], $0x1400, $0x38;
	[tilespmem:$0x1E080] =	vst v63  }
0x1ae: {  	_ =	swait.ge [sflag:s26], $0x1400  }
0x1af: {  	[sflag:s26] =	ssyncset.done $0x0  }
0x1b0: {  	[sflag:s26] =	ssyncadd.s32 $0xFFFFEC00  }
0x1b1: {  	[tilespmem:s30], [sflag:$0x1] =	stream.indirect.gather [hbm4b:s8+s29], $0x80, s0, s29, $0xb8;
	[tilespmem:$0x1E080] =	vst v63  }
0x1b2: {  	s24 =	simm.s32 $0x80  }
0x1b3: {  	[tilespmem:s6], [sflag:$0x2] =	stream.indirect.gather [hbm4b:s8+s29], $0x80, s24, s29, $0xb8;
	[tilespmem:$0x1E080] =	vst v63  }
0x1b4: {  	_ =	swait.ge [sflag:s25], $0x3E80  }
0x1b5: {  	[sflag:s25] =	ssyncset.done $0x0  }
0x1b6: {  	[sflag:s25] =	ssyncadd.s32 $0xFFFFC180  }
0x1b7: {  	[spmem:s11] =	stream.indirect.scatter.add.f32 [tilespmem:s30], [sflag:$0x3], $0x80, s28, s29, $0xb8;
	[tilespmem:$0x1E080] =	vst v63  }
0x1b8: {  	_ =	swait.ge [sflag:s7], $0x3E80  }
0x1b9: {  	[sflag:s7] =	ssyncset.done $0x0  }
0x1ba: {  	[sflag:s7] =	ssyncadd.s32 $0xFFFFC180  }
0x1bb: {  	[tilespmem:s30], [sflag:$0x1] =	stream.indirect.gather [hbm4b:s8+s29], $0x80, s9, s29, $0xb8;
	[tilespmem:$0x1E080] =	vst v63  }
0x1bc: {  	_ =	swait.ge [sflag:s10], $0x3E80  }
0x1bd: {  	[sflag:s10] =	ssyncset.done $0x0  }
0x1be: {  	[sflag:s10] =	ssyncadd.s32 $0xFFFFC180  }
0x1bf: {  	[spmem:s11] =	stream.indirect.scatter.add.f32 [tilespmem:s6], [sflag:$0x4], $0x80, s12, s29, $0xb8;
	[tilespmem:$0x1E080] =	vst v63  }
0x1c0: {  	_ =	swait.ge [sflag:s13], $0x3E80  }
0x1c1: {  	[sflag:s13] =	ssyncset.done $0x0  }
0x1c2: {  	s24 =	simm.s32 $0x180;
	[sflag:s13] =	ssyncadd.s32 $0xFFFFC180  }
0x1c3: {  	[tilespmem:s6], [sflag:$0x2] =	stream.indirect.gather [hbm4b:s8+s29], $0x80, s24, s29, $0xb8;
	[tilespmem:$0x1E080] =	vst v63  }
0x1c4: {  	_ =	swait.ge [sflag:s25], $0x3E80  }
0x1c5: {  	[sflag:s25] =	ssyncset.done $0x0  }
0x1c6: {  	s24 =	simm.s32 $0x1500;
	[sflag:s25] =	ssyncadd.s32 $0xFFFFC180  }
0x1c7: {  	[spmem:s11] =	stream.indirect.scatter.add.f32 [tilespmem:s30], [sflag:$0x3], $0x80, s24, s29, $0xb8;
	[tilespmem:$0x1E080] =	vst v63  }
0x1c8: {  	_ =	swait.ge [sflag:s7], $0x3E80  }
0x1c9: {  	[sflag:s7] =	ssyncset.done $0x0  }
0x1ca: {  	s24 =	simm.s32 $0x200;
	[sflag:s7] =	ssyncadd.s32 $0xFFFFC180  }
0x1cb: {  	[tilespmem:s30], [sflag:$0x1] =	stream.indirect.gather [hbm4b:s8+s29], $0x80, s24, s29, $0xb8;
	[tilespmem:$0x1E080] =	vst v63  }
0x1cc: {  	_ =	swait.ge [sflag:s10], $0x3E80  }
0x1cd: {  	[sflag:s10] =	ssyncset.done $0x0  }
0x1ce: {  	s31 =	simm.s32 $0xFFFFBC00;
	s23 =	simm.s32 $0x1580;
	[sflag:s10] =	ssyncadd.s32 $0xFFFFC180  }
.LBB2_5:
0x1cf: {  	[spmem:s11] =	stream.indirect.scatter.add.f32 [tilespmem:s6], [sflag:$0x4], $0x80, s23, s29, $0xb8;
	[tilespmem:$0x1E080] =	vst v63  }
0x1d0: {  	s23 =	smov.u32 s31  }
0x1d1: {  	p4 =	sne.s32 s31, $0xFFFFFC00;
	s31 =	sadd.s32 $0x400, s31;
	_ =	swait.ge [sflag:s13], $0x3E80  }
0x1d2: {  	s23 =	sshra.s32 s23, $0x2;
	[sflag:s13] =	ssyncset.done $0x0  }
0x1d3: {  	s24 =	sadd.s32 $0x1380, s23;
	[sflag:s13] =	ssyncadd.s32 $0xFFFFC180  }
0x1d4: {  	[tilespmem:s6], [sflag:$0x2] =	stream.indirect.gather [hbm4b:s8+s29], $0x80, s24, s29, $0xb8;
	[tilespmem:$0x1E080] =	vst v63  }
0x1d5: {  	_ =	swait.ge [sflag:s25], $0x3E80  }
0x1d6: {  	[sflag:s25] =	ssyncset.done $0x0  }
0x1d7: {  	s24 =	sadd.s32 $0x2700, s23;
	[sflag:s25] =	ssyncadd.s32 $0xFFFFC180  }
0x1d8: {  	[spmem:s11] =	stream.indirect.scatter.add.f32 [tilespmem:s30], [sflag:$0x3], $0x80, s24, s29, $0xb8;
	[tilespmem:$0x1E080] =	vst v63  }
0x1d9: {  	_ =	swait.ge [sflag:s7], $0x3E80  }
0x1da: {  	[sflag:s7] =	ssyncset.done $0x0  }
.Ltmp8:
0x1db: {  	s24 =	sadd.s32 $0x1400, s23;
	[sflag:s7] =	ssyncadd.s32 $0xFFFFC180;
	(pc) =	sbr.rel @p4 .LBB2_5-.Ltmp8, $4  }
0x1dc: {  	[tilespmem:s30], [sflag:$0x1] =	stream.indirect.gather [hbm4b:s8+s29], $0x80, s24, s29, $0xb8;
	[tilespmem:$0x1E080] =	vst v63  }
0x1dd: {  	_ =	swait.ge [sflag:s10], $0x3E80  }
0x1de: {  	[sflag:s10] =	ssyncset.done $0x0  }
0x1df: {  	s23 =	sadd.s32 $0x2780, s23;
	[sflag:s10] =	ssyncadd.s32 $0xFFFFC180  }
0x1e0: {  	[spmem:s11] =	stream.indirect.scatter.add.f32 [tilespmem:s6], [sflag:$0x4], $0x80, s23, s29, $0xb8;
	[tilespmem:$0x1E080] =	vst v63  }
0x1e1: {  	_ =	swait.ge [sflag:s13], $0x3E80  }
0x1e2: {  	[sflag:s13] =	ssyncset.done $0x0  }
0x1e3: {  	[sflag:s13] =	ssyncadd.s32 $0xFFFFC180  }
0x1e4: {  	[tilespmem:s6], [sflag:$0x2] =	stream.indirect.gather [hbm4b:s8+s29], $0x80, s14, s29, $0xb8;
	[tilespmem:$0x1E080] =	vst v63  }
0x1e5: {  	_ =	swait.ge [sflag:s25], $0x3E80  }
0x1e6: {  	[sflag:s25] =	ssyncset.done $0x0  }
0x1e7: {  	[sflag:s25] =	ssyncadd.s32 $0xFFFFC180  }
0x1e8: {  	[spmem:s11] =	stream.indirect.scatter.add.f32 [tilespmem:s30], [sflag:$0x3], $0x80, s1, s29, $0xb8;
	[tilespmem:$0x1E080] =	vst v63  }
0x1e9: {  	_ =	swait.ge [sflag:s10], $0x3E80  }
0x1ea: {  	[sflag:s10] =	ssyncset.done $0x0  }
0x1eb: {  	[sflag:s10] =	ssyncadd.s32 $0xFFFFC180  }
0x1ec: {  	[spmem:s11] =	stream.indirect.scatter.add.f32 [tilespmem:s6], [sflag:$0x4], $0x80, s2, s29, $0xb8;
	[tilespmem:$0x1E080] =	vst v63  }
0x1ed: {  	_ =	swait.ge [sflag:s7], $0x3E80  }
0x1ee: {  	[sflag:s7] =	ssyncset.done $0x0  }
0x1ef: {  	[sflag:s7] =	ssyncadd.s32 $0xFFFFC180  }
0x1f0: {  	_ =	swait.ge [sflag:s13], $0x3E80  }
0x1f1: {  	[sflag:s13] =	ssyncset.done $0x0  }
0x1f2: {  	[sflag:s13] =	ssyncadd.s32 $0xFFFFC180  }
0x1f3: {  	[bflag:$0x0] =	sbarrier.arrive $0xFFFF  }
0x1f4: {  	s31 =	rddreg [dreg:$0x10]  }
0x1f5: {  	[hbm:s31], [sflag:s5] =	dma.local [spmem:s16], $0x500  }
0x1f6: {  	s16 =	rddreg [dreg:$0x11]  }
0x1f7: {  	[hbm:s16], [sflag:s5] =	dma.local [spmem:s17], $0x500  }
0x1f8: {  	s16 =	rddreg [dreg:$0x12]  }
0x1f9: {  	[hbm:s16], [sflag:s5] =	dma.local [spmem:s18], $0x500  }
0x1fa: {  	s16 =	rddreg [dreg:$0x13]  }
0x1fb: {  	[hbm:s16], [sflag:s5] =	dma.local [spmem:s19], $0x500  }
0x1fc: {  	s16 =	rddreg [dreg:$0x14]  }
0x1fd: {  	[hbm:s16], [sflag:s5] =	dma.local [spmem:s20], $0x500  }
0x1fe: {  	s16 =	rddreg [dreg:$0x15]  }
0x1ff: {  	[hbm:s16], [sflag:s5] =	dma.local [spmem:s21], $0x500  }
0x200: {  	s16 =	rddreg [dreg:$0x16]  }
0x201: {  	[hbm:s16], [sflag:s5] =	dma.local [spmem:s22], $0x500  }
0x202: {  	s16 =	rddreg [dreg:$0x17]  }
0x203: {  	[hbm:s16], [sflag:s5] =	dma.local @!p1 [spmem:s4], $0x500  }
0x204: {  	_ =	swait.ge [sflag:s25], $0x500  }
0x205: {  	[sflag:s25] =	ssyncset.done $0x0  }
0x206: {  	[sflag:s25] =	ssyncadd.s32 $0xFFFFFB00  }
0x207: {  	_ =	swait.ge [sflag:s25], $0x500  }
0x208: {  	[sflag:s25] =	ssyncset.done $0x0  }
0x209: {  	[sflag:s25] =	ssyncadd.s32 $0xFFFFFB00  }
0x20a: {  	_ =	swait.ge [sflag:s25], $0x500  }
0x20b: {  	[sflag:s25] =	ssyncset.done $0x0  }
0x20c: {  	[sflag:s25] =	ssyncadd.s32 $0xFFFFFB00  }
0x20d: {  	_ =	swait.ge [sflag:s25], $0x500  }
0x20e: {  	[sflag:s25] =	ssyncset.done $0x0  }
0x20f: {  	[sflag:s25] =	ssyncadd.s32 $0xFFFFFB00  }
0x210: {  	_ =	swait.ge [sflag:s25], $0x500  }
0x211: {  	[sflag:s25] =	ssyncset.done $0x0  }
0x212: {  	[sflag:s25] =	ssyncadd.s32 $0xFFFFFB00  }
0x213: {  	_ =	swait.ge [sflag:s25], $0x500  }
.Ltmp9:
0x214: {  	[sflag:s25] =	ssyncset.done $0x0;
	(pc) =	sbr.rel @p3 .LBB2_12-.Ltmp9, $4  }
.Ltmp10:
0x215: {  	[sflag:s25] =	ssyncadd.s32 $0xFFFFFB00;
	(pc) =	sbr.rel @!p3 .LBB2_13-.Ltmp10, $4  }
0x216: {  	_ =	swait.ge [sflag:s25], $0x500  }
0x217: {  	[sflag:s25] =	ssyncset.done $0x0  }
0x218: {  	[sflag:s25] =	ssyncadd.s32 $0xFFFFFB00  }
0x219: {  	_ = 	snop  }
.LBB2_14:
0x21a: {  	_ =	sfence.sel $0x180000  }
0x21b: {  	[bflag:$0x0] =	sbarrier.arrive $0xFFFF  }
0x21c: {  	_ =	strace $0x90000047  }
0x21d: {  	s0 =	stileid.u32;
	[bflag:$0x2] =	sbarrier.arrive $0xFFFF  }
0x21e: {  	p0 =	sne.s32 s0, $0x0;
	s0 =	rddreg [dreg:$0x3]  }
0x21f: {  	s0 =	sadd.s32 @!p0 $0x100000, s0  }
0x220: {  	[sflag:s0] =	ssyncadd.tile.s32 @!p0 $0x1;
	_ =	shalt  }
.Lfunc_end2:
_tile_overlayer_lowered:
.L_overlay_start_2:
0x221: {  	(tag) =	ssettag $0x2  }
0x222: {  	s0 =	rddreg [dreg:$0x0];
	s2 =	stileid.u32  }
0x223: {  	s1 =	rddreg [dreg:$0x1];
	p0 =	sne.s32 s2, $0x0  }
0x224: {  	s3 =	rddreg [dreg:$0x2];
	[bflag:$0x3] =	sbarrier.arrive $0xFFFF;
	s2 =	simm.s32 @!p0 $0x1C05  }
0x225: {  	[timem:s3], [sflag:s2] =	dma.local @!p0 [hbm:s0], s1  }
0x226: {  	s0 =	simm.s32 @!p0 $0x5  }
0x227: {  	_ =	swait.ge @!p0 [sflag:s0], s1  }
0x228: {  	s1 =	ssub.s32 @!p0 $0x0, s1;
	[sflag:s0] =	ssyncset.done @!p0 $0x0  }
0x229: {  	[sflag:s0] =	ssyncadd.s32 @!p0 s1  }
0x22a: {  	[bflag:$0x3] =	sbarrier.arrive $0xFFFF  }
0x22b: {  	_ =	shalt  }

</sc_bundles>
